<compile_context>
chip_gen: v7x
topology: tpu7x:2x2x1
jax: 0.10.2.dev20260603
libtpu: 0.0.44.dev20260713+nightly
codegen_flags: <defaults>
</compile_context>

<pallas_src>
import functools

import jax
import jax.numpy as jnp
from jax import lax
from jax.experimental import pallas as pl
from jax.experimental.pallas import tpu as pltpu
from jax.experimental.pallas import tpu_sc as plsc

N = 10000
E = 320000
D = 128

NC = 2
NS = 16
NW = NC * NS

C = 128
N_PAD = 10240
E_PAD = 327680
EPT = E_PAD // NW
CHUNKS_MSG = EPT // C
ROWS_PER_SUB = N_PAD // NS

_mesh = plsc.VectorSubcoreMesh(core_axis_name="c", subcore_axis_name="s")

EPS = E_PAD // NS
CHUNKS_DEG = EPS // C


def _sc_degree_body(ei_hbm, out_hbm, idx_v, ones_v, zstage, dacc):
    cid = lax.axis_index("c")
    sid = lax.axis_index("s")

    def fill_ones(i, carry):
        for k in range(8):
            ones_v[i, pl.ds(16 * k, 16)] = jnp.full((16,), 1.0, jnp.float32)
        return carry

    lax.fori_loop(0, C, fill_ones, 0)

    def fill_zero(i, carry):
        for k in range(8):
            zstage[i, pl.ds(16 * k, 16)] = jnp.zeros((16,), jnp.float32)
        return carry

    lax.fori_loop(0, 64, fill_zero, 0)

    def zero_chunk(cch, carry):
        pltpu.sync_copy(zstage,
                        dacc.at[pl.ds(sid * ROWS_PER_SUB + cch * 64, 64)])
        return carry

    lax.fori_loop(0, ROWS_PER_SUB // 64, zero_chunk, 0)
    plsc.subcore_barrier()

    def edge_loop(row):
        def chunk(j, carry):
            pltpu.sync_copy(ei_hbm.at[row, sid * CHUNKS_DEG + j], idx_v)
            pltpu.sync_copy(ones_v, dacc.at[idx_v], add=True)
            return carry

        lax.fori_loop(0, CHUNKS_DEG, chunk, 0)

    @pl.when(cid == 0)
    def _():
        edge_loop(0)

    @pl.when(cid == 1)
    def _():
        edge_loop(1)

    plsc.subcore_barrier()
    pltpu.sync_copy(dacc.at[pl.ds(sid * ROWS_PER_SUB, ROWS_PER_SUB)],
                    out_hbm.at[cid, pl.ds(sid * ROWS_PER_SUB, ROWS_PER_SUB)])


_sc_degree = pl.kernel(
    _sc_degree_body,
    out_type=jax.ShapeDtypeStruct((NC, N_PAD, D), jnp.float32),
    mesh=_mesh,
    scratch_types=[
        pltpu.VMEM((C,), jnp.int32),
        pltpu.VMEM((C, D), jnp.float32),
        pltpu.VMEM((64, D), jnp.float32),
        pltpu.VMEM_SHARED((N_PAD, D), jnp.float32),
    ],
)


def _sc_msgpass_body(h_hbm, ei_hbm, zeros_hbm, out_hbm, srcs, dsts_pre, rows,
                     acc, semg0, semg1, *, srow=0, drow=1):
    cid = lax.axis_index("c")
    sid = lax.axis_index("s")
    wid = sid * NC + cid
    pltpu.sync_copy(zeros_hbm.at[pl.ds(sid * ROWS_PER_SUB, ROWS_PER_SUB)],
                    acc.at[pl.ds(sid * ROWS_PER_SUB, ROWS_PER_SUB)])
    cb = wid * CHUNKS_MSG
    pltpu.sync_copy(ei_hbm.at[drow, pl.ds(cb, CHUNKS_MSG)], dsts_pre)
    plsc.subcore_barrier()

    sems = (semg0, semg1)

    def load_src(j, b):
        pltpu.sync_copy(ei_hbm.at[srow, cb + j], srcs.at[b])

    def start_gather(b):
        pltpu.async_copy(h_hbm.at[srcs.at[b]], rows.at[b], sems[b])

    def wait_gather(b):
        pltpu.make_async_copy(h_hbm.at[srcs.at[b]], rows.at[b], sems[b]).wait()

    def scatter(j, b):
        pltpu.sync_copy(rows.at[b], acc.at[dsts_pre.at[j]], add=True)

    load_src(0, 0)
    start_gather(0)

    def pair(jj, carry):
        j0 = 2 * jj
        load_src(j0 + 1, 1)
        start_gather(1)
        wait_gather(0)
        scatter(j0, 0)

        @pl.when(jj + 1 < CHUNKS_MSG // 2)
        def _():
            load_src(j0 + 2, 0)
            start_gather(0)

        wait_gather(1)
        scatter(j0 + 1, 1)
        return carry

    lax.fori_loop(0, CHUNKS_MSG // 2, pair, 0)
    plsc.subcore_barrier()
    pltpu.sync_copy(acc.at[pl.ds(sid * ROWS_PER_SUB, ROWS_PER_SUB)],
                    out_hbm.at[cid, pl.ds(sid * ROWS_PER_SUB, ROWS_PER_SUB)])


def _make_sc_msgpass(srow, drow):
    return pl.kernel(
        functools.partial(_sc_msgpass_body, srow=srow, drow=drow),
        out_type=jax.ShapeDtypeStruct((NC, N_PAD, D), jnp.float32),
        mesh=_mesh,
        scratch_types=[
            pltpu.VMEM((2, C), jnp.int32),
            pltpu.VMEM((CHUNKS_MSG, C), jnp.int32),
            pltpu.VMEM((2, C, D), jnp.float32),
            pltpu.VMEM_SHARED((N_PAD, D), jnp.float32),
            pltpu.SemaphoreType.DMA,
            pltpu.SemaphoreType.DMA,
        ],
    )


_sc_msgpass = _make_sc_msgpass(0, 1)

_BLK = 1024
_GRID = N_PAD // _BLK


def _tc_prescale_body(x_ref, deg_ref, o_ref):
    o_ref[...] = x_ref[...] * lax.rsqrt(jnp.maximum(deg_ref[0], 1.0))


_tc_prescale = pl.pallas_call(
    _tc_prescale_body,
    grid=(_GRID,),
    in_specs=[
        pl.BlockSpec((_BLK, D), lambda i: (i, 0)),
        pl.BlockSpec((NC, _BLK, D), lambda i: (0, i, 0)),
    ],
    out_specs=pl.BlockSpec((_BLK, D), lambda i: (i, 0)),
    out_shape=jax.ShapeDtypeStruct((N_PAD, D), jnp.float32),
)


def _tc_layer_body(p_ref, deg_ref, w_ref, b_ref, o_ref, *, last):
    m = (p_ref[0] + p_ref[1]) * lax.rsqrt(jnp.maximum(deg_ref[1], 1.0))
    y = jnp.dot(m, w_ref[...], preferred_element_type=jnp.float32) + b_ref[...]
    if last:
        o_ref[...] = jnp.max(y, axis=1, keepdims=True)
    else:
        o_ref[...] = jnp.maximum(y, 0.0) * lax.rsqrt(
            jnp.maximum(deg_ref[0], 1.0))


def _make_tc_layer(last):
    return pl.pallas_call(
        functools.partial(_tc_layer_body, last=last),
        grid=(_GRID,),
        in_specs=[
            pl.BlockSpec((NC, _BLK, D), lambda i: (0, i, 0)),
            pl.BlockSpec((NC, _BLK, D), lambda i: (0, i, 0)),
            pl.BlockSpec((D, D), lambda i: (0, 0)),
            pl.BlockSpec((1, D), lambda i: (0, 0)),
        ],
        out_specs=pl.BlockSpec((_BLK, 1 if last else D), lambda i: (i, 0)),
        out_shape=jax.ShapeDtypeStruct((N_PAD, 1 if last else D), jnp.float32),
    )


_tc_layer_mid = _make_tc_layer(last=False)
_tc_layer_last = _make_tc_layer(last=True)


def kernel(x, edge_index, W1, b1, W2, b2, W3, b3, W4, b4):
    ei = jnp.concatenate(
        [edge_index, jnp.full((2, E_PAD - E), N, dtype=jnp.int32)],
        axis=1).reshape(2, E_PAD // C, C)
    x_pad = jnp.concatenate(
        [x, jnp.zeros((N_PAD - N, D), dtype=jnp.float32)], axis=0)
    zeros128 = jnp.zeros((N_PAD, D), dtype=jnp.float32)

    deg = _sc_degree(ei)
    h = _tc_prescale(x_pad, deg)
    for w, b, last in ((W1, b1, False), (W2, b2, False), (W3, b3, False),
                       (W4, b4, True)):
        p = _sc_msgpass(h, ei, zeros128)
        layer = _tc_layer_last if last else _tc_layer_mid
        h = layer(p, deg, w, b.reshape(1, D))
    return h[:N, 0]

# --- scband reference (transcript-rebuilt; emitter-appended) ---
"""Pipeline reference for scband-gcn-6932077216406 (READ-ONLY COPY).

The authoritative reference and input builder live on the scoring server;
editing this copy changes nothing except your own understanding.
"""

import jax, jax.numpy as jnp
import numpy as np

N = 10000
E = 320000
D_IN = 128
D_HID = 128
D_OUT = 128


def graph_conv(x, src, dst, W, b):
    # DGL GraphConv with norm='both': D^{-1/2} A D^{-1/2} X W + b
    ones = jnp.ones((src.shape[0],), dtype=x.dtype)
    deg_out = jnp.clip(jax.ops.segment_sum(ones, src, num_segments=N), 1.0, None)
    deg_in = jnp.clip(jax.ops.segment_sum(ones, dst, num_segments=N), 1.0, None)
    h = x * (deg_out ** -0.5)[:, None]
    m = jax.ops.segment_sum(h[src], dst, num_segments=N)
    m = m * (deg_in ** -0.5)[:, None]
    return m @ W + b


def setup_inputs(seed: int = 0) -> dict:
    key = jax.random.key(seed)
    ks = jax.random.split(key, 12)
    x = jax.random.normal(ks[0], (N, D_IN), dtype=jnp.float32)
    edge_index = jax.random.randint(ks[1], (2, E), 0, N, dtype=jnp.int32)
    s1 = 1.0 / np.sqrt(D_IN)
    s2 = 1.0 / np.sqrt(D_HID)
    W1 = jax.random.normal(ks[2], (D_IN, D_HID), dtype=jnp.float32) * s1
    b1 = jnp.zeros((D_HID,), dtype=jnp.float32)
    W2 = jax.random.normal(ks[3], (D_HID, D_HID), dtype=jnp.float32) * s2
    b2 = jnp.zeros((D_HID,), dtype=jnp.float32)
    W3 = jax.random.normal(ks[4], (D_HID, D_HID), dtype=jnp.float32) * s2
    b3 = jnp.zeros((D_HID,), dtype=jnp.float32)
    W4 = jax.random.normal(ks[5], (D_HID, D_OUT), dtype=jnp.float32) * s2
    b4 = jnp.zeros((D_OUT,), dtype=jnp.float32)
    return {"x": x, "edge_index": edge_index, "W1": W1, "b1": b1, "W2": W2, "b2": b2, "W3": W3, "b3": b3, "W4": W4, "b4": b4}


def reference(x, edge_index, W1, b1, W2, b2, W3, b3, W4, b4):
    src = edge_index[0]
    dst = edge_index[1]
    h = jax.nn.relu(graph_conv(x, src, dst, W1, b1))
    h = jax.nn.relu(graph_conv(h, src, dst, W2, b2))
    h = jax.nn.relu(graph_conv(h, src, dst, W3, b3))
    h = graph_conv(h, src, dst, W4, b4)
    out = jnp.max(h, axis=1)
    return out

if __name__ == "__main__":
    import jax
    _d = setup_inputs()
    print(jax.jit(kernel)(*tuple(_d.values())))

</pallas_src>

<mosaic_0001>
#map = affine_map<(d0, d1) -> (0, 0)>
#map1 = affine_map<(d0, d1) -> (0, 0, 0)>
module attributes {stable_mosaic.version = 14 : i64} {
  func.func @_sc_msgpass_body(%arg0: i32, %arg1: i32, %arg2: memref<10240x128xf32, #tpu.memory_space<hbm>>, %arg3: memref<2x2560x128xi32, #tpu.memory_space<hbm>>, %arg4: memref<10240x128xf32, #tpu.memory_space<hbm>>, %arg5: memref<2x10240x128xf32, #tpu.memory_space<hbm>>, %arg6: memref<2x128xi32, #tpu.memory_space<vmem>>, %arg7: memref<80x128xi32, #tpu.memory_space<vmem>>, %arg8: memref<2x128x128xf32, #tpu.memory_space<vmem>>, %arg9: memref<10240x128xf32, #tpu.memory_space<vmem_shared>>, %arg10: memref<!tpu.dma_semaphore, #tpu.memory_space<semaphore_mem>>, %arg11: memref<!tpu.dma_semaphore, #tpu.memory_space<semaphore_mem>>) attributes {dimension_semantics = [#tpu.dimension_semantics<core_parallel>, #tpu.dimension_semantics<subcore_parallel>], iteration_bounds = array<i64: 2, 16>, scalar_prefetch = 0 : i64, scratch_operands = 6 : i64, tpu.core_type = #tpu.core_type<sc_vector_subcore>, window_params = [{transform_indices = #map}, {transform_indices = #map1}, {transform_indices = #map}, {transform_indices = #map1}]} {
    %mul3A = arith.constant 2 : i32
    %mul3A_0 = arith.muli %arg1, %mul3A : i32
    %add3A = arith.addi %mul3A_0, %arg0 : i32
    %mul3A_1 = arith.constant 640 : i32
    %mul3A_2 = arith.muli %arg1, %mul3A_1 : i32
    %mul3A_3 = arith.constant 640 : i32
    %mul3A_4 = arith.muli %arg1, %mul3A_3 : i32
    "tpu.region"() ({
      %run_scoped3A_32 = tpu.sem_alloc : memref<!tpu.dma_semaphore, #tpu.memory_space<semaphore_mem>>
      %dma_start3A_33 = arith.constant 0 : i32
      %dma_start3A_34 = tpu.memref_slice %arg9[%mul3A_4, %dma_start3A_33] : memref<10240x128xf32, #tpu.memory_space<vmem_shared>> -> memref<640x128xf32, #tpu.memory_space<vmem_shared>>
      %dma_start3A_35 = arith.constant 0 : i32
      %dma_start3A_36 = tpu.memref_slice %arg4[%mul3A_2, %dma_start3A_35] : memref<10240x128xf32, #tpu.memory_space<hbm>> -> memref<640x128xf32, #tpu.memory_space<hbm>>
      tpu.enqueue_dma source(%dma_start3A_36 : memref<640x128xf32, #tpu.memory_space<hbm>>) target(%dma_start3A_34 : memref<640x128xf32, #tpu.memory_space<vmem_shared>>) target_semaphore(%run_scoped3A_32 : memref<!tpu.dma_semaphore, #tpu.memory_space<semaphore_mem>>)
      %dma_wait3A = arith.constant 0 : i32
      %dma_wait3A_37 = tpu.memref_slice %arg9[%mul3A_4, %dma_wait3A] : memref<10240x128xf32, #tpu.memory_space<vmem_shared>> -> memref<640x128xf32, #tpu.memory_space<vmem_shared>>
      %dma_wait3A_38 = arith.constant 0 : i32
      %dma_wait3A_39 = tpu.memref_slice %arg4[%mul3A_2, %dma_wait3A_38] : memref<10240x128xf32, #tpu.memory_space<hbm>> -> memref<640x128xf32, #tpu.memory_space<hbm>>
      tpu.wait_dma2 semaphore(%run_scoped3A_32 : memref<!tpu.dma_semaphore, #tpu.memory_space<semaphore_mem>>) src(%dma_wait3A_39 : memref<640x128xf32, #tpu.memory_space<hbm>>) dst(%dma_wait3A_37 : memref<640x128xf32, #tpu.memory_space<vmem_shared>>)
      tpu.yield
    }) : () -> ()
    %mul3A_5 = arith.constant 80 : i32
    %mul3A_6 = arith.muli %add3A, %mul3A_5 : i32
    %run_scoped3A = arith.constant 1 : i32
    "tpu.region"() ({
      %run_scoped3A_32 = tpu.sem_alloc : memref<!tpu.dma_semaphore, #tpu.memory_space<semaphore_mem>>
      %dma_start3A_33 = arith.constant 0 : i32
      %dma_start3A_34 = tpu.memref_slice %arg3[%run_scoped3A, %mul3A_6, %dma_start3A_33] : memref<2x2560x128xi32, #tpu.memory_space<hbm>> -> memref<1x80x128xi32, #tpu.memory_space<hbm>>
      %dma_start3A_35 = tpu.memref_squeeze %dma_start3A_34 : memref<1x80x128xi32, #tpu.memory_space<hbm>> -> memref<80x128xi32, #tpu.memory_space<hbm>>
      %dma_start3A_36 = arith.constant 0 : i32
      %dma_start3A_37 = tpu.memref_slice %arg3[%run_scoped3A, %mul3A_6, %dma_start3A_36] : memref<2x2560x128xi32, #tpu.memory_space<hbm>> -> memref<1x80x128xi32, #tpu.memory_space<hbm>>
      %dma_start3A_38 = tpu.memref_squeeze %dma_start3A_37 : memref<1x80x128xi32, #tpu.memory_space<hbm>> -> memref<80x128xi32, #tpu.memory_space<hbm>>
      tpu.enqueue_dma source(%dma_start3A_38 : memref<80x128xi32, #tpu.memory_space<hbm>>) target(%arg7 : memref<80x128xi32, #tpu.memory_space<vmem>>) target_semaphore(%run_scoped3A_32 : memref<!tpu.dma_semaphore, #tpu.memory_space<semaphore_mem>>)
      %dma_wait3A = arith.constant 0 : i32
      %dma_wait3A_39 = tpu.memref_slice %arg3[%run_scoped3A, %mul3A_6, %dma_wait3A] : memref<2x2560x128xi32, #tpu.memory_space<hbm>> -> memref<1x80x128xi32, #tpu.memory_space<hbm>>
      %dma_wait3A_40 = tpu.memref_squeeze %dma_wait3A_39 : memref<1x80x128xi32, #tpu.memory_space<hbm>> -> memref<80x128xi32, #tpu.memory_space<hbm>>
      %dma_wait3A_41 = arith.constant 0 : i32
      %dma_wait3A_42 = tpu.memref_slice %arg3[%run_scoped3A, %mul3A_6, %dma_wait3A_41] : memref<2x2560x128xi32, #tpu.memory_space<hbm>> -> memref<1x80x128xi32, #tpu.memory_space<hbm>>
      %dma_wait3A_43 = tpu.memref_squeeze %dma_wait3A_42 : memref<1x80x128xi32, #tpu.memory_space<hbm>> -> memref<80x128xi32, #tpu.memory_space<hbm>>
      tpu.wait_dma2 semaphore(%run_scoped3A_32 : memref<!tpu.dma_semaphore, #tpu.memory_space<semaphore_mem>>) src(%dma_wait3A_43 : memref<80x128xi32, #tpu.memory_space<hbm>>) dst(%arg7 : memref<80x128xi32, #tpu.memory_space<vmem>>)
      tpu.yield
    }) : () -> ()
    %barrier3A = arith.constant 0 : index
    tpu.barrier barrier_id(%barrier3A)
    %add3A_7 = arith.constant 0 : i32
    %add3A_8 = arith.addi %mul3A_6, %add3A_7 : i32
    %run_scoped3A_9 = arith.constant 0 : i32
    %run_scoped3A_10 = arith.constant 0 : i32
    "tpu.region"() ({
      %run_scoped3A_32 = tpu.sem_alloc : memref<!tpu.dma_semaphore, #tpu.memory_space<semaphore_mem>>
      %dma_start3A_33 = arith.constant 0 : i32
      %dma_start3A_34 = tpu.memref_slice %arg6[%run_scoped3A_10, %dma_start3A_33] : memref<2x128xi32, #tpu.memory_space<vmem>> -> memref<1x128xi32, #tpu.memory_space<vmem>>
      %dma_start3A_35 = tpu.memref_squeeze %dma_start3A_34 : memref<1x128xi32, #tpu.memory_space<vmem>> -> memref<128xi32, #tpu.memory_space<vmem>>
      %dma_start3A_36 = arith.constant 0 : i32
      %dma_start3A_37 = tpu.memref_slice %arg3[%run_scoped3A_9, %add3A_8, %dma_start3A_36] : memref<2x2560x128xi32, #tpu.memory_space<hbm>> -> memref<1x1x128xi32, #tpu.memory_space<hbm>>
      %dma_start3A_38 = tpu.memref_squeeze %dma_start3A_37 : memref<1x1x128xi32, #tpu.memory_space<hbm>> -> memref<128xi32, #tpu.memory_space<hbm>>
      %dma_start3A_39 = arith.constant 0 : i32
      %dma_start3A_40 = tpu.memref_slice %arg6[%run_scoped3A_10, %dma_start3A_39] : memref<2x128xi32, #tpu.memory_space<vmem>> -> memref<1x128xi32, #tpu.memory_space<vmem>>
      %dma_start3A_41 = tpu.memref_squeeze %dma_start3A_40 : memref<1x128xi32, #tpu.memory_space<vmem>> -> memref<128xi32, #tpu.memory_space<vmem>>
      %dma_start3A_42 = arith.constant 0 : i32
      %dma_start3A_43 = tpu.memref_slice %arg3[%run_scoped3A_9, %add3A_8, %dma_start3A_42] : memref<2x2560x128xi32, #tpu.memory_space<hbm>> -> memref<1x1x128xi32, #tpu.memory_space<hbm>>
      %dma_start3A_44 = tpu.memref_squeeze %dma_start3A_43 : memref<1x1x128xi32, #tpu.memory_space<hbm>> -> memref<128xi32, #tpu.memory_space<hbm>>
      tpu.enqueue_dma source(%dma_start3A_44 : memref<128xi32, #tpu.memory_space<hbm>>) target(%dma_start3A_41 : memref<128xi32, #tpu.memory_space<vmem>>) target_semaphore(%run_scoped3A_32 : memref<!tpu.dma_semaphore, #tpu.memory_space<semaphore_mem>>)
      %dma_wait3A = arith.constant 0 : i32
      %dma_wait3A_45 = tpu.memref_slice %arg6[%run_scoped3A_10, %dma_wait3A] : memref<2x128xi32, #tpu.memory_space<vmem>> -> memref<1x128xi32, #tpu.memory_space<vmem>>
      %dma_wait3A_46 = tpu.memref_squeeze %dma_wait3A_45 : memref<1x128xi32, #tpu.memory_space<vmem>> -> memref<128xi32, #tpu.memory_space<vmem>>
      %dma_wait3A_47 = arith.constant 0 : i32
      %dma_wait3A_48 = tpu.memref_slice %arg3[%run_scoped3A_9, %add3A_8, %dma_wait3A_47] : memref<2x2560x128xi32, #tpu.memory_space<hbm>> -> memref<1x1x128xi32, #tpu.memory_space<hbm>>
      %dma_wait3A_49 = tpu.memref_squeeze %dma_wait3A_48 : memref<1x1x128xi32, #tpu.memory_space<hbm>> -> memref<128xi32, #tpu.memory_space<hbm>>
      %dma_wait3A_50 = arith.constant 0 : i32
      %dma_wait3A_51 = tpu.memref_slice %arg6[%run_scoped3A_10, %dma_wait3A_50] : memref<2x128xi32, #tpu.memory_space<vmem>> -> memref<1x128xi32, #tpu.memory_space<vmem>>
      %dma_wait3A_52 = tpu.memref_squeeze %dma_wait3A_51 : memref<1x128xi32, #tpu.memory_space<vmem>> -> memref<128xi32, #tpu.memory_space<vmem>>
      %dma_wait3A_53 = arith.constant 0 : i32
      %dma_wait3A_54 = tpu.memref_slice %arg3[%run_scoped3A_9, %add3A_8, %dma_wait3A_53] : memref<2x2560x128xi32, #tpu.memory_space<hbm>> -> memref<1x1x128xi32, #tpu.memory_space<hbm>>
      %dma_wait3A_55 = tpu.memref_squeeze %dma_wait3A_54 : memref<1x1x128xi32, #tpu.memory_space<hbm>> -> memref<128xi32, #tpu.memory_space<hbm>>
      tpu.wait_dma2 semaphore(%run_scoped3A_32 : memref<!tpu.dma_semaphore, #tpu.memory_space<semaphore_mem>>) src(%dma_wait3A_55 : memref<128xi32, #tpu.memory_space<hbm>>) dst(%dma_wait3A_52 : memref<128xi32, #tpu.memory_space<vmem>>)
      tpu.yield
    }) : () -> ()
    %dma_start3A = arith.constant 0 : i32
    %dma_start3A_11 = arith.constant 0 : i32
    %dma_start3A_12 = arith.constant 0 : i32
    %dma_start3A_13 = arith.constant 0 : i32
    %dma_start3A_14 = tpu.memref_slice %arg8[%dma_start3A_11, %dma_start3A_12, %dma_start3A_13] : memref<2x128x128xf32, #tpu.memory_space<vmem>> -> memref<1x128x128xf32, #tpu.memory_space<vmem>>
    %dma_start3A_15 = tpu.memref_squeeze %dma_start3A_14 : memref<1x128x128xf32, #tpu.memory_space<vmem>> -> memref<128x128xf32, #tpu.memory_space<vmem>>
    %dma_start3A_16 = arith.constant 0 : i32
    %dma_start3A_17 = tpu.memref_slice %arg6[%dma_start3A, %dma_start3A_16] : memref<2x128xi32, #tpu.memory_space<vmem>> -> memref<1x128xi32, #tpu.memory_space<vmem>>
    %dma_start3A_18 = tpu.memref_squeeze %dma_start3A_17 : memref<1x128xi32, #tpu.memory_space<vmem>> -> memref<128xi32, #tpu.memory_space<vmem>>
    %dma_start3A_19 = arith.constant 0 : i32
    %dma_start3A_20 = arith.constant 0 : i32
    %dma_start3A_21 = tpu.memref_slice %arg2[%dma_start3A_19, %dma_start3A_20] : memref<10240x128xf32, #tpu.memory_space<hbm>> -> memref<10240x128xf32, #tpu.memory_space<hbm>>
    tpu.enqueue_indirect_dma source(%dma_start3A_21 : memref<10240x128xf32, #tpu.memory_space<hbm>>) target(%dma_start3A_15 : memref<128x128xf32, #tpu.memory_space<vmem>>) offsets(%dma_start3A_18 : memref<128xi32, #tpu.memory_space<vmem>>) semaphore(%arg10 : memref<!tpu.dma_semaphore, #tpu.memory_space<semaphore_mem>>)
    %scan3A = arith.constant 0 : i32
    %scan3A_22 = arith.constant 0 : i32
    %scan3A_23 = arith.constant 40 : i32
    %scan3A_24 = arith.addi %scan3A_22, %scan3A_23 : i32
    %scan3A_25 = arith.constant 1 : i32
    scf.for %scan3A_32 = %scan3A_22 to %scan3A_24 step %scan3A_25  : i32 {
      %mul3A_33 = arith.constant 2 : i32
      %mul3A_34 = arith.muli %mul3A_33, %scan3A_32 : i32
      %add3A_35 = arith.constant 1 : i32
      %add3A_36 = arith.addi %mul3A_34, %add3A_35 : i32
      %add3A_37 = arith.addi %mul3A_6, %add3A_36 : i32
      %run_scoped3A_38 = arith.constant 0 : i32
      %run_scoped3A_39 = arith.constant 1 : i32
      "tpu.region"() ({
        %run_scoped3A_83 = tpu.sem_alloc : memref<!tpu.dma_semaphore, #tpu.memory_space<semaphore_mem>>
        %dma_start3A_84 = arith.constant 0 : i32
        %dma_start3A_85 = tpu.memref_slice %arg6[%run_scoped3A_39, %dma_start3A_84] : memref<2x128xi32, #tpu.memory_space<vmem>> -> memref<1x128xi32, #tpu.memory_space<vmem>>
        %dma_start3A_86 = tpu.memref_squeeze %dma_start3A_85 : memref<1x128xi32, #tpu.memory_space<vmem>> -> memref<128xi32, #tpu.memory_space<vmem>>
        %dma_start3A_87 = arith.constant 0 : i32
        %dma_start3A_88 = tpu.memref_slice %arg3[%run_scoped3A_38, %add3A_37, %dma_start3A_87] : memref<2x2560x128xi32, #tpu.memory_space<hbm>> -> memref<1x1x128xi32, #tpu.memory_space<hbm>>
        %dma_start3A_89 = tpu.memref_squeeze %dma_start3A_88 : memref<1x1x128xi32, #tpu.memory_space<hbm>> -> memref<128xi32, #tpu.memory_space<hbm>>
        %dma_start3A_90 = arith.constant 0 : i32
        %dma_start3A_91 = tpu.memref_slice %arg6[%run_scoped3A_39, %dma_start3A_90] : memref<2x128xi32, #tpu.memory_space<vmem>> -> memref<1x128xi32, #tpu.memory_space<vmem>>
        %dma_start3A_92 = tpu.memref_squeeze %dma_start3A_91 : memref<1x128xi32, #tpu.memory_space<vmem>> -> memref<128xi32, #tpu.memory_space<vmem>>
        %dma_start3A_93 = arith.constant 0 : i32
        %dma_start3A_94 = tpu.memref_slice %arg3[%run_scoped3A_38, %add3A_37, %dma_start3A_93] : memref<2x2560x128xi32, #tpu.memory_space<hbm>> -> memref<1x1x128xi32, #tpu.memory_space<hbm>>
        %dma_start3A_95 = tpu.memref_squeeze %dma_start3A_94 : memref<1x1x128xi32, #tpu.memory_space<hbm>> -> memref<128xi32, #tpu.memory_space<hbm>>
        tpu.enqueue_dma source(%dma_start3A_95 : memref<128xi32, #tpu.memory_space<hbm>>) target(%dma_start3A_92 : memref<128xi32, #tpu.memory_space<vmem>>) target_semaphore(%run_scoped3A_83 : memref<!tpu.dma_semaphore, #tpu.memory_space<semaphore_mem>>)
        %dma_wait3A_96 = arith.constant 0 : i32
        %dma_wait3A_97 = tpu.memref_slice %arg6[%run_scoped3A_39, %dma_wait3A_96] : memref<2x128xi32, #tpu.memory_space<vmem>> -> memref<1x128xi32, #tpu.memory_space<vmem>>
        %dma_wait3A_98 = tpu.memref_squeeze %dma_wait3A_97 : memref<1x128xi32, #tpu.memory_space<vmem>> -> memref<128xi32, #tpu.memory_space<vmem>>
        %dma_wait3A_99 = arith.constant 0 : i32
        %dma_wait3A_100 = tpu.memref_slice %arg3[%run_scoped3A_38, %add3A_37, %dma_wait3A_99] : memref<2x2560x128xi32, #tpu.memory_space<hbm>> -> memref<1x1x128xi32, #tpu.memory_space<hbm>>
        %dma_wait3A_101 = tpu.memref_squeeze %dma_wait3A_100 : memref<1x1x128xi32, #tpu.memory_space<hbm>> -> memref<128xi32, #tpu.memory_space<hbm>>
        %dma_wait3A_102 = arith.constant 0 : i32
        %dma_wait3A_103 = tpu.memref_slice %arg6[%run_scoped3A_39, %dma_wait3A_102] : memref<2x128xi32, #tpu.memory_space<vmem>> -> memref<1x128xi32, #tpu.memory_space<vmem>>
        %dma_wait3A_104 = tpu.memref_squeeze %dma_wait3A_103 : memref<1x128xi32, #tpu.memory_space<vmem>> -> memref<128xi32, #tpu.memory_space<vmem>>
        %dma_wait3A_105 = arith.constant 0 : i32
        %dma_wait3A_106 = tpu.memref_slice %arg3[%run_scoped3A_38, %add3A_37, %dma_wait3A_105] : memref<2x2560x128xi32, #tpu.memory_space<hbm>> -> memref<1x1x128xi32, #tpu.memory_space<hbm>>
        %dma_wait3A_107 = tpu.memref_squeeze %dma_wait3A_106 : memref<1x1x128xi32, #tpu.memory_space<hbm>> -> memref<128xi32, #tpu.memory_space<hbm>>
        tpu.wait_dma2 semaphore(%run_scoped3A_83 : memref<!tpu.dma_semaphore, #tpu.memory_space<semaphore_mem>>) src(%dma_wait3A_107 : memref<128xi32, #tpu.memory_space<hbm>>) dst(%dma_wait3A_104 : memref<128xi32, #tpu.memory_space<vmem>>)
        tpu.yield
      }) : () -> ()
      %dma_start3A_40 = arith.constant 1 : i32
      %dma_start3A_41 = arith.constant 1 : i32
      %dma_start3A_42 = arith.constant 0 : i32
      %dma_start3A_43 = arith.constant 0 : i32
      %dma_start3A_44 = tpu.memref_slice %arg8[%dma_start3A_41, %dma_start3A_42, %dma_start3A_43] : memref<2x128x128xf32, #tpu.memory_space<vmem>> -> memref<1x128x128xf32, #tpu.memory_space<vmem>>
      %dma_start3A_45 = tpu.memref_squeeze %dma_start3A_44 : memref<1x128x128xf32, #tpu.memory_space<vmem>> -> memref<128x128xf32, #tpu.memory_space<vmem>>
      %dma_start3A_46 = arith.constant 0 : i32
      %dma_start3A_47 = tpu.memref_slice %arg6[%dma_start3A_40, %dma_start3A_46] : memref<2x128xi32, #tpu.memory_space<vmem>> -> memref<1x128xi32, #tpu.memory_space<vmem>>
      %dma_start3A_48 = tpu.memref_squeeze %dma_start3A_47 : memref<1x128xi32, #tpu.memory_space<vmem>> -> memref<128xi32, #tpu.memory_space<vmem>>
      %dma_start3A_49 = arith.constant 0 : i32
      %dma_start3A_50 = arith.constant 0 : i32
      %dma_start3A_51 = tpu.memref_slice %arg2[%dma_start3A_49, %dma_start3A_50] : memref<10240x128xf32, #tpu.memory_space<hbm>> -> memref<10240x128xf32, #tpu.memory_space<hbm>>
      tpu.enqueue_indirect_dma source(%dma_start3A_51 : memref<10240x128xf32, #tpu.memory_space<hbm>>) target(%dma_start3A_45 : memref<128x128xf32, #tpu.memory_space<vmem>>) offsets(%dma_start3A_48 : memref<128xi32, #tpu.memory_space<vmem>>) semaphore(%arg11 : memref<!tpu.dma_semaphore, #tpu.memory_space<semaphore_mem>>)
      %dma_wait3A = arith.constant 0 : i32
      %dma_wait3A_52 = arith.constant 0 : i32
      %dma_wait3A_53 = arith.constant 0 : i32
      %dma_wait3A_54 = arith.constant 0 : i32
      %dma_wait3A_55 = tpu.memref_slice %arg8[%dma_wait3A_52, %dma_wait3A_53, %dma_wait3A_54] : memref<2x128x128xf32, #tpu.memory_space<vmem>> -> memref<1x128x128xf32, #tpu.memory_space<vmem>>
      %dma_wait3A_56 = tpu.memref_squeeze %dma_wait3A_55 : memref<1x128x128xf32, #tpu.memory_space<vmem>> -> memref<128x128xf32, #tpu.memory_space<vmem>>
      %dma_wait3A_57 = arith.constant 0 : i32
      %dma_wait3A_58 = tpu.memref_slice %arg6[%dma_wait3A, %dma_wait3A_57] : memref<2x128xi32, #tpu.memory_space<vmem>> -> memref<1x128xi32, #tpu.memory_space<vmem>>
      %dma_wait3A_59 = tpu.memref_squeeze %dma_wait3A_58 : memref<1x128xi32, #tpu.memory_space<vmem>> -> memref<128xi32, #tpu.memory_space<vmem>>
      %dma_wait3A_60 = arith.constant 0 : i32
      %dma_wait3A_61 = arith.constant 0 : i32
      %dma_wait3A_62 = tpu.memref_slice %arg2[%dma_wait3A_60, %dma_wait3A_61] : memref<10240x128xf32, #tpu.memory_space<hbm>> -> memref<10240x128xf32, #tpu.memory_space<hbm>>
      tpu.wait_indirect_dma semaphore(%arg10 : memref<!tpu.dma_semaphore, #tpu.memory_space<semaphore_mem>>) src(%dma_wait3A_62 : memref<10240x128xf32, #tpu.memory_space<hbm>>) dst(%dma_wait3A_56 : memref<128x128xf32, #tpu.memory_space<vmem>>)
      %run_scoped3A_63 = arith.constant 0 : i32
      "tpu.region"() ({
        %run_scoped3A_83 = tpu.sem_alloc : memref<!tpu.dma_semaphore, #tpu.memory_space<semaphore_mem>>
        %dma_start3A_84 = arith.constant 0 : i32
        %dma_start3A_85 = arith.constant 0 : i32
        %dma_start3A_86 = tpu.memref_slice %arg8[%run_scoped3A_63, %dma_start3A_84, %dma_start3A_85] : memref<2x128x128xf32, #tpu.memory_space<vmem>> -> memref<1x128x128xf32, #tpu.memory_space<vmem>>
        %dma_start3A_87 = tpu.memref_squeeze %dma_start3A_86 : memref<1x128x128xf32, #tpu.memory_space<vmem>> -> memref<128x128xf32, #tpu.memory_space<vmem>>
        %dma_start3A_88 = arith.constant 0 : i32
        %dma_start3A_89 = tpu.memref_slice %arg7[%mul3A_34, %dma_start3A_88] : memref<80x128xi32, #tpu.memory_space<vmem>> -> memref<1x128xi32, #tpu.memory_space<vmem>>
        %dma_start3A_90 = tpu.memref_squeeze %dma_start3A_89 : memref<1x128xi32, #tpu.memory_space<vmem>> -> memref<128xi32, #tpu.memory_space<vmem>>
        %dma_start3A_91 = arith.constant 0 : i32
        %dma_start3A_92 = arith.constant 0 : i32
        %dma_start3A_93 = tpu.memref_slice %arg9[%dma_start3A_91, %dma_start3A_92] : memref<10240x128xf32, #tpu.memory_space<vmem_shared>> -> memref<10240x128xf32, #tpu.memory_space<vmem_shared>>
        tpu.enqueue_indirect_dma source(%dma_start3A_87 : memref<128x128xf32, #tpu.memory_space<vmem>>) target(%dma_start3A_93 : memref<10240x128xf32, #tpu.memory_space<vmem_shared>>) offsets(%dma_start3A_90 : memref<128xi32, #tpu.memory_space<vmem>>) semaphore(%run_scoped3A_83 : memref<!tpu.dma_semaphore, #tpu.memory_space<semaphore_mem>>) {add = true}
        %dma_wait3A_94 = arith.constant 0 : i32
        %dma_wait3A_95 = arith.constant 0 : i32
        %dma_wait3A_96 = tpu.memref_slice %arg8[%run_scoped3A_63, %dma_wait3A_94, %dma_wait3A_95] : memref<2x128x128xf32, #tpu.memory_space<vmem>> -> memref<1x128x128xf32, #tpu.memory_space<vmem>>
        %dma_wait3A_97 = tpu.memref_squeeze %dma_wait3A_96 : memref<1x128x128xf32, #tpu.memory_space<vmem>> -> memref<128x128xf32, #tpu.memory_space<vmem>>
        %dma_wait3A_98 = arith.constant 0 : i32
        %dma_wait3A_99 = tpu.memref_slice %arg7[%mul3A_34, %dma_wait3A_98] : memref<80x128xi32, #tpu.memory_space<vmem>> -> memref<1x128xi32, #tpu.memory_space<vmem>>
        %dma_wait3A_100 = tpu.memref_squeeze %dma_wait3A_99 : memref<1x128xi32, #tpu.memory_space<vmem>> -> memref<128xi32, #tpu.memory_space<vmem>>
        %dma_wait3A_101 = arith.constant 0 : i32
        %dma_wait3A_102 = arith.constant 0 : i32
        %dma_wait3A_103 = tpu.memref_slice %arg9[%dma_wait3A_101, %dma_wait3A_102] : memref<10240x128xf32, #tpu.memory_space<vmem_shared>> -> memref<10240x128xf32, #tpu.memory_space<vmem_shared>>
        tpu.wait_indirect_dma semaphore(%run_scoped3A_83 : memref<!tpu.dma_semaphore, #tpu.memory_space<semaphore_mem>>) src(%dma_wait3A_97 : memref<128x128xf32, #tpu.memory_space<vmem>>) dst(%dma_wait3A_103 : memref<10240x128xf32, #tpu.memory_space<vmem_shared>>)
        tpu.yield
      }) : () -> ()
      %add3A_64 = arith.constant 1 : i32
      %add3A_65 = arith.addi %scan3A_32, %add3A_64 : i32
      %lt3A = arith.constant 40 : i32
      %lt3A_66 = arith.cmpi slt, %add3A_65, %lt3A : i32
      %convert_element_type3A = arith.extui %lt3A_66 : i1 to i32
      %cond3A = arith.constant 0 : i32
      %cond3A_67 = arith.cmpi ne, %convert_element_type3A, %cond3A : i32
      scf.if %cond3A_67 {
        %add3A_83 = arith.constant 2 : i32
        %add3A_84 = arith.addi %mul3A_34, %add3A_83 : i32
        %add3A_85 = arith.addi %mul3A_6, %add3A_84 : i32
        %run_scoped3A_86 = arith.constant 0 : i32
        %run_scoped3A_87 = arith.constant 0 : i32
        "tpu.region"() ({
          %run_scoped3A_100 = tpu.sem_alloc : memref<!tpu.dma_semaphore, #tpu.memory_space<semaphore_mem>>
          %dma_start3A_101 = arith.constant 0 : i32
          %dma_start3A_102 = tpu.memref_slice %arg6[%run_scoped3A_87, %dma_start3A_101] : memref<2x128xi32, #tpu.memory_space<vmem>> -> memref<1x128xi32, #tpu.memory_space<vmem>>
          %dma_start3A_103 = tpu.memref_squeeze %dma_start3A_102 : memref<1x128xi32, #tpu.memory_space<vmem>> -> memref<128xi32, #tpu.memory_space<vmem>>
          %dma_start3A_104 = arith.constant 0 : i32
          %dma_start3A_105 = tpu.memref_slice %arg3[%run_scoped3A_86, %add3A_85, %dma_start3A_104] : memref<2x2560x128xi32, #tpu.memory_space<hbm>> -> memref<1x1x128xi32, #tpu.memory_space<hbm>>
          %dma_start3A_106 = tpu.memref_squeeze %dma_start3A_105 : memref<1x1x128xi32, #tpu.memory_space<hbm>> -> memref<128xi32, #tpu.memory_space<hbm>>
          %dma_start3A_107 = arith.constant 0 : i32
          %dma_start3A_108 = tpu.memref_slice %arg6[%run_scoped3A_87, %dma_start3A_107] : memref<2x128xi32, #tpu.memory_space<vmem>> -> memref<1x128xi32, #tpu.memory_space<vmem>>
          %dma_start3A_109 = tpu.memref_squeeze %dma_start3A_108 : memref<1x128xi32, #tpu.memory_space<vmem>> -> memref<128xi32, #tpu.memory_space<vmem>>
          %dma_start3A_110 = arith.constant 0 : i32
          %dma_start3A_111 = tpu.memref_slice %arg3[%run_scoped3A_86, %add3A_85, %dma_start3A_110] : memref<2x2560x128xi32, #tpu.memory_space<hbm>> -> memref<1x1x128xi32, #tpu.memory_space<hbm>>
          %dma_start3A_112 = tpu.memref_squeeze %dma_start3A_111 : memref<1x1x128xi32, #tpu.memory_space<hbm>> -> memref<128xi32, #tpu.memory_space<hbm>>
          tpu.enqueue_dma source(%dma_start3A_112 : memref<128xi32, #tpu.memory_space<hbm>>) target(%dma_start3A_109 : memref<128xi32, #tpu.memory_space<vmem>>) target_semaphore(%run_scoped3A_100 : memref<!tpu.dma_semaphore, #tpu.memory_space<semaphore_mem>>)
          %dma_wait3A_113 = arith.constant 0 : i32
          %dma_wait3A_114 = tpu.memref_slice %arg6[%run_scoped3A_87, %dma_wait3A_113] : memref<2x128xi32, #tpu.memory_space<vmem>> -> memref<1x128xi32, #tpu.memory_space<vmem>>
          %dma_wait3A_115 = tpu.memref_squeeze %dma_wait3A_114 : memref<1x128xi32, #tpu.memory_space<vmem>> -> memref<128xi32, #tpu.memory_space<vmem>>
          %dma_wait3A_116 = arith.constant 0 : i32
          %dma_wait3A_117 = tpu.memref_slice %arg3[%run_scoped3A_86, %add3A_85, %dma_wait3A_116] : memref<2x2560x128xi32, #tpu.memory_space<hbm>> -> memref<1x1x128xi32, #tpu.memory_space<hbm>>
          %dma_wait3A_118 = tpu.memref_squeeze %dma_wait3A_117 : memref<1x1x128xi32, #tpu.memory_space<hbm>> -> memref<128xi32, #tpu.memory_space<hbm>>
          %dma_wait3A_119 = arith.constant 0 : i32
          %dma_wait3A_120 = tpu.memref_slice %arg6[%run_scoped3A_87, %dma_wait3A_119] : memref<2x128xi32, #tpu.memory_space<vmem>> -> memref<1x128xi32, #tpu.memory_space<vmem>>
          %dma_wait3A_121 = tpu.memref_squeeze %dma_wait3A_120 : memref<1x128xi32, #tpu.memory_space<vmem>> -> memref<128xi32, #tpu.memory_space<vmem>>
          %dma_wait3A_122 = arith.constant 0 : i32
          %dma_wait3A_123 = tpu.memref_slice %arg3[%run_scoped3A_86, %add3A_85, %dma_wait3A_122] : memref<2x2560x128xi32, #tpu.memory_space<hbm>> -> memref<1x1x128xi32, #tpu.memory_space<hbm>>
          %dma_wait3A_124 = tpu.memref_squeeze %dma_wait3A_123 : memref<1x1x128xi32, #tpu.memory_space<hbm>> -> memref<128xi32, #tpu.memory_space<hbm>>
          tpu.wait_dma2 semaphore(%run_scoped3A_100 : memref<!tpu.dma_semaphore, #tpu.memory_space<semaphore_mem>>) src(%dma_wait3A_124 : memref<128xi32, #tpu.memory_space<hbm>>) dst(%dma_wait3A_121 : memref<128xi32, #tpu.memory_space<vmem>>)
          tpu.yield
        }) : () -> ()
        %dma_start3A_88 = arith.constant 0 : i32
        %dma_start3A_89 = arith.constant 0 : i32
        %dma_start3A_90 = arith.constant 0 : i32
        %dma_start3A_91 = arith.constant 0 : i32
        %dma_start3A_92 = tpu.memref_slice %arg8[%dma_start3A_89, %dma_start3A_90, %dma_start3A_91] : memref<2x128x128xf32, #tpu.memory_space<vmem>> -> memref<1x128x128xf32, #tpu.memory_space<vmem>>
        %dma_start3A_93 = tpu.memref_squeeze %dma_start3A_92 : memref<1x128x128xf32, #tpu.memory_space<vmem>> -> memref<128x128xf32, #tpu.memory_space<vmem>>
        %dma_start3A_94 = arith.constant 0 : i32
        %dma_start3A_95 = tpu.memref_slice %arg6[%dma_start3A_88, %dma_start3A_94] : memref<2x128xi32, #tpu.memory_space<vmem>> -> memref<1x128xi32, #tpu.memory_space<vmem>>
        %dma_start3A_96 = tpu.memref_squeeze %dma_start3A_95 : memref<1x128xi32, #tpu.memory_space<vmem>> -> memref<128xi32, #tpu.memory_space<vmem>>
        %dma_start3A_97 = arith.constant 0 : i32
        %dma_start3A_98 = arith.constant 0 : i32
        %dma_start3A_99 = tpu.memref_slice %arg2[%dma_start3A_97, %dma_start3A_98] : memref<10240x128xf32, #tpu.memory_space<hbm>> -> memref<10240x128xf32, #tpu.memory_space<hbm>>
        tpu.enqueue_indirect_dma source(%dma_start3A_99 : memref<10240x128xf32, #tpu.memory_space<hbm>>) target(%dma_start3A_93 : memref<128x128xf32, #tpu.memory_space<vmem>>) offsets(%dma_start3A_96 : memref<128xi32, #tpu.memory_space<vmem>>) semaphore(%arg10 : memref<!tpu.dma_semaphore, #tpu.memory_space<semaphore_mem>>)
      } else {
      }
      %dma_wait3A_68 = arith.constant 1 : i32
      %dma_wait3A_69 = arith.constant 1 : i32
      %dma_wait3A_70 = arith.constant 0 : i32
      %dma_wait3A_71 = arith.constant 0 : i32
      %dma_wait3A_72 = tpu.memref_slice %arg8[%dma_wait3A_69, %dma_wait3A_70, %dma_wait3A_71] : memref<2x128x128xf32, #tpu.memory_space<vmem>> -> memref<1x128x128xf32, #tpu.memory_space<vmem>>
      %dma_wait3A_73 = tpu.memref_squeeze %dma_wait3A_72 : memref<1x128x128xf32, #tpu.memory_space<vmem>> -> memref<128x128xf32, #tpu.memory_space<vmem>>
      %dma_wait3A_74 = arith.constant 0 : i32
      %dma_wait3A_75 = tpu.memref_slice %arg6[%dma_wait3A_68, %dma_wait3A_74] : memref<2x128xi32, #tpu.memory_space<vmem>> -> memref<1x128xi32, #tpu.memory_space<vmem>>
      %dma_wait3A_76 = tpu.memref_squeeze %dma_wait3A_75 : memref<1x128xi32, #tpu.memory_space<vmem>> -> memref<128xi32, #tpu.memory_space<vmem>>
      %dma_wait3A_77 = arith.constant 0 : i32
      %dma_wait3A_78 = arith.constant 0 : i32
      %dma_wait3A_79 = tpu.memref_slice %arg2[%dma_wait3A_77, %dma_wait3A_78] : memref<10240x128xf32, #tpu.memory_space<hbm>> -> memref<10240x128xf32, #tpu.memory_space<hbm>>
      tpu.wait_indirect_dma semaphore(%arg11 : memref<!tpu.dma_semaphore, #tpu.memory_space<semaphore_mem>>) src(%dma_wait3A_79 : memref<10240x128xf32, #tpu.memory_space<hbm>>) dst(%dma_wait3A_73 : memref<128x128xf32, #tpu.memory_space<vmem>>)
      %add3A_80 = arith.constant 1 : i32
      %add3A_81 = arith.addi %mul3A_34, %add3A_80 : i32
      %run_scoped3A_82 = arith.constant 1 : i32
      "tpu.region"() ({
        %run_scoped3A_83 = tpu.sem_alloc : memref<!tpu.dma_semaphore, #tpu.memory_space<semaphore_mem>>
        %dma_start3A_84 = arith.constant 0 : i32
        %dma_start3A_85 = arith.constant 0 : i32
        %dma_start3A_86 = tpu.memref_slice %arg8[%run_scoped3A_82, %dma_start3A_84, %dma_start3A_85] : memref<2x128x128xf32, #tpu.memory_space<vmem>> -> memref<1x128x128xf32, #tpu.memory_space<vmem>>
        %dma_start3A_87 = tpu.memref_squeeze %dma_start3A_86 : memref<1x128x128xf32, #tpu.memory_space<vmem>> -> memref<128x128xf32, #tpu.memory_space<vmem>>
        %dma_start3A_88 = arith.constant 0 : i32
        %dma_start3A_89 = tpu.memref_slice %arg7[%add3A_81, %dma_start3A_88] : memref<80x128xi32, #tpu.memory_space<vmem>> -> memref<1x128xi32, #tpu.memory_space<vmem>>
        %dma_start3A_90 = tpu.memref_squeeze %dma_start3A_89 : memref<1x128xi32, #tpu.memory_space<vmem>> -> memref<128xi32, #tpu.memory_space<vmem>>
        %dma_start3A_91 = arith.constant 0 : i32
        %dma_start3A_92 = arith.constant 0 : i32
        %dma_start3A_93 = tpu.memref_slice %arg9[%dma_start3A_91, %dma_start3A_92] : memref<10240x128xf32, #tpu.memory_space<vmem_shared>> -> memref<10240x128xf32, #tpu.memory_space<vmem_shared>>
        tpu.enqueue_indirect_dma source(%dma_start3A_87 : memref<128x128xf32, #tpu.memory_space<vmem>>) target(%dma_start3A_93 : memref<10240x128xf32, #tpu.memory_space<vmem_shared>>) offsets(%dma_start3A_90 : memref<128xi32, #tpu.memory_space<vmem>>) semaphore(%run_scoped3A_83 : memref<!tpu.dma_semaphore, #tpu.memory_space<semaphore_mem>>) {add = true}
        %dma_wait3A_94 = arith.constant 0 : i32
        %dma_wait3A_95 = arith.constant 0 : i32
        %dma_wait3A_96 = tpu.memref_slice %arg8[%run_scoped3A_82, %dma_wait3A_94, %dma_wait3A_95] : memref<2x128x128xf32, #tpu.memory_space<vmem>> -> memref<1x128x128xf32, #tpu.memory_space<vmem>>
        %dma_wait3A_97 = tpu.memref_squeeze %dma_wait3A_96 : memref<1x128x128xf32, #tpu.memory_space<vmem>> -> memref<128x128xf32, #tpu.memory_space<vmem>>
        %dma_wait3A_98 = arith.constant 0 : i32
        %dma_wait3A_99 = tpu.memref_slice %arg7[%add3A_81, %dma_wait3A_98] : memref<80x128xi32, #tpu.memory_space<vmem>> -> memref<1x128xi32, #tpu.memory_space<vmem>>
        %dma_wait3A_100 = tpu.memref_squeeze %dma_wait3A_99 : memref<1x128xi32, #tpu.memory_space<vmem>> -> memref<128xi32, #tpu.memory_space<vmem>>
        %dma_wait3A_101 = arith.constant 0 : i32
        %dma_wait3A_102 = arith.constant 0 : i32
        %dma_wait3A_103 = tpu.memref_slice %arg9[%dma_wait3A_101, %dma_wait3A_102] : memref<10240x128xf32, #tpu.memory_space<vmem_shared>> -> memref<10240x128xf32, #tpu.memory_space<vmem_shared>>
        tpu.wait_indirect_dma semaphore(%run_scoped3A_83 : memref<!tpu.dma_semaphore, #tpu.memory_space<semaphore_mem>>) src(%dma_wait3A_97 : memref<128x128xf32, #tpu.memory_space<vmem>>) dst(%dma_wait3A_103 : memref<10240x128xf32, #tpu.memory_space<vmem_shared>>)
        tpu.yield
      }) : () -> ()
    }
    %scan3A_26 = arith.constant 40 : i32
    %barrier3A_27 = arith.constant 0 : index
    tpu.barrier barrier_id(%barrier3A_27)
    %mul3A_28 = arith.constant 640 : i32
    %mul3A_29 = arith.muli %arg1, %mul3A_28 : i32
    %mul3A_30 = arith.constant 640 : i32
    %mul3A_31 = arith.muli %arg1, %mul3A_30 : i32
    "tpu.region"() ({
      %run_scoped3A_32 = tpu.sem_alloc : memref<!tpu.dma_semaphore, #tpu.memory_space<semaphore_mem>>
      %dma_start3A_33 = arith.constant 0 : i32
      %dma_start3A_34 = tpu.memref_slice %arg5[%arg0, %mul3A_31, %dma_start3A_33] : memref<2x10240x128xf32, #tpu.memory_space<hbm>> -> memref<1x640x128xf32, #tpu.memory_space<hbm>>
      %dma_start3A_35 = tpu.memref_squeeze %dma_start3A_34 : memref<1x640x128xf32, #tpu.memory_space<hbm>> -> memref<640x128xf32, #tpu.memory_space<hbm>>
      %dma_start3A_36 = arith.constant 0 : i32
      %dma_start3A_37 = tpu.memref_slice %arg9[%mul3A_29, %dma_start3A_36] : memref<10240x128xf32, #tpu.memory_space<vmem_shared>> -> memref<640x128xf32, #tpu.memory_space<vmem_shared>>
      tpu.enqueue_dma source(%dma_start3A_37 : memref<640x128xf32, #tpu.memory_space<vmem_shared>>) target(%dma_start3A_35 : memref<640x128xf32, #tpu.memory_space<hbm>>) target_semaphore(%run_scoped3A_32 : memref<!tpu.dma_semaphore, #tpu.memory_space<semaphore_mem>>)
      %dma_wait3A = arith.constant 0 : i32
      %dma_wait3A_38 = tpu.memref_slice %arg5[%arg0, %mul3A_31, %dma_wait3A] : memref<2x10240x128xf32, #tpu.memory_space<hbm>> -> memref<1x640x128xf32, #tpu.memory_space<hbm>>
      %dma_wait3A_39 = tpu.memref_squeeze %dma_wait3A_38 : memref<1x640x128xf32, #tpu.memory_space<hbm>> -> memref<640x128xf32, #tpu.memory_space<hbm>>
      %dma_wait3A_40 = arith.constant 0 : i32
      %dma_wait3A_41 = tpu.memref_slice %arg9[%mul3A_29, %dma_wait3A_40] : memref<10240x128xf32, #tpu.memory_space<vmem_shared>> -> memref<640x128xf32, #tpu.memory_space<vmem_shared>>
      tpu.wait_dma2 semaphore(%run_scoped3A_32 : memref<!tpu.dma_semaphore, #tpu.memory_space<semaphore_mem>>) src(%dma_wait3A_41 : memref<640x128xf32, #tpu.memory_space<vmem_shared>>) dst(%dma_wait3A_39 : memref<640x128xf32, #tpu.memory_space<hbm>>)
      tpu.yield
    }) : () -> ()
    return
  }
}

#map = affine_map<(d0, d1) -> (0, 0, 0)>
module attributes {stable_mosaic.version = 14 : i64} {
  func.func @_sc_degree_body(%arg0: i32, %arg1: i32, %arg2: memref<2x2560x128xi32, #tpu.memory_space<hbm>>, %arg3: memref<2x10240x128xf32, #tpu.memory_space<hbm>>, %arg4: memref<128xi32, #tpu.memory_space<vmem>>, %arg5: memref<128x128xf32, #tpu.memory_space<vmem>>, %arg6: memref<64x128xf32, #tpu.memory_space<vmem>>, %arg7: memref<10240x128xf32, #tpu.memory_space<vmem_shared>>) attributes {dimension_semantics = [#tpu.dimension_semantics<core_parallel>, #tpu.dimension_semantics<subcore_parallel>], iteration_bounds = array<i64: 2, 16>, scalar_prefetch = 0 : i64, scratch_operands = 4 : i64, tpu.core_type = #tpu.core_type<sc_vector_subcore>, window_params = [{transform_indices = #map}, {transform_indices = #map}]} {
    %scan3A = arith.constant 0 : i32
    %scan3A_0 = arith.constant 0 : i32
    %scan3A_1 = arith.constant 128 : i32
    %scan3A_2 = arith.addi %scan3A_0, %scan3A_1 : i32
    %scan3A_3 = arith.constant 1 : i32
    scf.for %scan3A_28 = %scan3A_0 to %scan3A_2 step %scan3A_3  : i32 {
      %broadcast_in_dim3A = arith.constant 1.000000e+00 : f32
      %broadcast_in_dim3A_29 = vector.broadcast %broadcast_in_dim3A : f32 to vector<16xf32>
      %swap3A = arith.index_cast %scan3A_28 : i32 to index
      %swap3A_30 = arith.constant 0 : index
      %swap3A_31 = tpu.vector_load %arg5[%swap3A, %swap3A_30] {strides = array<i32>} : memref<128x128xf32, #tpu.memory_space<vmem>>, vector<1x16xf32>,
      %swap3A_32 = vector.shape_cast %swap3A_31 : vector<1x16xf32> to vector<16xf32>
      %swap3A_33 = vector.shape_cast %broadcast_in_dim3A_29 : vector<16xf32> to vector<1x16xf32>
      tpu.vector_store %arg5[%swap3A, %swap3A_30], %swap3A_33 {strides = array<i32>} : memref<128x128xf32, #tpu.memory_space<vmem>>, vector<1x16xf32>,
      %broadcast_in_dim3A_34 = arith.constant 1.000000e+00 : f32
      %broadcast_in_dim3A_35 = vector.broadcast %broadcast_in_dim3A_34 : f32 to vector<16xf32>
      %swap3A_36 = arith.index_cast %scan3A_28 : i32 to index
      %swap3A_37 = arith.constant 16 : index
      %swap3A_38 = tpu.vector_load %arg5[%swap3A_36, %swap3A_37] {strides = array<i32>} : memref<128x128xf32, #tpu.memory_space<vmem>>, vector<1x16xf32>,
      %swap3A_39 = vector.shape_cast %swap3A_38 : vector<1x16xf32> to vector<16xf32>
      %swap3A_40 = vector.shape_cast %broadcast_in_dim3A_35 : vector<16xf32> to vector<1x16xf32>
      tpu.vector_store %arg5[%swap3A_36, %swap3A_37], %swap3A_40 {strides = array<i32>} : memref<128x128xf32, #tpu.memory_space<vmem>>, vector<1x16xf32>,
      %broadcast_in_dim3A_41 = arith.constant 1.000000e+00 : f32
      %broadcast_in_dim3A_42 = vector.broadcast %broadcast_in_dim3A_41 : f32 to vector<16xf32>
      %swap3A_43 = arith.index_cast %scan3A_28 : i32 to index
      %swap3A_44 = arith.constant 32 : index
      %swap3A_45 = tpu.vector_load %arg5[%swap3A_43, %swap3A_44] {strides = array<i32>} : memref<128x128xf32, #tpu.memory_space<vmem>>, vector<1x16xf32>,
      %swap3A_46 = vector.shape_cast %swap3A_45 : vector<1x16xf32> to vector<16xf32>
      %swap3A_47 = vector.shape_cast %broadcast_in_dim3A_42 : vector<16xf32> to vector<1x16xf32>
      tpu.vector_store %arg5[%swap3A_43, %swap3A_44], %swap3A_47 {strides = array<i32>} : memref<128x128xf32, #tpu.memory_space<vmem>>, vector<1x16xf32>,
      %broadcast_in_dim3A_48 = arith.constant 1.000000e+00 : f32
      %broadcast_in_dim3A_49 = vector.broadcast %broadcast_in_dim3A_48 : f32 to vector<16xf32>
      %swap3A_50 = arith.index_cast %scan3A_28 : i32 to index
      %swap3A_51 = arith.constant 48 : index
      %swap3A_52 = tpu.vector_load %arg5[%swap3A_50, %swap3A_51] {strides = array<i32>} : memref<128x128xf32, #tpu.memory_space<vmem>>, vector<1x16xf32>,
      %swap3A_53 = vector.shape_cast %swap3A_52 : vector<1x16xf32> to vector<16xf32>
      %swap3A_54 = vector.shape_cast %broadcast_in_dim3A_49 : vector<16xf32> to vector<1x16xf32>
      tpu.vector_store %arg5[%swap3A_50, %swap3A_51], %swap3A_54 {strides = array<i32>} : memref<128x128xf32, #tpu.memory_space<vmem>>, vector<1x16xf32>,
      %broadcast_in_dim3A_55 = arith.constant 1.000000e+00 : f32
      %broadcast_in_dim3A_56 = vector.broadcast %broadcast_in_dim3A_55 : f32 to vector<16xf32>
      %swap3A_57 = arith.index_cast %scan3A_28 : i32 to index
      %swap3A_58 = arith.constant 64 : index
      %swap3A_59 = tpu.vector_load %arg5[%swap3A_57, %swap3A_58] {strides = array<i32>} : memref<128x128xf32, #tpu.memory_space<vmem>>, vector<1x16xf32>,
      %swap3A_60 = vector.shape_cast %swap3A_59 : vector<1x16xf32> to vector<16xf32>
      %swap3A_61 = vector.shape_cast %broadcast_in_dim3A_56 : vector<16xf32> to vector<1x16xf32>
      tpu.vector_store %arg5[%swap3A_57, %swap3A_58], %swap3A_61 {strides = array<i32>} : memref<128x128xf32, #tpu.memory_space<vmem>>, vector<1x16xf32>,
      %broadcast_in_dim3A_62 = arith.constant 1.000000e+00 : f32
      %broadcast_in_dim3A_63 = vector.broadcast %broadcast_in_dim3A_62 : f32 to vector<16xf32>
      %swap3A_64 = arith.index_cast %scan3A_28 : i32 to index
      %swap3A_65 = arith.constant 80 : index
      %swap3A_66 = tpu.vector_load %arg5[%swap3A_64, %swap3A_65] {strides = array<i32>} : memref<128x128xf32, #tpu.memory_space<vmem>>, vector<1x16xf32>,
      %swap3A_67 = vector.shape_cast %swap3A_66 : vector<1x16xf32> to vector<16xf32>
      %swap3A_68 = vector.shape_cast %broadcast_in_dim3A_63 : vector<16xf32> to vector<1x16xf32>
      tpu.vector_store %arg5[%swap3A_64, %swap3A_65], %swap3A_68 {strides = array<i32>} : memref<128x128xf32, #tpu.memory_space<vmem>>, vector<1x16xf32>,
      %broadcast_in_dim3A_69 = arith.constant 1.000000e+00 : f32
      %broadcast_in_dim3A_70 = vector.broadcast %broadcast_in_dim3A_69 : f32 to vector<16xf32>
      %swap3A_71 = arith.index_cast %scan3A_28 : i32 to index
      %swap3A_72 = arith.constant 96 : index
      %swap3A_73 = tpu.vector_load %arg5[%swap3A_71, %swap3A_72] {strides = array<i32>} : memref<128x128xf32, #tpu.memory_space<vmem>>, vector<1x16xf32>,
      %swap3A_74 = vector.shape_cast %swap3A_73 : vector<1x16xf32> to vector<16xf32>
      %swap3A_75 = vector.shape_cast %broadcast_in_dim3A_70 : vector<16xf32> to vector<1x16xf32>
      tpu.vector_store %arg5[%swap3A_71, %swap3A_72], %swap3A_75 {strides = array<i32>} : memref<128x128xf32, #tpu.memory_space<vmem>>, vector<1x16xf32>,
      %broadcast_in_dim3A_76 = arith.constant 1.000000e+00 : f32
      %broadcast_in_dim3A_77 = vector.broadcast %broadcast_in_dim3A_76 : f32 to vector<16xf32>
      %swap3A_78 = arith.index_cast %scan3A_28 : i32 to index
      %swap3A_79 = arith.constant 112 : index
      %swap3A_80 = tpu.vector_load %arg5[%swap3A_78, %swap3A_79] {strides = array<i32>} : memref<128x128xf32, #tpu.memory_space<vmem>>, vector<1x16xf32>,
      %swap3A_81 = vector.shape_cast %swap3A_80 : vector<1x16xf32> to vector<16xf32>
      %swap3A_82 = vector.shape_cast %broadcast_in_dim3A_77 : vector<16xf32> to vector<1x16xf32>
      tpu.vector_store %arg5[%swap3A_78, %swap3A_79], %swap3A_82 {strides = array<i32>} : memref<128x128xf32, #tpu.memory_space<vmem>>, vector<1x16xf32>,
    }
    %scan3A_4 = arith.constant 128 : i32
    %scan3A_5 = arith.constant 0 : i32
    %scan3A_6 = arith.constant 0 : i32
    %scan3A_7 = arith.constant 64 : i32
    %scan3A_8 = arith.addi %scan3A_6, %scan3A_7 : i32
    %scan3A_9 = arith.constant 1 : i32
    scf.for %scan3A_28 = %scan3A_6 to %scan3A_8 step %scan3A_9  : i32 {
      %broadcast_in_dim3A = arith.constant 0.000000e+00 : f32
      %broadcast_in_dim3A_29 = vector.broadcast %broadcast_in_dim3A : f32 to vector<16xf32>
      %swap3A = arith.index_cast %scan3A_28 : i32 to index
      %swap3A_30 = arith.constant 0 : index
      %swap3A_31 = tpu.vector_load %arg6[%swap3A, %swap3A_30] {strides = array<i32>} : memref<64x128xf32, #tpu.memory_space<vmem>>, vector<1x16xf32>,
      %swap3A_32 = vector.shape_cast %swap3A_31 : vector<1x16xf32> to vector<16xf32>
      %swap3A_33 = vector.shape_cast %broadcast_in_dim3A_29 : vector<16xf32> to vector<1x16xf32>
      tpu.vector_store %arg6[%swap3A, %swap3A_30], %swap3A_33 {strides = array<i32>} : memref<64x128xf32, #tpu.memory_space<vmem>>, vector<1x16xf32>,
      %broadcast_in_dim3A_34 = arith.constant 0.000000e+00 : f32
      %broadcast_in_dim3A_35 = vector.broadcast %broadcast_in_dim3A_34 : f32 to vector<16xf32>
      %swap3A_36 = arith.index_cast %scan3A_28 : i32 to index
      %swap3A_37 = arith.constant 16 : index
      %swap3A_38 = tpu.vector_load %arg6[%swap3A_36, %swap3A_37] {strides = array<i32>} : memref<64x128xf32, #tpu.memory_space<vmem>>, vector<1x16xf32>,
      %swap3A_39 = vector.shape_cast %swap3A_38 : vector<1x16xf32> to vector<16xf32>
      %swap3A_40 = vector.shape_cast %broadcast_in_dim3A_35 : vector<16xf32> to vector<1x16xf32>
      tpu.vector_store %arg6[%swap3A_36, %swap3A_37], %swap3A_40 {strides = array<i32>} : memref<64x128xf32, #tpu.memory_space<vmem>>, vector<1x16xf32>,
      %broadcast_in_dim3A_41 = arith.constant 0.000000e+00 : f32
      %broadcast_in_dim3A_42 = vector.broadcast %broadcast_in_dim3A_41 : f32 to vector<16xf32>
      %swap3A_43 = arith.index_cast %scan3A_28 : i32 to index
      %swap3A_44 = arith.constant 32 : index
      %swap3A_45 = tpu.vector_load %arg6[%swap3A_43, %swap3A_44] {strides = array<i32>} : memref<64x128xf32, #tpu.memory_space<vmem>>, vector<1x16xf32>,
      %swap3A_46 = vector.shape_cast %swap3A_45 : vector<1x16xf32> to vector<16xf32>
      %swap3A_47 = vector.shape_cast %broadcast_in_dim3A_42 : vector<16xf32> to vector<1x16xf32>
      tpu.vector_store %arg6[%swap3A_43, %swap3A_44], %swap3A_47 {strides = array<i32>} : memref<64x128xf32, #tpu.memory_space<vmem>>, vector<1x16xf32>,
      %broadcast_in_dim3A_48 = arith.constant 0.000000e+00 : f32
      %broadcast_in_dim3A_49 = vector.broadcast %broadcast_in_dim3A_48 : f32 to vector<16xf32>
      %swap3A_50 = arith.index_cast %scan3A_28 : i32 to index
      %swap3A_51 = arith.constant 48 : index
      %swap3A_52 = tpu.vector_load %arg6[%swap3A_50, %swap3A_51] {strides = array<i32>} : memref<64x128xf32, #tpu.memory_space<vmem>>, vector<1x16xf32>,
      %swap3A_53 = vector.shape_cast %swap3A_52 : vector<1x16xf32> to vector<16xf32>
      %swap3A_54 = vector.shape_cast %broadcast_in_dim3A_49 : vector<16xf32> to vector<1x16xf32>
      tpu.vector_store %arg6[%swap3A_50, %swap3A_51], %swap3A_54 {strides = array<i32>} : memref<64x128xf32, #tpu.memory_space<vmem>>, vector<1x16xf32>,
      %broadcast_in_dim3A_55 = arith.constant 0.000000e+00 : f32
      %broadcast_in_dim3A_56 = vector.broadcast %broadcast_in_dim3A_55 : f32 to vector<16xf32>
      %swap3A_57 = arith.index_cast %scan3A_28 : i32 to index
      %swap3A_58 = arith.constant 64 : index
      %swap3A_59 = tpu.vector_load %arg6[%swap3A_57, %swap3A_58] {strides = array<i32>} : memref<64x128xf32, #tpu.memory_space<vmem>>, vector<1x16xf32>,
      %swap3A_60 = vector.shape_cast %swap3A_59 : vector<1x16xf32> to vector<16xf32>
      %swap3A_61 = vector.shape_cast %broadcast_in_dim3A_56 : vector<16xf32> to vector<1x16xf32>
      tpu.vector_store %arg6[%swap3A_57, %swap3A_58], %swap3A_61 {strides = array<i32>} : memref<64x128xf32, #tpu.memory_space<vmem>>, vector<1x16xf32>,
      %broadcast_in_dim3A_62 = arith.constant 0.000000e+00 : f32
      %broadcast_in_dim3A_63 = vector.broadcast %broadcast_in_dim3A_62 : f32 to vector<16xf32>
      %swap3A_64 = arith.index_cast %scan3A_28 : i32 to index
      %swap3A_65 = arith.constant 80 : index
      %swap3A_66 = tpu.vector_load %arg6[%swap3A_64, %swap3A_65] {strides = array<i32>} : memref<64x128xf32, #tpu.memory_space<vmem>>, vector<1x16xf32>,
      %swap3A_67 = vector.shape_cast %swap3A_66 : vector<1x16xf32> to vector<16xf32>
      %swap3A_68 = vector.shape_cast %broadcast_in_dim3A_63 : vector<16xf32> to vector<1x16xf32>
      tpu.vector_store %arg6[%swap3A_64, %swap3A_65], %swap3A_68 {strides = array<i32>} : memref<64x128xf32, #tpu.memory_space<vmem>>, vector<1x16xf32>,
      %broadcast_in_dim3A_69 = arith.constant 0.000000e+00 : f32
      %broadcast_in_dim3A_70 = vector.broadcast %broadcast_in_dim3A_69 : f32 to vector<16xf32>
      %swap3A_71 = arith.index_cast %scan3A_28 : i32 to index
      %swap3A_72 = arith.constant 96 : index
      %swap3A_73 = tpu.vector_load %arg6[%swap3A_71, %swap3A_72] {strides = array<i32>} : memref<64x128xf32, #tpu.memory_space<vmem>>, vector<1x16xf32>,
      %swap3A_74 = vector.shape_cast %swap3A_73 : vector<1x16xf32> to vector<16xf32>
      %swap3A_75 = vector.shape_cast %broadcast_in_dim3A_70 : vector<16xf32> to vector<1x16xf32>
      tpu.vector_store %arg6[%swap3A_71, %swap3A_72], %swap3A_75 {strides = array<i32>} : memref<64x128xf32, #tpu.memory_space<vmem>>, vector<1x16xf32>,
      %broadcast_in_dim3A_76 = arith.constant 0.000000e+00 : f32
      %broadcast_in_dim3A_77 = vector.broadcast %broadcast_in_dim3A_76 : f32 to vector<16xf32>
      %swap3A_78 = arith.index_cast %scan3A_28 : i32 to index
      %swap3A_79 = arith.constant 112 : index
      %swap3A_80 = tpu.vector_load %arg6[%swap3A_78, %swap3A_79] {strides = array<i32>} : memref<64x128xf32, #tpu.memory_space<vmem>>, vector<1x16xf32>,
      %swap3A_81 = vector.shape_cast %swap3A_80 : vector<1x16xf32> to vector<16xf32>
      %swap3A_82 = vector.shape_cast %broadcast_in_dim3A_77 : vector<16xf32> to vector<1x16xf32>
      tpu.vector_store %arg6[%swap3A_78, %swap3A_79], %swap3A_82 {strides = array<i32>} : memref<64x128xf32, #tpu.memory_space<vmem>>, vector<1x16xf32>,
    }
    %scan3A_10 = arith.constant 64 : i32
    %scan3A_11 = arith.constant 0 : i32
    %scan3A_12 = arith.constant 0 : i32
    %scan3A_13 = arith.constant 10 : i32
    %scan3A_14 = arith.addi %scan3A_12, %scan3A_13 : i32
    %scan3A_15 = arith.constant 1 : i32
    scf.for %scan3A_28 = %scan3A_12 to %scan3A_14 step %scan3A_15  : i32 {
      %mul3A_29 = arith.constant 640 : i32
      %mul3A_30 = arith.muli %arg1, %mul3A_29 : i32
      %mul3A_31 = arith.constant 64 : i32
      %mul3A_32 = arith.muli %scan3A_28, %mul3A_31 : i32
      %add3A = arith.addi %mul3A_30, %mul3A_32 : i32
      "tpu.region"() ({
        %run_scoped3A = tpu.sem_alloc : memref<!tpu.dma_semaphore, #tpu.memory_space<semaphore_mem>>
        %dma_start3A = arith.constant 0 : i32
        %dma_start3A_33 = tpu.memref_slice %arg7[%add3A, %dma_start3A] : memref<10240x128xf32, #tpu.memory_space<vmem_shared>> -> memref<64x128xf32, #tpu.memory_space<vmem_shared>>
        %dma_start3A_34 = arith.constant 0 : i32
        %dma_start3A_35 = tpu.memref_slice %arg7[%add3A, %dma_start3A_34] : memref<10240x128xf32, #tpu.memory_space<vmem_shared>> -> memref<64x128xf32, #tpu.memory_space<vmem_shared>>
        tpu.enqueue_dma source(%arg6 : memref<64x128xf32, #tpu.memory_space<vmem>>) target(%dma_start3A_35 : memref<64x128xf32, #tpu.memory_space<vmem_shared>>) target_semaphore(%run_scoped3A : memref<!tpu.dma_semaphore, #tpu.memory_space<semaphore_mem>>)
        %dma_wait3A = arith.constant 0 : i32
        %dma_wait3A_36 = tpu.memref_slice %arg7[%add3A, %dma_wait3A] : memref<10240x128xf32, #tpu.memory_space<vmem_shared>> -> memref<64x128xf32, #tpu.memory_space<vmem_shared>>
        %dma_wait3A_37 = arith.constant 0 : i32
        %dma_wait3A_38 = tpu.memref_slice %arg7[%add3A, %dma_wait3A_37] : memref<10240x128xf32, #tpu.memory_space<vmem_shared>> -> memref<64x128xf32, #tpu.memory_space<vmem_shared>>
        tpu.wait_dma2 semaphore(%run_scoped3A : memref<!tpu.dma_semaphore, #tpu.memory_space<semaphore_mem>>) src(%arg6 : memref<64x128xf32, #tpu.memory_space<vmem>>) dst(%dma_wait3A_38 : memref<64x128xf32, #tpu.memory_space<vmem_shared>>)
        tpu.yield
      }) : () -> ()
    }
    %scan3A_16 = arith.constant 10 : i32
    %barrier3A = arith.constant 0 : index
    tpu.barrier barrier_id(%barrier3A)
    %eq3A = arith.constant 0 : i32
    %eq3A_17 = arith.cmpi eq, %arg0, %eq3A : i32
    %convert_element_type3A = arith.extui %eq3A_17 : i1 to i32
    %cond3A = arith.constant 0 : i32
    %cond3A_18 = arith.cmpi ne, %convert_element_type3A, %cond3A : i32
    scf.if %cond3A_18 {
      %scan3A_28 = arith.constant 0 : i32
      %scan3A_29 = arith.constant 0 : i32
      %scan3A_30 = arith.constant 160 : i32
      %scan3A_31 = arith.addi %scan3A_29, %scan3A_30 : i32
      %scan3A_32 = arith.constant 1 : i32
      scf.for %scan3A_34 = %scan3A_29 to %scan3A_31 step %scan3A_32  : i32 {
        %mul3A_35 = arith.constant 160 : i32
        %mul3A_36 = arith.muli %arg1, %mul3A_35 : i32
        %add3A = arith.addi %mul3A_36, %scan3A_34 : i32
        %run_scoped3A = arith.constant 0 : i32
        "tpu.region"() ({
          %run_scoped3A_37 = tpu.sem_alloc : memref<!tpu.dma_semaphore, #tpu.memory_space<semaphore_mem>>
          %dma_start3A = arith.constant 0 : i32
          %dma_start3A_38 = tpu.memref_slice %arg2[%run_scoped3A, %add3A, %dma_start3A] : memref<2x2560x128xi32, #tpu.memory_space<hbm>> -> memref<1x1x128xi32, #tpu.memory_space<hbm>>
          %dma_start3A_39 = tpu.memref_squeeze %dma_start3A_38 : memref<1x1x128xi32, #tpu.memory_space<hbm>> -> memref<128xi32, #tpu.memory_space<hbm>>
          %dma_start3A_40 = arith.constant 0 : i32
          %dma_start3A_41 = tpu.memref_slice %arg2[%run_scoped3A, %add3A, %dma_start3A_40] : memref<2x2560x128xi32, #tpu.memory_space<hbm>> -> memref<1x1x128xi32, #tpu.memory_space<hbm>>
          %dma_start3A_42 = tpu.memref_squeeze %dma_start3A_41 : memref<1x1x128xi32, #tpu.memory_space<hbm>> -> memref<128xi32, #tpu.memory_space<hbm>>
          tpu.enqueue_dma source(%dma_start3A_42 : memref<128xi32, #tpu.memory_space<hbm>>) target(%arg4 : memref<128xi32, #tpu.memory_space<vmem>>) target_semaphore(%run_scoped3A_37 : memref<!tpu.dma_semaphore, #tpu.memory_space<semaphore_mem>>)
          %dma_wait3A = arith.constant 0 : i32
          %dma_wait3A_43 = tpu.memref_slice %arg2[%run_scoped3A, %add3A, %dma_wait3A] : memref<2x2560x128xi32, #tpu.memory_space<hbm>> -> memref<1x1x128xi32, #tpu.memory_space<hbm>>
          %dma_wait3A_44 = tpu.memref_squeeze %dma_wait3A_43 : memref<1x1x128xi32, #tpu.memory_space<hbm>> -> memref<128xi32, #tpu.memory_space<hbm>>
          %dma_wait3A_45 = arith.constant 0 : i32
          %dma_wait3A_46 = tpu.memref_slice %arg2[%run_scoped3A, %add3A, %dma_wait3A_45] : memref<2x2560x128xi32, #tpu.memory_space<hbm>> -> memref<1x1x128xi32, #tpu.memory_space<hbm>>
          %dma_wait3A_47 = tpu.memref_squeeze %dma_wait3A_46 : memref<1x1x128xi32, #tpu.memory_space<hbm>> -> memref<128xi32, #tpu.memory_space<hbm>>
          tpu.wait_dma2 semaphore(%run_scoped3A_37 : memref<!tpu.dma_semaphore, #tpu.memory_space<semaphore_mem>>) src(%dma_wait3A_47 : memref<128xi32, #tpu.memory_space<hbm>>) dst(%arg4 : memref<128xi32, #tpu.memory_space<vmem>>)
          tpu.yield
        }) : () -> ()
        "tpu.region"() ({
          %run_scoped3A_37 = tpu.sem_alloc : memref<!tpu.dma_semaphore, #tpu.memory_space<semaphore_mem>>
          %dma_start3A = arith.constant 0 : i32
          %dma_start3A_38 = arith.constant 0 : i32
          %dma_start3A_39 = tpu.memref_slice %arg7[%dma_start3A, %dma_start3A_38] : memref<10240x128xf32, #tpu.memory_space<vmem_shared>> -> memref<10240x128xf32, #tpu.memory_space<vmem_shared>>
          tpu.enqueue_indirect_dma source(%arg5 : memref<128x128xf32, #tpu.memory_space<vmem>>) target(%dma_start3A_39 : memref<10240x128xf32, #tpu.memory_space<vmem_shared>>) offsets(%arg4 : memref<128xi32, #tpu.memory_space<vmem>>) semaphore(%run_scoped3A_37 : memref<!tpu.dma_semaphore, #tpu.memory_space<semaphore_mem>>) {add = true}
          %dma_wait3A = arith.constant 0 : i32
          %dma_wait3A_40 = arith.constant 0 : i32
          %dma_wait3A_41 = tpu.memref_slice %arg7[%dma_wait3A, %dma_wait3A_40] : memref<10240x128xf32, #tpu.memory_space<vmem_shared>> -> memref<10240x128xf32, #tpu.memory_space<vmem_shared>>
          tpu.wait_indirect_dma semaphore(%run_scoped3A_37 : memref<!tpu.dma_semaphore, #tpu.memory_space<semaphore_mem>>) src(%arg5 : memref<128x128xf32, #tpu.memory_space<vmem>>) dst(%dma_wait3A_41 : memref<10240x128xf32, #tpu.memory_space<vmem_shared>>)
          tpu.yield
        }) : () -> ()
      }
      %scan3A_33 = arith.constant 160 : i32
    } else {
    }
    %eq3A_19 = arith.constant 1 : i32
    %eq3A_20 = arith.cmpi eq, %arg0, %eq3A_19 : i32
    %convert_element_type3A_21 = arith.extui %eq3A_20 : i1 to i32
    %cond3A_22 = arith.constant 0 : i32
    %cond3A_23 = arith.cmpi ne, %convert_element_type3A_21, %cond3A_22 : i32
    scf.if %cond3A_23 {
      %scan3A_28 = arith.constant 0 : i32
      %scan3A_29 = arith.constant 0 : i32
      %scan3A_30 = arith.constant 160 : i32
      %scan3A_31 = arith.addi %scan3A_29, %scan3A_30 : i32
      %scan3A_32 = arith.constant 1 : i32
      scf.for %scan3A_34 = %scan3A_29 to %scan3A_31 step %scan3A_32  : i32 {
        %mul3A_35 = arith.constant 160 : i32
        %mul3A_36 = arith.muli %arg1, %mul3A_35 : i32
        %add3A = arith.addi %mul3A_36, %scan3A_34 : i32
        %run_scoped3A = arith.constant 1 : i32
        "tpu.region"() ({
          %run_scoped3A_37 = tpu.sem_alloc : memref<!tpu.dma_semaphore, #tpu.memory_space<semaphore_mem>>
          %dma_start3A = arith.constant 0 : i32
          %dma_start3A_38 = tpu.memref_slice %arg2[%run_scoped3A, %add3A, %dma_start3A] : memref<2x2560x128xi32, #tpu.memory_space<hbm>> -> memref<1x1x128xi32, #tpu.memory_space<hbm>>
          %dma_start3A_39 = tpu.memref_squeeze %dma_start3A_38 : memref<1x1x128xi32, #tpu.memory_space<hbm>> -> memref<128xi32, #tpu.memory_space<hbm>>
          %dma_start3A_40 = arith.constant 0 : i32
          %dma_start3A_41 = tpu.memref_slice %arg2[%run_scoped3A, %add3A, %dma_start3A_40] : memref<2x2560x128xi32, #tpu.memory_space<hbm>> -> memref<1x1x128xi32, #tpu.memory_space<hbm>>
          %dma_start3A_42 = tpu.memref_squeeze %dma_start3A_41 : memref<1x1x128xi32, #tpu.memory_space<hbm>> -> memref<128xi32, #tpu.memory_space<hbm>>
          tpu.enqueue_dma source(%dma_start3A_42 : memref<128xi32, #tpu.memory_space<hbm>>) target(%arg4 : memref<128xi32, #tpu.memory_space<vmem>>) target_semaphore(%run_scoped3A_37 : memref<!tpu.dma_semaphore, #tpu.memory_space<semaphore_mem>>)
          %dma_wait3A = arith.constant 0 : i32
          %dma_wait3A_43 = tpu.memref_slice %arg2[%run_scoped3A, %add3A, %dma_wait3A] : memref<2x2560x128xi32, #tpu.memory_space<hbm>> -> memref<1x1x128xi32, #tpu.memory_space<hbm>>
          %dma_wait3A_44 = tpu.memref_squeeze %dma_wait3A_43 : memref<1x1x128xi32, #tpu.memory_space<hbm>> -> memref<128xi32, #tpu.memory_space<hbm>>
          %dma_wait3A_45 = arith.constant 0 : i32
          %dma_wait3A_46 = tpu.memref_slice %arg2[%run_scoped3A, %add3A, %dma_wait3A_45] : memref<2x2560x128xi32, #tpu.memory_space<hbm>> -> memref<1x1x128xi32, #tpu.memory_space<hbm>>
          %dma_wait3A_47 = tpu.memref_squeeze %dma_wait3A_46 : memref<1x1x128xi32, #tpu.memory_space<hbm>> -> memref<128xi32, #tpu.memory_space<hbm>>
          tpu.wait_dma2 semaphore(%run_scoped3A_37 : memref<!tpu.dma_semaphore, #tpu.memory_space<semaphore_mem>>) src(%dma_wait3A_47 : memref<128xi32, #tpu.memory_space<hbm>>) dst(%arg4 : memref<128xi32, #tpu.memory_space<vmem>>)
          tpu.yield
        }) : () -> ()
        "tpu.region"() ({
          %run_scoped3A_37 = tpu.sem_alloc : memref<!tpu.dma_semaphore, #tpu.memory_space<semaphore_mem>>
          %dma_start3A = arith.constant 0 : i32
          %dma_start3A_38 = arith.constant 0 : i32
          %dma_start3A_39 = tpu.memref_slice %arg7[%dma_start3A, %dma_start3A_38] : memref<10240x128xf32, #tpu.memory_space<vmem_shared>> -> memref<10240x128xf32, #tpu.memory_space<vmem_shared>>
          tpu.enqueue_indirect_dma source(%arg5 : memref<128x128xf32, #tpu.memory_space<vmem>>) target(%dma_start3A_39 : memref<10240x128xf32, #tpu.memory_space<vmem_shared>>) offsets(%arg4 : memref<128xi32, #tpu.memory_space<vmem>>) semaphore(%run_scoped3A_37 : memref<!tpu.dma_semaphore, #tpu.memory_space<semaphore_mem>>) {add = true}
          %dma_wait3A = arith.constant 0 : i32
          %dma_wait3A_40 = arith.constant 0 : i32
          %dma_wait3A_41 = tpu.memref_slice %arg7[%dma_wait3A, %dma_wait3A_40] : memref<10240x128xf32, #tpu.memory_space<vmem_shared>> -> memref<10240x128xf32, #tpu.memory_space<vmem_shared>>
          tpu.wait_indirect_dma semaphore(%run_scoped3A_37 : memref<!tpu.dma_semaphore, #tpu.memory_space<semaphore_mem>>) src(%arg5 : memref<128x128xf32, #tpu.memory_space<vmem>>) dst(%dma_wait3A_41 : memref<10240x128xf32, #tpu.memory_space<vmem_shared>>)
          tpu.yield
        }) : () -> ()
      }
      %scan3A_33 = arith.constant 160 : i32
    } else {
    }
    %barrier3A_24 = arith.constant 0 : index
    tpu.barrier barrier_id(%barrier3A_24)
    %mul3A = arith.constant 640 : i32
    %mul3A_25 = arith.muli %arg1, %mul3A : i32
    %mul3A_26 = arith.constant 640 : i32
    %mul3A_27 = arith.muli %arg1, %mul3A_26 : i32
    "tpu.region"() ({
      %run_scoped3A = tpu.sem_alloc : memref<!tpu.dma_semaphore, #tpu.memory_space<semaphore_mem>>
      %dma_start3A = arith.constant 0 : i32
      %dma_start3A_28 = tpu.memref_slice %arg3[%arg0, %mul3A_27, %dma_start3A] : memref<2x10240x128xf32, #tpu.memory_space<hbm>> -> memref<1x640x128xf32, #tpu.memory_space<hbm>>
      %dma_start3A_29 = tpu.memref_squeeze %dma_start3A_28 : memref<1x640x128xf32, #tpu.memory_space<hbm>> -> memref<640x128xf32, #tpu.memory_space<hbm>>
      %dma_start3A_30 = arith.constant 0 : i32
      %dma_start3A_31 = tpu.memref_slice %arg7[%mul3A_25, %dma_start3A_30] : memref<10240x128xf32, #tpu.memory_space<vmem_shared>> -> memref<640x128xf32, #tpu.memory_space<vmem_shared>>
      tpu.enqueue_dma source(%dma_start3A_31 : memref<640x128xf32, #tpu.memory_space<vmem_shared>>) target(%dma_start3A_29 : memref<640x128xf32, #tpu.memory_space<hbm>>) target_semaphore(%run_scoped3A : memref<!tpu.dma_semaphore, #tpu.memory_space<semaphore_mem>>)
      %dma_wait3A = arith.constant 0 : i32
      %dma_wait3A_32 = tpu.memref_slice %arg3[%arg0, %mul3A_27, %dma_wait3A] : memref<2x10240x128xf32, #tpu.memory_space<hbm>> -> memref<1x640x128xf32, #tpu.memory_space<hbm>>
      %dma_wait3A_33 = tpu.memref_squeeze %dma_wait3A_32 : memref<1x640x128xf32, #tpu.memory_space<hbm>> -> memref<640x128xf32, #tpu.memory_space<hbm>>
      %dma_wait3A_34 = arith.constant 0 : i32
      %dma_wait3A_35 = tpu.memref_slice %arg7[%mul3A_25, %dma_wait3A_34] : memref<10240x128xf32, #tpu.memory_space<vmem_shared>> -> memref<640x128xf32, #tpu.memory_space<vmem_shared>>
      tpu.wait_dma2 semaphore(%run_scoped3A : memref<!tpu.dma_semaphore, #tpu.memory_space<semaphore_mem>>) src(%dma_wait3A_35 : memref<640x128xf32, #tpu.memory_space<vmem_shared>>) dst(%dma_wait3A_33 : memref<640x128xf32, #tpu.memory_space<hbm>>)
      tpu.yield
    }) : () -> ()
    return
  }
}

#map = affine_map<(d0, d1) -> (0, 0)>
#map1 = affine_map<(d0, d1) -> (0, 0, 0)>
module attributes {stable_mosaic.version = 14 : i64} {
  func.func @_sc_msgpass_body(%arg0: i32, %arg1: i32, %arg2: memref<10240x128xf32, #tpu.memory_space<hbm>>, %arg3: memref<2x2560x128xi32, #tpu.memory_space<hbm>>, %arg4: memref<10240x128xf32, #tpu.memory_space<hbm>>, %arg5: memref<2x10240x128xf32, #tpu.memory_space<hbm>>, %arg6: memref<2x128xi32, #tpu.memory_space<vmem>>, %arg7: memref<80x128xi32, #tpu.memory_space<vmem>>, %arg8: memref<2x128x128xf32, #tpu.memory_space<vmem>>, %arg9: memref<10240x128xf32, #tpu.memory_space<vmem_shared>>, %arg10: memref<!tpu.dma_semaphore, #tpu.memory_space<semaphore_mem>>, %arg11: memref<!tpu.dma_semaphore, #tpu.memory_space<semaphore_mem>>) attributes {dimension_semantics = [#tpu.dimension_semantics<core_parallel>, #tpu.dimension_semantics<subcore_parallel>], iteration_bounds = array<i64: 2, 16>, scalar_prefetch = 0 : i64, scratch_operands = 6 : i64, tpu.core_type = #tpu.core_type<sc_vector_subcore>, window_params = [{transform_indices = #map}, {transform_indices = #map1}, {transform_indices = #map}, {transform_indices = #map1}]} {
    %mul3A = arith.constant 2 : i32
    %mul3A_0 = arith.muli %arg1, %mul3A : i32
    %add3A = arith.addi %mul3A_0, %arg0 : i32
    %mul3A_1 = arith.constant 640 : i32
    %mul3A_2 = arith.muli %arg1, %mul3A_1 : i32
    %mul3A_3 = arith.constant 640 : i32
    %mul3A_4 = arith.muli %arg1, %mul3A_3 : i32
    "tpu.region"() ({
      %run_scoped3A_32 = tpu.sem_alloc : memref<!tpu.dma_semaphore, #tpu.memory_space<semaphore_mem>>
      %dma_start3A_33 = arith.constant 0 : i32
      %dma_start3A_34 = tpu.memref_slice %arg9[%mul3A_4, %dma_start3A_33] : memref<10240x128xf32, #tpu.memory_space<vmem_shared>> -> memref<640x128xf32, #tpu.memory_space<vmem_shared>>
      %dma_start3A_35 = arith.constant 0 : i32
      %dma_start3A_36 = tpu.memref_slice %arg4[%mul3A_2, %dma_start3A_35] : memref<10240x128xf32, #tpu.memory_space<hbm>> -> memref<640x128xf32, #tpu.memory_space<hbm>>
      tpu.enqueue_dma source(%dma_start3A_36 : memref<640x128xf32, #tpu.memory_space<hbm>>) target(%dma_start3A_34 : memref<640x128xf32, #tpu.memory_space<vmem_shared>>) target_semaphore(%run_scoped3A_32 : memref<!tpu.dma_semaphore, #tpu.memory_space<semaphore_mem>>)
      %dma_wait3A = arith.constant 0 : i32
      %dma_wait3A_37 = tpu.memref_slice %arg9[%mul3A_4, %dma_wait3A] : memref<10240x128xf32, #tpu.memory_space<vmem_shared>> -> memref<640x128xf32, #tpu.memory_space<vmem_shared>>
      %dma_wait3A_38 = arith.constant 0 : i32
      %dma_wait3A_39 = tpu.memref_slice %arg4[%mul3A_2, %dma_wait3A_38] : memref<10240x128xf32, #tpu.memory_space<hbm>> -> memref<640x128xf32, #tpu.memory_space<hbm>>
      tpu.wait_dma2 semaphore(%run_scoped3A_32 : memref<!tpu.dma_semaphore, #tpu.memory_space<semaphore_mem>>) src(%dma_wait3A_39 : memref<640x128xf32, #tpu.memory_space<hbm>>) dst(%dma_wait3A_37 : memref<640x128xf32, #tpu.memory_space<vmem_shared>>)
      tpu.yield
    }) : () -> ()
    %mul3A_5 = arith.constant 80 : i32
    %mul3A_6 = arith.muli %add3A, %mul3A_5 : i32
    %run_scoped3A = arith.constant 1 : i32
    "tpu.region"() ({
      %run_scoped3A_32 = tpu.sem_alloc : memref<!tpu.dma_semaphore, #tpu.memory_space<semaphore_mem>>
      %dma_start3A_33 = arith.constant 0 : i32
      %dma_start3A_34 = tpu.memref_slice %arg3[%run_scoped3A, %mul3A_6, %dma_start3A_33] : memref<2x2560x128xi32, #tpu.memory_space<hbm>> -> memref<1x80x128xi32, #tpu.memory_space<hbm>>
      %dma_start3A_35 = tpu.memref_squeeze %dma_start3A_34 : memref<1x80x128xi32, #tpu.memory_space<hbm>> -> memref<80x128xi32, #tpu.memory_space<hbm>>
      %dma_start3A_36 = arith.constant 0 : i32
      %dma_start3A_37 = tpu.memref_slice %arg3[%run_scoped3A, %mul3A_6, %dma_start3A_36] : memref<2x2560x128xi32, #tpu.memory_space<hbm>> -> memref<1x80x128xi32, #tpu.memory_space<hbm>>
      %dma_start3A_38 = tpu.memref_squeeze %dma_start3A_37 : memref<1x80x128xi32, #tpu.memory_space<hbm>> -> memref<80x128xi32, #tpu.memory_space<hbm>>
      tpu.enqueue_dma source(%dma_start3A_38 : memref<80x128xi32, #tpu.memory_space<hbm>>) target(%arg7 : memref<80x128xi32, #tpu.memory_space<vmem>>) target_semaphore(%run_scoped3A_32 : memref<!tpu.dma_semaphore, #tpu.memory_space<semaphore_mem>>)
      %dma_wait3A = arith.constant 0 : i32
      %dma_wait3A_39 = tpu.memref_slice %arg3[%run_scoped3A, %mul3A_6, %dma_wait3A] : memref<2x2560x128xi32, #tpu.memory_space<hbm>> -> memref<1x80x128xi32, #tpu.memory_space<hbm>>
      %dma_wait3A_40 = tpu.memref_squeeze %dma_wait3A_39 : memref<1x80x128xi32, #tpu.memory_space<hbm>> -> memref<80x128xi32, #tpu.memory_space<hbm>>
      %dma_wait3A_41 = arith.constant 0 : i32
      %dma_wait3A_42 = tpu.memref_slice %arg3[%run_scoped3A, %mul3A_6, %dma_wait3A_41] : memref<2x2560x128xi32, #tpu.memory_space<hbm>> -> memref<1x80x128xi32, #tpu.memory_space<hbm>>
      %dma_wait3A_43 = tpu.memref_squeeze %dma_wait3A_42 : memref<1x80x128xi32, #tpu.memory_space<hbm>> -> memref<80x128xi32, #tpu.memory_space<hbm>>
      tpu.wait_dma2 semaphore(%run_scoped3A_32 : memref<!tpu.dma_semaphore, #tpu.memory_space<semaphore_mem>>) src(%dma_wait3A_43 : memref<80x128xi32, #tpu.memory_space<hbm>>) dst(%arg7 : memref<80x128xi32, #tpu.memory_space<vmem>>)
      tpu.yield
    }) : () -> ()
    %barrier3A = arith.constant 0 : index
    tpu.barrier barrier_id(%barrier3A)
    %add3A_7 = arith.constant 0 : i32
    %add3A_8 = arith.addi %mul3A_6, %add3A_7 : i32
    %run_scoped3A_9 = arith.constant 0 : i32
    %run_scoped3A_10 = arith.constant 0 : i32
    "tpu.region"() ({
      %run_scoped3A_32 = tpu.sem_alloc : memref<!tpu.dma_semaphore, #tpu.memory_space<semaphore_mem>>
      %dma_start3A_33 = arith.constant 0 : i32
      %dma_start3A_34 = tpu.memref_slice %arg6[%run_scoped3A_10, %dma_start3A_33] : memref<2x128xi32, #tpu.memory_space<vmem>> -> memref<1x128xi32, #tpu.memory_space<vmem>>
      %dma_start3A_35 = tpu.memref_squeeze %dma_start3A_34 : memref<1x128xi32, #tpu.memory_space<vmem>> -> memref<128xi32, #tpu.memory_space<vmem>>
      %dma_start3A_36 = arith.constant 0 : i32
      %dma_start3A_37 = tpu.memref_slice %arg3[%run_scoped3A_9, %add3A_8, %dma_start3A_36] : memref<2x2560x128xi32, #tpu.memory_space<hbm>> -> memref<1x1x128xi32, #tpu.memory_space<hbm>>
      %dma_start3A_38 = tpu.memref_squeeze %dma_start3A_37 : memref<1x1x128xi32, #tpu.memory_space<hbm>> -> memref<128xi32, #tpu.memory_space<hbm>>
      %dma_start3A_39 = arith.constant 0 : i32
      %dma_start3A_40 = tpu.memref_slice %arg6[%run_scoped3A_10, %dma_start3A_39] : memref<2x128xi32, #tpu.memory_space<vmem>> -> memref<1x128xi32, #tpu.memory_space<vmem>>
      %dma_start3A_41 = tpu.memref_squeeze %dma_start3A_40 : memref<1x128xi32, #tpu.memory_space<vmem>> -> memref<128xi32, #tpu.memory_space<vmem>>
      %dma_start3A_42 = arith.constant 0 : i32
      %dma_start3A_43 = tpu.memref_slice %arg3[%run_scoped3A_9, %add3A_8, %dma_start3A_42] : memref<2x2560x128xi32, #tpu.memory_space<hbm>> -> memref<1x1x128xi32, #tpu.memory_space<hbm>>
      %dma_start3A_44 = tpu.memref_squeeze %dma_start3A_43 : memref<1x1x128xi32, #tpu.memory_space<hbm>> -> memref<128xi32, #tpu.memory_space<hbm>>
      tpu.enqueue_dma source(%dma_start3A_44 : memref<128xi32, #tpu.memory_space<hbm>>) target(%dma_start3A_41 : memref<128xi32, #tpu.memory_space<vmem>>) target_semaphore(%run_scoped3A_32 : memref<!tpu.dma_semaphore, #tpu.memory_space<semaphore_mem>>)
      %dma_wait3A = arith.constant 0 : i32
      %dma_wait3A_45 = tpu.memref_slice %arg6[%run_scoped3A_10, %dma_wait3A] : memref<2x128xi32, #tpu.memory_space<vmem>> -> memref<1x128xi32, #tpu.memory_space<vmem>>
      %dma_wait3A_46 = tpu.memref_squeeze %dma_wait3A_45 : memref<1x128xi32, #tpu.memory_space<vmem>> -> memref<128xi32, #tpu.memory_space<vmem>>
      %dma_wait3A_47 = arith.constant 0 : i32
      %dma_wait3A_48 = tpu.memref_slice %arg3[%run_scoped3A_9, %add3A_8, %dma_wait3A_47] : memref<2x2560x128xi32, #tpu.memory_space<hbm>> -> memref<1x1x128xi32, #tpu.memory_space<hbm>>
      %dma_wait3A_49 = tpu.memref_squeeze %dma_wait3A_48 : memref<1x1x128xi32, #tpu.memory_space<hbm>> -> memref<128xi32, #tpu.memory_space<hbm>>
      %dma_wait3A_50 = arith.constant 0 : i32
      %dma_wait3A_51 = tpu.memref_slice %arg6[%run_scoped3A_10, %dma_wait3A_50] : memref<2x128xi32, #tpu.memory_space<vmem>> -> memref<1x128xi32, #tpu.memory_space<vmem>>
      %dma_wait3A_52 = tpu.memref_squeeze %dma_wait3A_51 : memref<1x128xi32, #tpu.memory_space<vmem>> -> memref<128xi32, #tpu.memory_space<vmem>>
      %dma_wait3A_53 = arith.constant 0 : i32
      %dma_wait3A_54 = tpu.memref_slice %arg3[%run_scoped3A_9, %add3A_8, %dma_wait3A_53] : memref<2x2560x128xi32, #tpu.memory_space<hbm>> -> memref<1x1x128xi32, #tpu.memory_space<hbm>>
      %dma_wait3A_55 = tpu.memref_squeeze %dma_wait3A_54 : memref<1x1x128xi32, #tpu.memory_space<hbm>> -> memref<128xi32, #tpu.memory_space<hbm>>
      tpu.wait_dma2 semaphore(%run_scoped3A_32 : memref<!tpu.dma_semaphore, #tpu.memory_space<semaphore_mem>>) src(%dma_wait3A_55 : memref<128xi32, #tpu.memory_space<hbm>>) dst(%dma_wait3A_52 : memref<128xi32, #tpu.memory_space<vmem>>)
      tpu.yield
    }) : () -> ()
    %dma_start3A = arith.constant 0 : i32
    %dma_start3A_11 = arith.constant 0 : i32
    %dma_start3A_12 = arith.constant 0 : i32
    %dma_start3A_13 = arith.constant 0 : i32
    %dma_start3A_14 = tpu.memref_slice %arg8[%dma_start3A_11, %dma_start3A_12, %dma_start3A_13] : memref<2x128x128xf32, #tpu.memory_space<vmem>> -> memref<1x128x128xf32, #tpu.memory_space<vmem>>
    %dma_start3A_15 = tpu.memref_squeeze %dma_start3A_14 : memref<1x128x128xf32, #tpu.memory_space<vmem>> -> memref<128x128xf32, #tpu.memory_space<vmem>>
    %dma_start3A_16 = arith.constant 0 : i32
    %dma_start3A_17 = tpu.memref_slice %arg6[%dma_start3A, %dma_start3A_16] : memref<2x128xi32, #tpu.memory_space<vmem>> -> memref<1x128xi32, #tpu.memory_space<vmem>>
    %dma_start3A_18 = tpu.memref_squeeze %dma_start3A_17 : memref<1x128xi32, #tpu.memory_space<vmem>> -> memref<128xi32, #tpu.memory_space<vmem>>
    %dma_start3A_19 = arith.constant 0 : i32
    %dma_start3A_20 = arith.constant 0 : i32
    %dma_start3A_21 = tpu.memref_slice %arg2[%dma_start3A_19, %dma_start3A_20] : memref<10240x128xf32, #tpu.memory_space<hbm>> -> memref<10240x128xf32, #tpu.memory_space<hbm>>
    tpu.enqueue_indirect_dma source(%dma_start3A_21 : memref<10240x128xf32, #tpu.memory_space<hbm>>) target(%dma_start3A_15 : memref<128x128xf32, #tpu.memory_space<vmem>>) offsets(%dma_start3A_18 : memref<128xi32, #tpu.memory_space<vmem>>) semaphore(%arg10 : memref<!tpu.dma_semaphore, #tpu.memory_space<semaphore_mem>>)
    %scan3A = arith.constant 0 : i32
    %scan3A_22 = arith.constant 0 : i32
    %scan3A_23 = arith.constant 40 : i32
    %scan3A_24 = arith.addi %scan3A_22, %scan3A_23 : i32
    %scan3A_25 = arith.constant 1 : i32
    scf.for %scan3A_32 = %scan3A_22 to %scan3A_24 step %scan3A_25  : i32 {
      %mul3A_33 = arith.constant 2 : i32
      %mul3A_34 = arith.muli %mul3A_33, %scan3A_32 : i32
      %add3A_35 = arith.constant 1 : i32
      %add3A_36 = arith.addi %mul3A_34, %add3A_35 : i32
      %add3A_37 = arith.addi %mul3A_6, %add3A_36 : i32
      %run_scoped3A_38 = arith.constant 0 : i32
      %run_scoped3A_39 = arith.constant 1 : i32
      "tpu.region"() ({
        %run_scoped3A_83 = tpu.sem_alloc : memref<!tpu.dma_semaphore, #tpu.memory_space<semaphore_mem>>
        %dma_start3A_84 = arith.constant 0 : i32
        %dma_start3A_85 = tpu.memref_slice %arg6[%run_scoped3A_39, %dma_start3A_84] : memref<2x128xi32, #tpu.memory_space<vmem>> -> memref<1x128xi32, #tpu.memory_space<vmem>>
        %dma_start3A_86 = tpu.memref_squeeze %dma_start3A_85 : memref<1x128xi32, #tpu.memory_space<vmem>> -> memref<128xi32, #tpu.memory_space<vmem>>
        %dma_start3A_87 = arith.constant 0 : i32
        %dma_start3A_88 = tpu.memref_slice %arg3[%run_scoped3A_38, %add3A_37, %dma_start3A_87] : memref<2x2560x128xi32, #tpu.memory_space<hbm>> -> memref<1x1x128xi32, #tpu.memory_space<hbm>>
        %dma_start3A_89 = tpu.memref_squeeze %dma_start3A_88 : memref<1x1x128xi32, #tpu.memory_space<hbm>> -> memref<128xi32, #tpu.memory_space<hbm>>
        %dma_start3A_90 = arith.constant 0 : i32
        %dma_start3A_91 = tpu.memref_slice %arg6[%run_scoped3A_39, %dma_start3A_90] : memref<2x128xi32, #tpu.memory_space<vmem>> -> memref<1x128xi32, #tpu.memory_space<vmem>>
        %dma_start3A_92 = tpu.memref_squeeze %dma_start3A_91 : memref<1x128xi32, #tpu.memory_space<vmem>> -> memref<128xi32, #tpu.memory_space<vmem>>
        %dma_start3A_93 = arith.constant 0 : i32
        %dma_start3A_94 = tpu.memref_slice %arg3[%run_scoped3A_38, %add3A_37, %dma_start3A_93] : memref<2x2560x128xi32, #tpu.memory_space<hbm>> -> memref<1x1x128xi32, #tpu.memory_space<hbm>>
        %dma_start3A_95 = tpu.memref_squeeze %dma_start3A_94 : memref<1x1x128xi32, #tpu.memory_space<hbm>> -> memref<128xi32, #tpu.memory_space<hbm>>
        tpu.enqueue_dma source(%dma_start3A_95 : memref<128xi32, #tpu.memory_space<hbm>>) target(%dma_start3A_92 : memref<128xi32, #tpu.memory_space<vmem>>) target_semaphore(%run_scoped3A_83 : memref<!tpu.dma_semaphore, #tpu.memory_space<semaphore_mem>>)
        %dma_wait3A_96 = arith.constant 0 : i32
        %dma_wait3A_97 = tpu.memref_slice %arg6[%run_scoped3A_39, %dma_wait3A_96] : memref<2x128xi32, #tpu.memory_space<vmem>> -> memref<1x128xi32, #tpu.memory_space<vmem>>
        %dma_wait3A_98 = tpu.memref_squeeze %dma_wait3A_97 : memref<1x128xi32, #tpu.memory_space<vmem>> -> memref<128xi32, #tpu.memory_space<vmem>>
        %dma_wait3A_99 = arith.constant 0 : i32
        %dma_wait3A_100 = tpu.memref_slice %arg3[%run_scoped3A_38, %add3A_37, %dma_wait3A_99] : memref<2x2560x128xi32, #tpu.memory_space<hbm>> -> memref<1x1x128xi32, #tpu.memory_space<hbm>>
        %dma_wait3A_101 = tpu.memref_squeeze %dma_wait3A_100 : memref<1x1x128xi32, #tpu.memory_space<hbm>> -> memref<128xi32, #tpu.memory_space<hbm>>
        %dma_wait3A_102 = arith.constant 0 : i32
        %dma_wait3A_103 = tpu.memref_slice %arg6[%run_scoped3A_39, %dma_wait3A_102] : memref<2x128xi32, #tpu.memory_space<vmem>> -> memref<1x128xi32, #tpu.memory_space<vmem>>
        %dma_wait3A_104 = tpu.memref_squeeze %dma_wait3A_103 : memref<1x128xi32, #tpu.memory_space<vmem>> -> memref<128xi32, #tpu.memory_space<vmem>>
        %dma_wait3A_105 = arith.constant 0 : i32
        %dma_wait3A_106 = tpu.memref_slice %arg3[%run_scoped3A_38, %add3A_37, %dma_wait3A_105] : memref<2x2560x128xi32, #tpu.memory_space<hbm>> -> memref<1x1x128xi32, #tpu.memory_space<hbm>>
        %dma_wait3A_107 = tpu.memref_squeeze %dma_wait3A_106 : memref<1x1x128xi32, #tpu.memory_space<hbm>> -> memref<128xi32, #tpu.memory_space<hbm>>
        tpu.wait_dma2 semaphore(%run_scoped3A_83 : memref<!tpu.dma_semaphore, #tpu.memory_space<semaphore_mem>>) src(%dma_wait3A_107 : memref<128xi32, #tpu.memory_space<hbm>>) dst(%dma_wait3A_104 : memref<128xi32, #tpu.memory_space<vmem>>)
        tpu.yield
      }) : () -> ()
      %dma_start3A_40 = arith.constant 1 : i32
      %dma_start3A_41 = arith.constant 1 : i32
      %dma_start3A_42 = arith.constant 0 : i32
      %dma_start3A_43 = arith.constant 0 : i32
      %dma_start3A_44 = tpu.memref_slice %arg8[%dma_start3A_41, %dma_start3A_42, %dma_start3A_43] : memref<2x128x128xf32, #tpu.memory_space<vmem>> -> memref<1x128x128xf32, #tpu.memory_space<vmem>>
      %dma_start3A_45 = tpu.memref_squeeze %dma_start3A_44 : memref<1x128x128xf32, #tpu.memory_space<vmem>> -> memref<128x128xf32, #tpu.memory_space<vmem>>
      %dma_start3A_46 = arith.constant 0 : i32
      %dma_start3A_47 = tpu.memref_slice %arg6[%dma_start3A_40, %dma_start3A_46] : memref<2x128xi32, #tpu.memory_space<vmem>> -> memref<1x128xi32, #tpu.memory_space<vmem>>
      %dma_start3A_48 = tpu.memref_squeeze %dma_start3A_47 : memref<1x128xi32, #tpu.memory_space<vmem>> -> memref<128xi32, #tpu.memory_space<vmem>>
      %dma_start3A_49 = arith.constant 0 : i32
      %dma_start3A_50 = arith.constant 0 : i32
      %dma_start3A_51 = tpu.memref_slice %arg2[%dma_start3A_49, %dma_start3A_50] : memref<10240x128xf32, #tpu.memory_space<hbm>> -> memref<10240x128xf32, #tpu.memory_space<hbm>>
      tpu.enqueue_indirect_dma source(%dma_start3A_51 : memref<10240x128xf32, #tpu.memory_space<hbm>>) target(%dma_start3A_45 : memref<128x128xf32, #tpu.memory_space<vmem>>) offsets(%dma_start3A_48 : memref<128xi32, #tpu.memory_space<vmem>>) semaphore(%arg11 : memref<!tpu.dma_semaphore, #tpu.memory_space<semaphore_mem>>)
      %dma_wait3A = arith.constant 0 : i32
      %dma_wait3A_52 = arith.constant 0 : i32
      %dma_wait3A_53 = arith.constant 0 : i32
      %dma_wait3A_54 = arith.constant 0 : i32
      %dma_wait3A_55 = tpu.memref_slice %arg8[%dma_wait3A_52, %dma_wait3A_53, %dma_wait3A_54] : memref<2x128x128xf32, #tpu.memory_space<vmem>> -> memref<1x128x128xf32, #tpu.memory_space<vmem>>
      %dma_wait3A_56 = tpu.memref_squeeze %dma_wait3A_55 : memref<1x128x128xf32, #tpu.memory_space<vmem>> -> memref<128x128xf32, #tpu.memory_space<vmem>>
      %dma_wait3A_57 = arith.constant 0 : i32
      %dma_wait3A_58 = tpu.memref_slice %arg6[%dma_wait3A, %dma_wait3A_57] : memref<2x128xi32, #tpu.memory_space<vmem>> -> memref<1x128xi32, #tpu.memory_space<vmem>>
      %dma_wait3A_59 = tpu.memref_squeeze %dma_wait3A_58 : memref<1x128xi32, #tpu.memory_space<vmem>> -> memref<128xi32, #tpu.memory_space<vmem>>
      %dma_wait3A_60 = arith.constant 0 : i32
      %dma_wait3A_61 = arith.constant 0 : i32
      %dma_wait3A_62 = tpu.memref_slice %arg2[%dma_wait3A_60, %dma_wait3A_61] : memref<10240x128xf32, #tpu.memory_space<hbm>> -> memref<10240x128xf32, #tpu.memory_space<hbm>>
      tpu.wait_indirect_dma semaphore(%arg10 : memref<!tpu.dma_semaphore, #tpu.memory_space<semaphore_mem>>) src(%dma_wait3A_62 : memref<10240x128xf32, #tpu.memory_space<hbm>>) dst(%dma_wait3A_56 : memref<128x128xf32, #tpu.memory_space<vmem>>)
      %run_scoped3A_63 = arith.constant 0 : i32
      "tpu.region"() ({
        %run_scoped3A_83 = tpu.sem_alloc : memref<!tpu.dma_semaphore, #tpu.memory_space<semaphore_mem>>
        %dma_start3A_84 = arith.constant 0 : i32
        %dma_start3A_85 = arith.constant 0 : i32
        %dma_start3A_86 = tpu.memref_slice %arg8[%run_scoped3A_63, %dma_start3A_84, %dma_start3A_85] : memref<2x128x128xf32, #tpu.memory_space<vmem>> -> memref<1x128x128xf32, #tpu.memory_space<vmem>>
        %dma_start3A_87 = tpu.memref_squeeze %dma_start3A_86 : memref<1x128x128xf32, #tpu.memory_space<vmem>> -> memref<128x128xf32, #tpu.memory_space<vmem>>
        %dma_start3A_88 = arith.constant 0 : i32
        %dma_start3A_89 = tpu.memref_slice %arg7[%mul3A_34, %dma_start3A_88] : memref<80x128xi32, #tpu.memory_space<vmem>> -> memref<1x128xi32, #tpu.memory_space<vmem>>
        %dma_start3A_90 = tpu.memref_squeeze %dma_start3A_89 : memref<1x128xi32, #tpu.memory_space<vmem>> -> memref<128xi32, #tpu.memory_space<vmem>>
        %dma_start3A_91 = arith.constant 0 : i32
        %dma_start3A_92 = arith.constant 0 : i32
        %dma_start3A_93 = tpu.memref_slice %arg9[%dma_start3A_91, %dma_start3A_92] : memref<10240x128xf32, #tpu.memory_space<vmem_shared>> -> memref<10240x128xf32, #tpu.memory_space<vmem_shared>>
        tpu.enqueue_indirect_dma source(%dma_start3A_87 : memref<128x128xf32, #tpu.memory_space<vmem>>) target(%dma_start3A_93 : memref<10240x128xf32, #tpu.memory_space<vmem_shared>>) offsets(%dma_start3A_90 : memref<128xi32, #tpu.memory_space<vmem>>) semaphore(%run_scoped3A_83 : memref<!tpu.dma_semaphore, #tpu.memory_space<semaphore_mem>>) {add = true}
        %dma_wait3A_94 = arith.constant 0 : i32
        %dma_wait3A_95 = arith.constant 0 : i32
        %dma_wait3A_96 = tpu.memref_slice %arg8[%run_scoped3A_63, %dma_wait3A_94, %dma_wait3A_95] : memref<2x128x128xf32, #tpu.memory_space<vmem>> -> memref<1x128x128xf32, #tpu.memory_space<vmem>>
        %dma_wait3A_97 = tpu.memref_squeeze %dma_wait3A_96 : memref<1x128x128xf32, #tpu.memory_space<vmem>> -> memref<128x128xf32, #tpu.memory_space<vmem>>
        %dma_wait3A_98 = arith.constant 0 : i32
        %dma_wait3A_99 = tpu.memref_slice %arg7[%mul3A_34, %dma_wait3A_98] : memref<80x128xi32, #tpu.memory_space<vmem>> -> memref<1x128xi32, #tpu.memory_space<vmem>>
        %dma_wait3A_100 = tpu.memref_squeeze %dma_wait3A_99 : memref<1x128xi32, #tpu.memory_space<vmem>> -> memref<128xi32, #tpu.memory_space<vmem>>
        %dma_wait3A_101 = arith.constant 0 : i32
        %dma_wait3A_102 = arith.constant 0 : i32
        %dma_wait3A_103 = tpu.memref_slice %arg9[%dma_wait3A_101, %dma_wait3A_102] : memref<10240x128xf32, #tpu.memory_space<vmem_shared>> -> memref<10240x128xf32, #tpu.memory_space<vmem_shared>>
        tpu.wait_indirect_dma semaphore(%run_scoped3A_83 : memref<!tpu.dma_semaphore, #tpu.memory_space<semaphore_mem>>) src(%dma_wait3A_97 : memref<128x128xf32, #tpu.memory_space<vmem>>) dst(%dma_wait3A_103 : memref<10240x128xf32, #tpu.memory_space<vmem_shared>>)
        tpu.yield
      }) : () -> ()
      %add3A_64 = arith.constant 1 : i32
      %add3A_65 = arith.addi %scan3A_32, %add3A_64 : i32
      %lt3A = arith.constant 40 : i32
      %lt3A_66 = arith.cmpi slt, %add3A_65, %lt3A : i32
      %convert_element_type3A = arith.extui %lt3A_66 : i1 to i32
      %cond3A = arith.constant 0 : i32
      %cond3A_67 = arith.cmpi ne, %convert_element_type3A, %cond3A : i32
      scf.if %cond3A_67 {
        %add3A_83 = arith.constant 2 : i32
        %add3A_84 = arith.addi %mul3A_34, %add3A_83 : i32
        %add3A_85 = arith.addi %mul3A_6, %add3A_84 : i32
        %run_scoped3A_86 = arith.constant 0 : i32
        %run_scoped3A_87 = arith.constant 0 : i32
        "tpu.region"() ({
          %run_scoped3A_100 = tpu.sem_alloc : memref<!tpu.dma_semaphore, #tpu.memory_space<semaphore_mem>>
          %dma_start3A_101 = arith.constant 0 : i32
          %dma_start3A_102 = tpu.memref_slice %arg6[%run_scoped3A_87, %dma_start3A_101] : memref<2x128xi32, #tpu.memory_space<vmem>> -> memref<1x128xi32, #tpu.memory_space<vmem>>
          %dma_start3A_103 = tpu.memref_squeeze %dma_start3A_102 : memref<1x128xi32, #tpu.memory_space<vmem>> -> memref<128xi32, #tpu.memory_space<vmem>>
          %dma_start3A_104 = arith.constant 0 : i32
          %dma_start3A_105 = tpu.memref_slice %arg3[%run_scoped3A_86, %add3A_85, %dma_start3A_104] : memref<2x2560x128xi32, #tpu.memory_space<hbm>> -> memref<1x1x128xi32, #tpu.memory_space<hbm>>
          %dma_start3A_106 = tpu.memref_squeeze %dma_start3A_105 : memref<1x1x128xi32, #tpu.memory_space<hbm>> -> memref<128xi32, #tpu.memory_space<hbm>>
          %dma_start3A_107 = arith.constant 0 : i32
          %dma_start3A_108 = tpu.memref_slice %arg6[%run_scoped3A_87, %dma_start3A_107] : memref<2x128xi32, #tpu.memory_space<vmem>> -> memref<1x128xi32, #tpu.memory_space<vmem>>
          %dma_start3A_109 = tpu.memref_squeeze %dma_start3A_108 : memref<1x128xi32, #tpu.memory_space<vmem>> -> memref<128xi32, #tpu.memory_space<vmem>>
          %dma_start3A_110 = arith.constant 0 : i32
          %dma_start3A_111 = tpu.memref_slice %arg3[%run_scoped3A_86, %add3A_85, %dma_start3A_110] : memref<2x2560x128xi32, #tpu.memory_space<hbm>> -> memref<1x1x128xi32, #tpu.memory_space<hbm>>
          %dma_start3A_112 = tpu.memref_squeeze %dma_start3A_111 : memref<1x1x128xi32, #tpu.memory_space<hbm>> -> memref<128xi32, #tpu.memory_space<hbm>>
          tpu.enqueue_dma source(%dma_start3A_112 : memref<128xi32, #tpu.memory_space<hbm>>) target(%dma_start3A_109 : memref<128xi32, #tpu.memory_space<vmem>>) target_semaphore(%run_scoped3A_100 : memref<!tpu.dma_semaphore, #tpu.memory_space<semaphore_mem>>)
          %dma_wait3A_113 = arith.constant 0 : i32
          %dma_wait3A_114 = tpu.memref_slice %arg6[%run_scoped3A_87, %dma_wait3A_113] : memref<2x128xi32, #tpu.memory_space<vmem>> -> memref<1x128xi32, #tpu.memory_space<vmem>>
          %dma_wait3A_115 = tpu.memref_squeeze %dma_wait3A_114 : memref<1x128xi32, #tpu.memory_space<vmem>> -> memref<128xi32, #tpu.memory_space<vmem>>
          %dma_wait3A_116 = arith.constant 0 : i32
          %dma_wait3A_117 = tpu.memref_slice %arg3[%run_scoped3A_86, %add3A_85, %dma_wait3A_116] : memref<2x2560x128xi32, #tpu.memory_space<hbm>> -> memref<1x1x128xi32, #tpu.memory_space<hbm>>
          %dma_wait3A_118 = tpu.memref_squeeze %dma_wait3A_117 : memref<1x1x128xi32, #tpu.memory_space<hbm>> -> memref<128xi32, #tpu.memory_space<hbm>>
          %dma_wait3A_119 = arith.constant 0 : i32
          %dma_wait3A_120 = tpu.memref_slice %arg6[%run_scoped3A_87, %dma_wait3A_119] : memref<2x128xi32, #tpu.memory_space<vmem>> -> memref<1x128xi32, #tpu.memory_space<vmem>>
          %dma_wait3A_121 = tpu.memref_squeeze %dma_wait3A_120 : memref<1x128xi32, #tpu.memory_space<vmem>> -> memref<128xi32, #tpu.memory_space<vmem>>
          %dma_wait3A_122 = arith.constant 0 : i32
          %dma_wait3A_123 = tpu.memref_slice %arg3[%run_scoped3A_86, %add3A_85, %dma_wait3A_122] : memref<2x2560x128xi32, #tpu.memory_space<hbm>> -> memref<1x1x128xi32, #tpu.memory_space<hbm>>
          %dma_wait3A_124 = tpu.memref_squeeze %dma_wait3A_123 : memref<1x1x128xi32, #tpu.memory_space<hbm>> -> memref<128xi32, #tpu.memory_space<hbm>>
          tpu.wait_dma2 semaphore(%run_scoped3A_100 : memref<!tpu.dma_semaphore, #tpu.memory_space<semaphore_mem>>) src(%dma_wait3A_124 : memref<128xi32, #tpu.memory_space<hbm>>) dst(%dma_wait3A_121 : memref<128xi32, #tpu.memory_space<vmem>>)
          tpu.yield
        }) : () -> ()
        %dma_start3A_88 = arith.constant 0 : i32
        %dma_start3A_89 = arith.constant 0 : i32
        %dma_start3A_90 = arith.constant 0 : i32
        %dma_start3A_91 = arith.constant 0 : i32
        %dma_start3A_92 = tpu.memref_slice %arg8[%dma_start3A_89, %dma_start3A_90, %dma_start3A_91] : memref<2x128x128xf32, #tpu.memory_space<vmem>> -> memref<1x128x128xf32, #tpu.memory_space<vmem>>
        %dma_start3A_93 = tpu.memref_squeeze %dma_start3A_92 : memref<1x128x128xf32, #tpu.memory_space<vmem>> -> memref<128x128xf32, #tpu.memory_space<vmem>>
        %dma_start3A_94 = arith.constant 0 : i32
        %dma_start3A_95 = tpu.memref_slice %arg6[%dma_start3A_88, %dma_start3A_94] : memref<2x128xi32, #tpu.memory_space<vmem>> -> memref<1x128xi32, #tpu.memory_space<vmem>>
        %dma_start3A_96 = tpu.memref_squeeze %dma_start3A_95 : memref<1x128xi32, #tpu.memory_space<vmem>> -> memref<128xi32, #tpu.memory_space<vmem>>
        %dma_start3A_97 = arith.constant 0 : i32
        %dma_start3A_98 = arith.constant 0 : i32
        %dma_start3A_99 = tpu.memref_slice %arg2[%dma_start3A_97, %dma_start3A_98] : memref<10240x128xf32, #tpu.memory_space<hbm>> -> memref<10240x128xf32, #tpu.memory_space<hbm>>
        tpu.enqueue_indirect_dma source(%dma_start3A_99 : memref<10240x128xf32, #tpu.memory_space<hbm>>) target(%dma_start3A_93 : memref<128x128xf32, #tpu.memory_space<vmem>>) offsets(%dma_start3A_96 : memref<128xi32, #tpu.memory_space<vmem>>) semaphore(%arg10 : memref<!tpu.dma_semaphore, #tpu.memory_space<semaphore_mem>>)
      } else {
      }
      %dma_wait3A_68 = arith.constant 1 : i32
      %dma_wait3A_69 = arith.constant 1 : i32
      %dma_wait3A_70 = arith.constant 0 : i32
      %dma_wait3A_71 = arith.constant 0 : i32
      %dma_wait3A_72 = tpu.memref_slice %arg8[%dma_wait3A_69, %dma_wait3A_70, %dma_wait3A_71] : memref<2x128x128xf32, #tpu.memory_space<vmem>> -> memref<1x128x128xf32, #tpu.memory_space<vmem>>
      %dma_wait3A_73 = tpu.memref_squeeze %dma_wait3A_72 : memref<1x128x128xf32, #tpu.memory_space<vmem>> -> memref<128x128xf32, #tpu.memory_space<vmem>>
      %dma_wait3A_74 = arith.constant 0 : i32
      %dma_wait3A_75 = tpu.memref_slice %arg6[%dma_wait3A_68, %dma_wait3A_74] : memref<2x128xi32, #tpu.memory_space<vmem>> -> memref<1x128xi32, #tpu.memory_space<vmem>>
      %dma_wait3A_76 = tpu.memref_squeeze %dma_wait3A_75 : memref<1x128xi32, #tpu.memory_space<vmem>> -> memref<128xi32, #tpu.memory_space<vmem>>
      %dma_wait3A_77 = arith.constant 0 : i32
      %dma_wait3A_78 = arith.constant 0 : i32
      %dma_wait3A_79 = tpu.memref_slice %arg2[%dma_wait3A_77, %dma_wait3A_78] : memref<10240x128xf32, #tpu.memory_space<hbm>> -> memref<10240x128xf32, #tpu.memory_space<hbm>>
      tpu.wait_indirect_dma semaphore(%arg11 : memref<!tpu.dma_semaphore, #tpu.memory_space<semaphore_mem>>) src(%dma_wait3A_79 : memref<10240x128xf32, #tpu.memory_space<hbm>>) dst(%dma_wait3A_73 : memref<128x128xf32, #tpu.memory_space<vmem>>)
      %add3A_80 = arith.constant 1 : i32
      %add3A_81 = arith.addi %mul3A_34, %add3A_80 : i32
      %run_scoped3A_82 = arith.constant 1 : i32
      "tpu.region"() ({
        %run_scoped3A_83 = tpu.sem_alloc : memref<!tpu.dma_semaphore, #tpu.memory_space<semaphore_mem>>
        %dma_start3A_84 = arith.constant 0 : i32
        %dma_start3A_85 = arith.constant 0 : i32
        %dma_start3A_86 = tpu.memref_slice %arg8[%run_scoped3A_82, %dma_start3A_84, %dma_start3A_85] : memref<2x128x128xf32, #tpu.memory_space<vmem>> -> memref<1x128x128xf32, #tpu.memory_space<vmem>>
        %dma_start3A_87 = tpu.memref_squeeze %dma_start3A_86 : memref<1x128x128xf32, #tpu.memory_space<vmem>> -> memref<128x128xf32, #tpu.memory_space<vmem>>
        %dma_start3A_88 = arith.constant 0 : i32
        %dma_start3A_89 = tpu.memref_slice %arg7[%add3A_81, %dma_start3A_88] : memref<80x128xi32, #tpu.memory_space<vmem>> -> memref<1x128xi32, #tpu.memory_space<vmem>>
        %dma_start3A_90 = tpu.memref_squeeze %dma_start3A_89 : memref<1x128xi32, #tpu.memory_space<vmem>> -> memref<128xi32, #tpu.memory_space<vmem>>
        %dma_start3A_91 = arith.constant 0 : i32
        %dma_start3A_92 = arith.constant 0 : i32
        %dma_start3A_93 = tpu.memref_slice %arg9[%dma_start3A_91, %dma_start3A_92] : memref<10240x128xf32, #tpu.memory_space<vmem_shared>> -> memref<10240x128xf32, #tpu.memory_space<vmem_shared>>
        tpu.enqueue_indirect_dma source(%dma_start3A_87 : memref<128x128xf32, #tpu.memory_space<vmem>>) target(%dma_start3A_93 : memref<10240x128xf32, #tpu.memory_space<vmem_shared>>) offsets(%dma_start3A_90 : memref<128xi32, #tpu.memory_space<vmem>>) semaphore(%run_scoped3A_83 : memref<!tpu.dma_semaphore, #tpu.memory_space<semaphore_mem>>) {add = true}
        %dma_wait3A_94 = arith.constant 0 : i32
        %dma_wait3A_95 = arith.constant 0 : i32
        %dma_wait3A_96 = tpu.memref_slice %arg8[%run_scoped3A_82, %dma_wait3A_94, %dma_wait3A_95] : memref<2x128x128xf32, #tpu.memory_space<vmem>> -> memref<1x128x128xf32, #tpu.memory_space<vmem>>
        %dma_wait3A_97 = tpu.memref_squeeze %dma_wait3A_96 : memref<1x128x128xf32, #tpu.memory_space<vmem>> -> memref<128x128xf32, #tpu.memory_space<vmem>>
        %dma_wait3A_98 = arith.constant 0 : i32
        %dma_wait3A_99 = tpu.memref_slice %arg7[%add3A_81, %dma_wait3A_98] : memref<80x128xi32, #tpu.memory_space<vmem>> -> memref<1x128xi32, #tpu.memory_space<vmem>>
        %dma_wait3A_100 = tpu.memref_squeeze %dma_wait3A_99 : memref<1x128xi32, #tpu.memory_space<vmem>> -> memref<128xi32, #tpu.memory_space<vmem>>
        %dma_wait3A_101 = arith.constant 0 : i32
        %dma_wait3A_102 = arith.constant 0 : i32
        %dma_wait3A_103 = tpu.memref_slice %arg9[%dma_wait3A_101, %dma_wait3A_102] : memref<10240x128xf32, #tpu.memory_space<vmem_shared>> -> memref<10240x128xf32, #tpu.memory_space<vmem_shared>>
        tpu.wait_indirect_dma semaphore(%run_scoped3A_83 : memref<!tpu.dma_semaphore, #tpu.memory_space<semaphore_mem>>) src(%dma_wait3A_97 : memref<128x128xf32, #tpu.memory_space<vmem>>) dst(%dma_wait3A_103 : memref<10240x128xf32, #tpu.memory_space<vmem_shared>>)
        tpu.yield
      }) : () -> ()
    }
    %scan3A_26 = arith.constant 40 : i32
    %barrier3A_27 = arith.constant 0 : index
    tpu.barrier barrier_id(%barrier3A_27)
    %mul3A_28 = arith.constant 640 : i32
    %mul3A_29 = arith.muli %arg1, %mul3A_28 : i32
    %mul3A_30 = arith.constant 640 : i32
    %mul3A_31 = arith.muli %arg1, %mul3A_30 : i32
    "tpu.region"() ({
      %run_scoped3A_32 = tpu.sem_alloc : memref<!tpu.dma_semaphore, #tpu.memory_space<semaphore_mem>>
      %dma_start3A_33 = arith.constant 0 : i32
      %dma_start3A_34 = tpu.memref_slice %arg5[%arg0, %mul3A_31, %dma_start3A_33] : memref<2x10240x128xf32, #tpu.memory_space<hbm>> -> memref<1x640x128xf32, #tpu.memory_space<hbm>>
      %dma_start3A_35 = tpu.memref_squeeze %dma_start3A_34 : memref<1x640x128xf32, #tpu.memory_space<hbm>> -> memref<640x128xf32, #tpu.memory_space<hbm>>
      %dma_start3A_36 = arith.constant 0 : i32
      %dma_start3A_37 = tpu.memref_slice %arg9[%mul3A_29, %dma_start3A_36] : memref<10240x128xf32, #tpu.memory_space<vmem_shared>> -> memref<640x128xf32, #tpu.memory_space<vmem_shared>>
      tpu.enqueue_dma source(%dma_start3A_37 : memref<640x128xf32, #tpu.memory_space<vmem_shared>>) target(%dma_start3A_35 : memref<640x128xf32, #tpu.memory_space<hbm>>) target_semaphore(%run_scoped3A_32 : memref<!tpu.dma_semaphore, #tpu.memory_space<semaphore_mem>>)
      %dma_wait3A = arith.constant 0 : i32
      %dma_wait3A_38 = tpu.memref_slice %arg5[%arg0, %mul3A_31, %dma_wait3A] : memref<2x10240x128xf32, #tpu.memory_space<hbm>> -> memref<1x640x128xf32, #tpu.memory_space<hbm>>
      %dma_wait3A_39 = tpu.memref_squeeze %dma_wait3A_38 : memref<1x640x128xf32, #tpu.memory_space<hbm>> -> memref<640x128xf32, #tpu.memory_space<hbm>>
      %dma_wait3A_40 = arith.constant 0 : i32
      %dma_wait3A_41 = tpu.memref_slice %arg9[%mul3A_29, %dma_wait3A_40] : memref<10240x128xf32, #tpu.memory_space<vmem_shared>> -> memref<640x128xf32, #tpu.memory_space<vmem_shared>>
      tpu.wait_dma2 semaphore(%run_scoped3A_32 : memref<!tpu.dma_semaphore, #tpu.memory_space<semaphore_mem>>) src(%dma_wait3A_41 : memref<640x128xf32, #tpu.memory_space<vmem_shared>>) dst(%dma_wait3A_39 : memref<640x128xf32, #tpu.memory_space<hbm>>)
      tpu.yield
    }) : () -> ()
    return
  }
}

#map = affine_map<(d0, d1) -> (0, 0)>
#map1 = affine_map<(d0, d1) -> (0, 0, 0)>
module attributes {stable_mosaic.version = 14 : i64} {
  func.func @_sc_msgpass_body(%arg0: i32, %arg1: i32, %arg2: memref<10240x128xf32, #tpu.memory_space<hbm>>, %arg3: memref<2x2560x128xi32, #tpu.memory_space<hbm>>, %arg4: memref<10240x128xf32, #tpu.memory_space<hbm>>, %arg5: memref<2x10240x128xf32, #tpu.memory_space<hbm>>, %arg6: memref<2x128xi32, #tpu.memory_space<vmem>>, %arg7: memref<80x128xi32, #tpu.memory_space<vmem>>, %arg8: memref<2x128x128xf32, #tpu.memory_space<vmem>>, %arg9: memref<10240x128xf32, #tpu.memory_space<vmem_shared>>, %arg10: memref<!tpu.dma_semaphore, #tpu.memory_space<semaphore_mem>>, %arg11: memref<!tpu.dma_semaphore, #tpu.memory_space<semaphore_mem>>) attributes {dimension_semantics = [#tpu.dimension_semantics<core_parallel>, #tpu.dimension_semantics<subcore_parallel>], iteration_bounds = array<i64: 2, 16>, scalar_prefetch = 0 : i64, scratch_operands = 6 : i64, tpu.core_type = #tpu.core_type<sc_vector_subcore>, window_params = [{transform_indices = #map}, {transform_indices = #map1}, {transform_indices = #map}, {transform_indices = #map1}]} {
    %mul3A = arith.constant 2 : i32
    %mul3A_0 = arith.muli %arg1, %mul3A : i32
    %add3A = arith.addi %mul3A_0, %arg0 : i32
    %mul3A_1 = arith.constant 640 : i32
    %mul3A_2 = arith.muli %arg1, %mul3A_1 : i32
    %mul3A_3 = arith.constant 640 : i32
    %mul3A_4 = arith.muli %arg1, %mul3A_3 : i32
    "tpu.region"() ({
      %run_scoped3A_32 = tpu.sem_alloc : memref<!tpu.dma_semaphore, #tpu.memory_space<semaphore_mem>>
      %dma_start3A_33 = arith.constant 0 : i32
      %dma_start3A_34 = tpu.memref_slice %arg9[%mul3A_4, %dma_start3A_33] : memref<10240x128xf32, #tpu.memory_space<vmem_shared>> -> memref<640x128xf32, #tpu.memory_space<vmem_shared>>
      %dma_start3A_35 = arith.constant 0 : i32
      %dma_start3A_36 = tpu.memref_slice %arg4[%mul3A_2, %dma_start3A_35] : memref<10240x128xf32, #tpu.memory_space<hbm>> -> memref<640x128xf32, #tpu.memory_space<hbm>>
      tpu.enqueue_dma source(%dma_start3A_36 : memref<640x128xf32, #tpu.memory_space<hbm>>) target(%dma_start3A_34 : memref<640x128xf32, #tpu.memory_space<vmem_shared>>) target_semaphore(%run_scoped3A_32 : memref<!tpu.dma_semaphore, #tpu.memory_space<semaphore_mem>>)
      %dma_wait3A = arith.constant 0 : i32
      %dma_wait3A_37 = tpu.memref_slice %arg9[%mul3A_4, %dma_wait3A] : memref<10240x128xf32, #tpu.memory_space<vmem_shared>> -> memref<640x128xf32, #tpu.memory_space<vmem_shared>>
      %dma_wait3A_38 = arith.constant 0 : i32
      %dma_wait3A_39 = tpu.memref_slice %arg4[%mul3A_2, %dma_wait3A_38] : memref<10240x128xf32, #tpu.memory_space<hbm>> -> memref<640x128xf32, #tpu.memory_space<hbm>>
      tpu.wait_dma2 semaphore(%run_scoped3A_32 : memref<!tpu.dma_semaphore, #tpu.memory_space<semaphore_mem>>) src(%dma_wait3A_39 : memref<640x128xf32, #tpu.memory_space<hbm>>) dst(%dma_wait3A_37 : memref<640x128xf32, #tpu.memory_space<vmem_shared>>)
      tpu.yield
    }) : () -> ()
    %mul3A_5 = arith.constant 80 : i32
    %mul3A_6 = arith.muli %add3A, %mul3A_5 : i32
    %run_scoped3A = arith.constant 1 : i32
    "tpu.region"() ({
      %run_scoped3A_32 = tpu.sem_alloc : memref<!tpu.dma_semaphore, #tpu.memory_space<semaphore_mem>>
      %dma_start3A_33 = arith.constant 0 : i32
      %dma_start3A_34 = tpu.memref_slice %arg3[%run_scoped3A, %mul3A_6, %dma_start3A_33] : memref<2x2560x128xi32, #tpu.memory_space<hbm>> -> memref<1x80x128xi32, #tpu.memory_space<hbm>>
      %dma_start3A_35 = tpu.memref_squeeze %dma_start3A_34 : memref<1x80x128xi32, #tpu.memory_space<hbm>> -> memref<80x128xi32, #tpu.memory_space<hbm>>
      %dma_start3A_36 = arith.constant 0 : i32
      %dma_start3A_37 = tpu.memref_slice %arg3[%run_scoped3A, %mul3A_6, %dma_start3A_36] : memref<2x2560x128xi32, #tpu.memory_space<hbm>> -> memref<1x80x128xi32, #tpu.memory_space<hbm>>
      %dma_start3A_38 = tpu.memref_squeeze %dma_start3A_37 : memref<1x80x128xi32, #tpu.memory_space<hbm>> -> memref<80x128xi32, #tpu.memory_space<hbm>>
      tpu.enqueue_dma source(%dma_start3A_38 : memref<80x128xi32, #tpu.memory_space<hbm>>) target(%arg7 : memref<80x128xi32, #tpu.memory_space<vmem>>) target_semaphore(%run_scoped3A_32 : memref<!tpu.dma_semaphore, #tpu.memory_space<semaphore_mem>>)
      %dma_wait3A = arith.constant 0 : i32
      %dma_wait3A_39 = tpu.memref_slice %arg3[%run_scoped3A, %mul3A_6, %dma_wait3A] : memref<2x2560x128xi32, #tpu.memory_space<hbm>> -> memref<1x80x128xi32, #tpu.memory_space<hbm>>
      %dma_wait3A_40 = tpu.memref_squeeze %dma_wait3A_39 : memref<1x80x128xi32, #tpu.memory_space<hbm>> -> memref<80x128xi32, #tpu.memory_space<hbm>>
      %dma_wait3A_41 = arith.constant 0 : i32
      %dma_wait3A_42 = tpu.memref_slice %arg3[%run_scoped3A, %mul3A_6, %dma_wait3A_41] : memref<2x2560x128xi32, #tpu.memory_space<hbm>> -> memref<1x80x128xi32, #tpu.memory_space<hbm>>
      %dma_wait3A_43 = tpu.memref_squeeze %dma_wait3A_42 : memref<1x80x128xi32, #tpu.memory_space<hbm>> -> memref<80x128xi32, #tpu.memory_space<hbm>>
      tpu.wait_dma2 semaphore(%run_scoped3A_32 : memref<!tpu.dma_semaphore, #tpu.memory_space<semaphore_mem>>) src(%dma_wait3A_43 : memref<80x128xi32, #tpu.memory_space<hbm>>) dst(%arg7 : memref<80x128xi32, #tpu.memory_space<vmem>>)
      tpu.yield
    }) : () -> ()
    %barrier3A = arith.constant 0 : index
    tpu.barrier barrier_id(%barrier3A)
    %add3A_7 = arith.constant 0 : i32
    %add3A_8 = arith.addi %mul3A_6, %add3A_7 : i32
    %run_scoped3A_9 = arith.constant 0 : i32
    %run_scoped3A_10 = arith.constant 0 : i32
    "tpu.region"() ({
      %run_scoped3A_32 = tpu.sem_alloc : memref<!tpu.dma_semaphore, #tpu.memory_space<semaphore_mem>>
      %dma_start3A_33 = arith.constant 0 : i32
      %dma_start3A_34 = tpu.memref_slice %arg6[%run_scoped3A_10, %dma_start3A_33] : memref<2x128xi32, #tpu.memory_space<vmem>> -> memref<1x128xi32, #tpu.memory_space<vmem>>
      %dma_start3A_35 = tpu.memref_squeeze %dma_start3A_34 : memref<1x128xi32, #tpu.memory_space<vmem>> -> memref<128xi32, #tpu.memory_space<vmem>>
      %dma_start3A_36 = arith.constant 0 : i32
      %dma_start3A_37 = tpu.memref_slice %arg3[%run_scoped3A_9, %add3A_8, %dma_start3A_36] : memref<2x2560x128xi32, #tpu.memory_space<hbm>> -> memref<1x1x128xi32, #tpu.memory_space<hbm>>
      %dma_start3A_38 = tpu.memref_squeeze %dma_start3A_37 : memref<1x1x128xi32, #tpu.memory_space<hbm>> -> memref<128xi32, #tpu.memory_space<hbm>>
      %dma_start3A_39 = arith.constant 0 : i32
      %dma_start3A_40 = tpu.memref_slice %arg6[%run_scoped3A_10, %dma_start3A_39] : memref<2x128xi32, #tpu.memory_space<vmem>> -> memref<1x128xi32, #tpu.memory_space<vmem>>
      %dma_start3A_41 = tpu.memref_squeeze %dma_start3A_40 : memref<1x128xi32, #tpu.memory_space<vmem>> -> memref<128xi32, #tpu.memory_space<vmem>>
      %dma_start3A_42 = arith.constant 0 : i32
      %dma_start3A_43 = tpu.memref_slice %arg3[%run_scoped3A_9, %add3A_8, %dma_start3A_42] : memref<2x2560x128xi32, #tpu.memory_space<hbm>> -> memref<1x1x128xi32, #tpu.memory_space<hbm>>
      %dma_start3A_44 = tpu.memref_squeeze %dma_start3A_43 : memref<1x1x128xi32, #tpu.memory_space<hbm>> -> memref<128xi32, #tpu.memory_space<hbm>>
      tpu.enqueue_dma source(%dma_start3A_44 : memref<128xi32, #tpu.memory_space<hbm>>) target(%dma_start3A_41 : memref<128xi32, #tpu.memory_space<vmem>>) target_semaphore(%run_scoped3A_32 : memref<!tpu.dma_semaphore, #tpu.memory_space<semaphore_mem>>)
      %dma_wait3A = arith.constant 0 : i32
      %dma_wait3A_45 = tpu.memref_slice %arg6[%run_scoped3A_10, %dma_wait3A] : memref<2x128xi32, #tpu.memory_space<vmem>> -> memref<1x128xi32, #tpu.memory_space<vmem>>
      %dma_wait3A_46 = tpu.memref_squeeze %dma_wait3A_45 : memref<1x128xi32, #tpu.memory_space<vmem>> -> memref<128xi32, #tpu.memory_space<vmem>>
      %dma_wait3A_47 = arith.constant 0 : i32
      %dma_wait3A_48 = tpu.memref_slice %arg3[%run_scoped3A_9, %add3A_8, %dma_wait3A_47] : memref<2x2560x128xi32, #tpu.memory_space<hbm>> -> memref<1x1x128xi32, #tpu.memory_space<hbm>>
      %dma_wait3A_49 = tpu.memref_squeeze %dma_wait3A_48 : memref<1x1x128xi32, #tpu.memory_space<hbm>> -> memref<128xi32, #tpu.memory_space<hbm>>
      %dma_wait3A_50 = arith.constant 0 : i32
      %dma_wait3A_51 = tpu.memref_slice %arg6[%run_scoped3A_10, %dma_wait3A_50] : memref<2x128xi32, #tpu.memory_space<vmem>> -> memref<1x128xi32, #tpu.memory_space<vmem>>
      %dma_wait3A_52 = tpu.memref_squeeze %dma_wait3A_51 : memref<1x128xi32, #tpu.memory_space<vmem>> -> memref<128xi32, #tpu.memory_space<vmem>>
      %dma_wait3A_53 = arith.constant 0 : i32
      %dma_wait3A_54 = tpu.memref_slice %arg3[%run_scoped3A_9, %add3A_8, %dma_wait3A_53] : memref<2x2560x128xi32, #tpu.memory_space<hbm>> -> memref<1x1x128xi32, #tpu.memory_space<hbm>>
      %dma_wait3A_55 = tpu.memref_squeeze %dma_wait3A_54 : memref<1x1x128xi32, #tpu.memory_space<hbm>> -> memref<128xi32, #tpu.memory_space<hbm>>
      tpu.wait_dma2 semaphore(%run_scoped3A_32 : memref<!tpu.dma_semaphore, #tpu.memory_space<semaphore_mem>>) src(%dma_wait3A_55 : memref<128xi32, #tpu.memory_space<hbm>>) dst(%dma_wait3A_52 : memref<128xi32, #tpu.memory_space<vmem>>)
      tpu.yield
    }) : () -> ()
    %dma_start3A = arith.constant 0 : i32
    %dma_start3A_11 = arith.constant 0 : i32
    %dma_start3A_12 = arith.constant 0 : i32
    %dma_start3A_13 = arith.constant 0 : i32
    %dma_start3A_14 = tpu.memref_slice %arg8[%dma_start3A_11, %dma_start3A_12, %dma_start3A_13] : memref<2x128x128xf32, #tpu.memory_space<vmem>> -> memref<1x128x128xf32, #tpu.memory_space<vmem>>
    %dma_start3A_15 = tpu.memref_squeeze %dma_start3A_14 : memref<1x128x128xf32, #tpu.memory_space<vmem>> -> memref<128x128xf32, #tpu.memory_space<vmem>>
    %dma_start3A_16 = arith.constant 0 : i32
    %dma_start3A_17 = tpu.memref_slice %arg6[%dma_start3A, %dma_start3A_16] : memref<2x128xi32, #tpu.memory_space<vmem>> -> memref<1x128xi32, #tpu.memory_space<vmem>>
    %dma_start3A_18 = tpu.memref_squeeze %dma_start3A_17 : memref<1x128xi32, #tpu.memory_space<vmem>> -> memref<128xi32, #tpu.memory_space<vmem>>
    %dma_start3A_19 = arith.constant 0 : i32
    %dma_start3A_20 = arith.constant 0 : i32
    %dma_start3A_21 = tpu.memref_slice %arg2[%dma_start3A_19, %dma_start3A_20] : memref<10240x128xf32, #tpu.memory_space<hbm>> -> memref<10240x128xf32, #tpu.memory_space<hbm>>
    tpu.enqueue_indirect_dma source(%dma_start3A_21 : memref<10240x128xf32, #tpu.memory_space<hbm>>) target(%dma_start3A_15 : memref<128x128xf32, #tpu.memory_space<vmem>>) offsets(%dma_start3A_18 : memref<128xi32, #tpu.memory_space<vmem>>) semaphore(%arg10 : memref<!tpu.dma_semaphore, #tpu.memory_space<semaphore_mem>>)
    %scan3A = arith.constant 0 : i32
    %scan3A_22 = arith.constant 0 : i32
    %scan3A_23 = arith.constant 40 : i32
    %scan3A_24 = arith.addi %scan3A_22, %scan3A_23 : i32
    %scan3A_25 = arith.constant 1 : i32
    scf.for %scan3A_32 = %scan3A_22 to %scan3A_24 step %scan3A_25  : i32 {
      %mul3A_33 = arith.constant 2 : i32
      %mul3A_34 = arith.muli %mul3A_33, %scan3A_32 : i32
      %add3A_35 = arith.constant 1 : i32
      %add3A_36 = arith.addi %mul3A_34, %add3A_35 : i32
      %add3A_37 = arith.addi %mul3A_6, %add3A_36 : i32
      %run_scoped3A_38 = arith.constant 0 : i32
      %run_scoped3A_39 = arith.constant 1 : i32
      "tpu.region"() ({
        %run_scoped3A_83 = tpu.sem_alloc : memref<!tpu.dma_semaphore, #tpu.memory_space<semaphore_mem>>
        %dma_start3A_84 = arith.constant 0 : i32
        %dma_start3A_85 = tpu.memref_slice %arg6[%run_scoped3A_39, %dma_start3A_84] : memref<2x128xi32, #tpu.memory_space<vmem>> -> memref<1x128xi32, #tpu.memory_space<vmem>>
        %dma_start3A_86 = tpu.memref_squeeze %dma_start3A_85 : memref<1x128xi32, #tpu.memory_space<vmem>> -> memref<128xi32, #tpu.memory_space<vmem>>
        %dma_start3A_87 = arith.constant 0 : i32
        %dma_start3A_88 = tpu.memref_slice %arg3[%run_scoped3A_38, %add3A_37, %dma_start3A_87] : memref<2x2560x128xi32, #tpu.memory_space<hbm>> -> memref<1x1x128xi32, #tpu.memory_space<hbm>>
        %dma_start3A_89 = tpu.memref_squeeze %dma_start3A_88 : memref<1x1x128xi32, #tpu.memory_space<hbm>> -> memref<128xi32, #tpu.memory_space<hbm>>
        %dma_start3A_90 = arith.constant 0 : i32
        %dma_start3A_91 = tpu.memref_slice %arg6[%run_scoped3A_39, %dma_start3A_90] : memref<2x128xi32, #tpu.memory_space<vmem>> -> memref<1x128xi32, #tpu.memory_space<vmem>>
        %dma_start3A_92 = tpu.memref_squeeze %dma_start3A_91 : memref<1x128xi32, #tpu.memory_space<vmem>> -> memref<128xi32, #tpu.memory_space<vmem>>
        %dma_start3A_93 = arith.constant 0 : i32
        %dma_start3A_94 = tpu.memref_slice %arg3[%run_scoped3A_38, %add3A_37, %dma_start3A_93] : memref<2x2560x128xi32, #tpu.memory_space<hbm>> -> memref<1x1x128xi32, #tpu.memory_space<hbm>>
        %dma_start3A_95 = tpu.memref_squeeze %dma_start3A_94 : memref<1x1x128xi32, #tpu.memory_space<hbm>> -> memref<128xi32, #tpu.memory_space<hbm>>
        tpu.enqueue_dma source(%dma_start3A_95 : memref<128xi32, #tpu.memory_space<hbm>>) target(%dma_start3A_92 : memref<128xi32, #tpu.memory_space<vmem>>) target_semaphore(%run_scoped3A_83 : memref<!tpu.dma_semaphore, #tpu.memory_space<semaphore_mem>>)
        %dma_wait3A_96 = arith.constant 0 : i32
        %dma_wait3A_97 = tpu.memref_slice %arg6[%run_scoped3A_39, %dma_wait3A_96] : memref<2x128xi32, #tpu.memory_space<vmem>> -> memref<1x128xi32, #tpu.memory_space<vmem>>
        %dma_wait3A_98 = tpu.memref_squeeze %dma_wait3A_97 : memref<1x128xi32, #tpu.memory_space<vmem>> -> memref<128xi32, #tpu.memory_space<vmem>>
        %dma_wait3A_99 = arith.constant 0 : i32
        %dma_wait3A_100 = tpu.memref_slice %arg3[%run_scoped3A_38, %add3A_37, %dma_wait3A_99] : memref<2x2560x128xi32, #tpu.memory_space<hbm>> -> memref<1x1x128xi32, #tpu.memory_space<hbm>>
        %dma_wait3A_101 = tpu.memref_squeeze %dma_wait3A_100 : memref<1x1x128xi32, #tpu.memory_space<hbm>> -> memref<128xi32, #tpu.memory_space<hbm>>
        %dma_wait3A_102 = arith.constant 0 : i32
        %dma_wait3A_103 = tpu.memref_slice %arg6[%run_scoped3A_39, %dma_wait3A_102] : memref<2x128xi32, #tpu.memory_space<vmem>> -> memref<1x128xi32, #tpu.memory_space<vmem>>
        %dma_wait3A_104 = tpu.memref_squeeze %dma_wait3A_103 : memref<1x128xi32, #tpu.memory_space<vmem>> -> memref<128xi32, #tpu.memory_space<vmem>>
        %dma_wait3A_105 = arith.constant 0 : i32
        %dma_wait3A_106 = tpu.memref_slice %arg3[%run_scoped3A_38, %add3A_37, %dma_wait3A_105] : memref<2x2560x128xi32, #tpu.memory_space<hbm>> -> memref<1x1x128xi32, #tpu.memory_space<hbm>>
        %dma_wait3A_107 = tpu.memref_squeeze %dma_wait3A_106 : memref<1x1x128xi32, #tpu.memory_space<hbm>> -> memref<128xi32, #tpu.memory_space<hbm>>
        tpu.wait_dma2 semaphore(%run_scoped3A_83 : memref<!tpu.dma_semaphore, #tpu.memory_space<semaphore_mem>>) src(%dma_wait3A_107 : memref<128xi32, #tpu.memory_space<hbm>>) dst(%dma_wait3A_104 : memref<128xi32, #tpu.memory_space<vmem>>)
        tpu.yield
      }) : () -> ()
      %dma_start3A_40 = arith.constant 1 : i32
      %dma_start3A_41 = arith.constant 1 : i32
      %dma_start3A_42 = arith.constant 0 : i32
      %dma_start3A_43 = arith.constant 0 : i32
      %dma_start3A_44 = tpu.memref_slice %arg8[%dma_start3A_41, %dma_start3A_42, %dma_start3A_43] : memref<2x128x128xf32, #tpu.memory_space<vmem>> -> memref<1x128x128xf32, #tpu.memory_space<vmem>>
      %dma_start3A_45 = tpu.memref_squeeze %dma_start3A_44 : memref<1x128x128xf32, #tpu.memory_space<vmem>> -> memref<128x128xf32, #tpu.memory_space<vmem>>
      %dma_start3A_46 = arith.constant 0 : i32
      %dma_start3A_47 = tpu.memref_slice %arg6[%dma_start3A_40, %dma_start3A_46] : memref<2x128xi32, #tpu.memory_space<vmem>> -> memref<1x128xi32, #tpu.memory_space<vmem>>
      %dma_start3A_48 = tpu.memref_squeeze %dma_start3A_47 : memref<1x128xi32, #tpu.memory_space<vmem>> -> memref<128xi32, #tpu.memory_space<vmem>>
      %dma_start3A_49 = arith.constant 0 : i32
      %dma_start3A_50 = arith.constant 0 : i32
      %dma_start3A_51 = tpu.memref_slice %arg2[%dma_start3A_49, %dma_start3A_50] : memref<10240x128xf32, #tpu.memory_space<hbm>> -> memref<10240x128xf32, #tpu.memory_space<hbm>>
      tpu.enqueue_indirect_dma source(%dma_start3A_51 : memref<10240x128xf32, #tpu.memory_space<hbm>>) target(%dma_start3A_45 : memref<128x128xf32, #tpu.memory_space<vmem>>) offsets(%dma_start3A_48 : memref<128xi32, #tpu.memory_space<vmem>>) semaphore(%arg11 : memref<!tpu.dma_semaphore, #tpu.memory_space<semaphore_mem>>)
      %dma_wait3A = arith.constant 0 : i32
      %dma_wait3A_52 = arith.constant 0 : i32
      %dma_wait3A_53 = arith.constant 0 : i32
      %dma_wait3A_54 = arith.constant 0 : i32
      %dma_wait3A_55 = tpu.memref_slice %arg8[%dma_wait3A_52, %dma_wait3A_53, %dma_wait3A_54] : memref<2x128x128xf32, #tpu.memory_space<vmem>> -> memref<1x128x128xf32, #tpu.memory_space<vmem>>
      %dma_wait3A_56 = tpu.memref_squeeze %dma_wait3A_55 : memref<1x128x128xf32, #tpu.memory_space<vmem>> -> memref<128x128xf32, #tpu.memory_space<vmem>>
      %dma_wait3A_57 = arith.constant 0 : i32
      %dma_wait3A_58 = tpu.memref_slice %arg6[%dma_wait3A, %dma_wait3A_57] : memref<2x128xi32, #tpu.memory_space<vmem>> -> memref<1x128xi32, #tpu.memory_space<vmem>>
      %dma_wait3A_59 = tpu.memref_squeeze %dma_wait3A_58 : memref<1x128xi32, #tpu.memory_space<vmem>> -> memref<128xi32, #tpu.memory_space<vmem>>
      %dma_wait3A_60 = arith.constant 0 : i32
      %dma_wait3A_61 = arith.constant 0 : i32
      %dma_wait3A_62 = tpu.memref_slice %arg2[%dma_wait3A_60, %dma_wait3A_61] : memref<10240x128xf32, #tpu.memory_space<hbm>> -> memref<10240x128xf32, #tpu.memory_space<hbm>>
      tpu.wait_indirect_dma semaphore(%arg10 : memref<!tpu.dma_semaphore, #tpu.memory_space<semaphore_mem>>) src(%dma_wait3A_62 : memref<10240x128xf32, #tpu.memory_space<hbm>>) dst(%dma_wait3A_56 : memref<128x128xf32, #tpu.memory_space<vmem>>)
      %run_scoped3A_63 = arith.constant 0 : i32
      "tpu.region"() ({
        %run_scoped3A_83 = tpu.sem_alloc : memref<!tpu.dma_semaphore, #tpu.memory_space<semaphore_mem>>
        %dma_start3A_84 = arith.constant 0 : i32
        %dma_start3A_85 = arith.constant 0 : i32
        %dma_start3A_86 = tpu.memref_slice %arg8[%run_scoped3A_63, %dma_start3A_84, %dma_start3A_85] : memref<2x128x128xf32, #tpu.memory_space<vmem>> -> memref<1x128x128xf32, #tpu.memory_space<vmem>>
        %dma_start3A_87 = tpu.memref_squeeze %dma_start3A_86 : memref<1x128x128xf32, #tpu.memory_space<vmem>> -> memref<128x128xf32, #tpu.memory_space<vmem>>
        %dma_start3A_88 = arith.constant 0 : i32
        %dma_start3A_89 = tpu.memref_slice %arg7[%mul3A_34, %dma_start3A_88] : memref<80x128xi32, #tpu.memory_space<vmem>> -> memref<1x128xi32, #tpu.memory_space<vmem>>
        %dma_start3A_90 = tpu.memref_squeeze %dma_start3A_89 : memref<1x128xi32, #tpu.memory_space<vmem>> -> memref<128xi32, #tpu.memory_space<vmem>>
        %dma_start3A_91 = arith.constant 0 : i32
        %dma_start3A_92 = arith.constant 0 : i32
        %dma_start3A_93 = tpu.memref_slice %arg9[%dma_start3A_91, %dma_start3A_92] : memref<10240x128xf32, #tpu.memory_space<vmem_shared>> -> memref<10240x128xf32, #tpu.memory_space<vmem_shared>>
        tpu.enqueue_indirect_dma source(%dma_start3A_87 : memref<128x128xf32, #tpu.memory_space<vmem>>) target(%dma_start3A_93 : memref<10240x128xf32, #tpu.memory_space<vmem_shared>>) offsets(%dma_start3A_90 : memref<128xi32, #tpu.memory_space<vmem>>) semaphore(%run_scoped3A_83 : memref<!tpu.dma_semaphore, #tpu.memory_space<semaphore_mem>>) {add = true}
        %dma_wait3A_94 = arith.constant 0 : i32
        %dma_wait3A_95 = arith.constant 0 : i32
        %dma_wait3A_96 = tpu.memref_slice %arg8[%run_scoped3A_63, %dma_wait3A_94, %dma_wait3A_95] : memref<2x128x128xf32, #tpu.memory_space<vmem>> -> memref<1x128x128xf32, #tpu.memory_space<vmem>>
        %dma_wait3A_97 = tpu.memref_squeeze %dma_wait3A_96 : memref<1x128x128xf32, #tpu.memory_space<vmem>> -> memref<128x128xf32, #tpu.memory_space<vmem>>
        %dma_wait3A_98 = arith.constant 0 : i32
        %dma_wait3A_99 = tpu.memref_slice %arg7[%mul3A_34, %dma_wait3A_98] : memref<80x128xi32, #tpu.memory_space<vmem>> -> memref<1x128xi32, #tpu.memory_space<vmem>>
        %dma_wait3A_100 = tpu.memref_squeeze %dma_wait3A_99 : memref<1x128xi32, #tpu.memory_space<vmem>> -> memref<128xi32, #tpu.memory_space<vmem>>
        %dma_wait3A_101 = arith.constant 0 : i32
        %dma_wait3A_102 = arith.constant 0 : i32
        %dma_wait3A_103 = tpu.memref_slice %arg9[%dma_wait3A_101, %dma_wait3A_102] : memref<10240x128xf32, #tpu.memory_space<vmem_shared>> -> memref<10240x128xf32, #tpu.memory_space<vmem_shared>>
        tpu.wait_indirect_dma semaphore(%run_scoped3A_83 : memref<!tpu.dma_semaphore, #tpu.memory_space<semaphore_mem>>) src(%dma_wait3A_97 : memref<128x128xf32, #tpu.memory_space<vmem>>) dst(%dma_wait3A_103 : memref<10240x128xf32, #tpu.memory_space<vmem_shared>>)
        tpu.yield
      }) : () -> ()
      %add3A_64 = arith.constant 1 : i32
      %add3A_65 = arith.addi %scan3A_32, %add3A_64 : i32
      %lt3A = arith.constant 40 : i32
      %lt3A_66 = arith.cmpi slt, %add3A_65, %lt3A : i32
      %convert_element_type3A = arith.extui %lt3A_66 : i1 to i32
      %cond3A = arith.constant 0 : i32
      %cond3A_67 = arith.cmpi ne, %convert_element_type3A, %cond3A : i32
      scf.if %cond3A_67 {
        %add3A_83 = arith.constant 2 : i32
        %add3A_84 = arith.addi %mul3A_34, %add3A_83 : i32
        %add3A_85 = arith.addi %mul3A_6, %add3A_84 : i32
        %run_scoped3A_86 = arith.constant 0 : i32
        %run_scoped3A_87 = arith.constant 0 : i32
        "tpu.region"() ({
          %run_scoped3A_100 = tpu.sem_alloc : memref<!tpu.dma_semaphore, #tpu.memory_space<semaphore_mem>>
          %dma_start3A_101 = arith.constant 0 : i32
          %dma_start3A_102 = tpu.memref_slice %arg6[%run_scoped3A_87, %dma_start3A_101] : memref<2x128xi32, #tpu.memory_space<vmem>> -> memref<1x128xi32, #tpu.memory_space<vmem>>
          %dma_start3A_103 = tpu.memref_squeeze %dma_start3A_102 : memref<1x128xi32, #tpu.memory_space<vmem>> -> memref<128xi32, #tpu.memory_space<vmem>>
          %dma_start3A_104 = arith.constant 0 : i32
          %dma_start3A_105 = tpu.memref_slice %arg3[%run_scoped3A_86, %add3A_85, %dma_start3A_104] : memref<2x2560x128xi32, #tpu.memory_space<hbm>> -> memref<1x1x128xi32, #tpu.memory_space<hbm>>
          %dma_start3A_106 = tpu.memref_squeeze %dma_start3A_105 : memref<1x1x128xi32, #tpu.memory_space<hbm>> -> memref<128xi32, #tpu.memory_space<hbm>>
          %dma_start3A_107 = arith.constant 0 : i32
          %dma_start3A_108 = tpu.memref_slice %arg6[%run_scoped3A_87, %dma_start3A_107] : memref<2x128xi32, #tpu.memory_space<vmem>> -> memref<1x128xi32, #tpu.memory_space<vmem>>
          %dma_start3A_109 = tpu.memref_squeeze %dma_start3A_108 : memref<1x128xi32, #tpu.memory_space<vmem>> -> memref<128xi32, #tpu.memory_space<vmem>>
          %dma_start3A_110 = arith.constant 0 : i32
          %dma_start3A_111 = tpu.memref_slice %arg3[%run_scoped3A_86, %add3A_85, %dma_start3A_110] : memref<2x2560x128xi32, #tpu.memory_space<hbm>> -> memref<1x1x128xi32, #tpu.memory_space<hbm>>
          %dma_start3A_112 = tpu.memref_squeeze %dma_start3A_111 : memref<1x1x128xi32, #tpu.memory_space<hbm>> -> memref<128xi32, #tpu.memory_space<hbm>>
          tpu.enqueue_dma source(%dma_start3A_112 : memref<128xi32, #tpu.memory_space<hbm>>) target(%dma_start3A_109 : memref<128xi32, #tpu.memory_space<vmem>>) target_semaphore(%run_scoped3A_100 : memref<!tpu.dma_semaphore, #tpu.memory_space<semaphore_mem>>)
          %dma_wait3A_113 = arith.constant 0 : i32
          %dma_wait3A_114 = tpu.memref_slice %arg6[%run_scoped3A_87, %dma_wait3A_113] : memref<2x128xi32, #tpu.memory_space<vmem>> -> memref<1x128xi32, #tpu.memory_space<vmem>>
          %dma_wait3A_115 = tpu.memref_squeeze %dma_wait3A_114 : memref<1x128xi32, #tpu.memory_space<vmem>> -> memref<128xi32, #tpu.memory_space<vmem>>
          %dma_wait3A_116 = arith.constant 0 : i32
          %dma_wait3A_117 = tpu.memref_slice %arg3[%run_scoped3A_86, %add3A_85, %dma_wait3A_116] : memref<2x2560x128xi32, #tpu.memory_space<hbm>> -> memref<1x1x128xi32, #tpu.memory_space<hbm>>
          %dma_wait3A_118 = tpu.memref_squeeze %dma_wait3A_117 : memref<1x1x128xi32, #tpu.memory_space<hbm>> -> memref<128xi32, #tpu.memory_space<hbm>>
          %dma_wait3A_119 = arith.constant 0 : i32
          %dma_wait3A_120 = tpu.memref_slice %arg6[%run_scoped3A_87, %dma_wait3A_119] : memref<2x128xi32, #tpu.memory_space<vmem>> -> memref<1x128xi32, #tpu.memory_space<vmem>>
          %dma_wait3A_121 = tpu.memref_squeeze %dma_wait3A_120 : memref<1x128xi32, #tpu.memory_space<vmem>> -> memref<128xi32, #tpu.memory_space<vmem>>
          %dma_wait3A_122 = arith.constant 0 : i32
          %dma_wait3A_123 = tpu.memref_slice %arg3[%run_scoped3A_86, %add3A_85, %dma_wait3A_122] : memref<2x2560x128xi32, #tpu.memory_space<hbm>> -> memref<1x1x128xi32, #tpu.memory_space<hbm>>
          %dma_wait3A_124 = tpu.memref_squeeze %dma_wait3A_123 : memref<1x1x128xi32, #tpu.memory_space<hbm>> -> memref<128xi32, #tpu.memory_space<hbm>>
          tpu.wait_dma2 semaphore(%run_scoped3A_100 : memref<!tpu.dma_semaphore, #tpu.memory_space<semaphore_mem>>) src(%dma_wait3A_124 : memref<128xi32, #tpu.memory_space<hbm>>) dst(%dma_wait3A_121 : memref<128xi32, #tpu.memory_space<vmem>>)
          tpu.yield
        }) : () -> ()
        %dma_start3A_88 = arith.constant 0 : i32
        %dma_start3A_89 = arith.constant 0 : i32
        %dma_start3A_90 = arith.constant 0 : i32
        %dma_start3A_91 = arith.constant 0 : i32
        %dma_start3A_92 = tpu.memref_slice %arg8[%dma_start3A_89, %dma_start3A_90, %dma_start3A_91] : memref<2x128x128xf32, #tpu.memory_space<vmem>> -> memref<1x128x128xf32, #tpu.memory_space<vmem>>
        %dma_start3A_93 = tpu.memref_squeeze %dma_start3A_92 : memref<1x128x128xf32, #tpu.memory_space<vmem>> -> memref<128x128xf32, #tpu.memory_space<vmem>>
        %dma_start3A_94 = arith.constant 0 : i32
        %dma_start3A_95 = tpu.memref_slice %arg6[%dma_start3A_88, %dma_start3A_94] : memref<2x128xi32, #tpu.memory_space<vmem>> -> memref<1x128xi32, #tpu.memory_space<vmem>>
        %dma_start3A_96 = tpu.memref_squeeze %dma_start3A_95 : memref<1x128xi32, #tpu.memory_space<vmem>> -> memref<128xi32, #tpu.memory_space<vmem>>
        %dma_start3A_97 = arith.constant 0 : i32
        %dma_start3A_98 = arith.constant 0 : i32
        %dma_start3A_99 = tpu.memref_slice %arg2[%dma_start3A_97, %dma_start3A_98] : memref<10240x128xf32, #tpu.memory_space<hbm>> -> memref<10240x128xf32, #tpu.memory_space<hbm>>
        tpu.enqueue_indirect_dma source(%dma_start3A_99 : memref<10240x128xf32, #tpu.memory_space<hbm>>) target(%dma_start3A_93 : memref<128x128xf32, #tpu.memory_space<vmem>>) offsets(%dma_start3A_96 : memref<128xi32, #tpu.memory_space<vmem>>) semaphore(%arg10 : memref<!tpu.dma_semaphore, #tpu.memory_space<semaphore_mem>>)
      } else {
      }
      %dma_wait3A_68 = arith.constant 1 : i32
      %dma_wait3A_69 = arith.constant 1 : i32
      %dma_wait3A_70 = arith.constant 0 : i32
      %dma_wait3A_71 = arith.constant 0 : i32
      %dma_wait3A_72 = tpu.memref_slice %arg8[%dma_wait3A_69, %dma_wait3A_70, %dma_wait3A_71] : memref<2x128x128xf32, #tpu.memory_space<vmem>> -> memref<1x128x128xf32, #tpu.memory_space<vmem>>
      %dma_wait3A_73 = tpu.memref_squeeze %dma_wait3A_72 : memref<1x128x128xf32, #tpu.memory_space<vmem>> -> memref<128x128xf32, #tpu.memory_space<vmem>>
      %dma_wait3A_74 = arith.constant 0 : i32
      %dma_wait3A_75 = tpu.memref_slice %arg6[%dma_wait3A_68, %dma_wait3A_74] : memref<2x128xi32, #tpu.memory_space<vmem>> -> memref<1x128xi32, #tpu.memory_space<vmem>>
      %dma_wait3A_76 = tpu.memref_squeeze %dma_wait3A_75 : memref<1x128xi32, #tpu.memory_space<vmem>> -> memref<128xi32, #tpu.memory_space<vmem>>
      %dma_wait3A_77 = arith.constant 0 : i32
      %dma_wait3A_78 = arith.constant 0 : i32
      %dma_wait3A_79 = tpu.memref_slice %arg2[%dma_wait3A_77, %dma_wait3A_78] : memref<10240x128xf32, #tpu.memory_space<hbm>> -> memref<10240x128xf32, #tpu.memory_space<hbm>>
      tpu.wait_indirect_dma semaphore(%arg11 : memref<!tpu.dma_semaphore, #tpu.memory_space<semaphore_mem>>) src(%dma_wait3A_79 : memref<10240x128xf32, #tpu.memory_space<hbm>>) dst(%dma_wait3A_73 : memref<128x128xf32, #tpu.memory_space<vmem>>)
      %add3A_80 = arith.constant 1 : i32
      %add3A_81 = arith.addi %mul3A_34, %add3A_80 : i32
      %run_scoped3A_82 = arith.constant 1 : i32
      "tpu.region"() ({
        %run_scoped3A_83 = tpu.sem_alloc : memref<!tpu.dma_semaphore, #tpu.memory_space<semaphore_mem>>
        %dma_start3A_84 = arith.constant 0 : i32
        %dma_start3A_85 = arith.constant 0 : i32
        %dma_start3A_86 = tpu.memref_slice %arg8[%run_scoped3A_82, %dma_start3A_84, %dma_start3A_85] : memref<2x128x128xf32, #tpu.memory_space<vmem>> -> memref<1x128x128xf32, #tpu.memory_space<vmem>>
        %dma_start3A_87 = tpu.memref_squeeze %dma_start3A_86 : memref<1x128x128xf32, #tpu.memory_space<vmem>> -> memref<128x128xf32, #tpu.memory_space<vmem>>
        %dma_start3A_88 = arith.constant 0 : i32
        %dma_start3A_89 = tpu.memref_slice %arg7[%add3A_81, %dma_start3A_88] : memref<80x128xi32, #tpu.memory_space<vmem>> -> memref<1x128xi32, #tpu.memory_space<vmem>>
        %dma_start3A_90 = tpu.memref_squeeze %dma_start3A_89 : memref<1x128xi32, #tpu.memory_space<vmem>> -> memref<128xi32, #tpu.memory_space<vmem>>
        %dma_start3A_91 = arith.constant 0 : i32
        %dma_start3A_92 = arith.constant 0 : i32
        %dma_start3A_93 = tpu.memref_slice %arg9[%dma_start3A_91, %dma_start3A_92] : memref<10240x128xf32, #tpu.memory_space<vmem_shared>> -> memref<10240x128xf32, #tpu.memory_space<vmem_shared>>
        tpu.enqueue_indirect_dma source(%dma_start3A_87 : memref<128x128xf32, #tpu.memory_space<vmem>>) target(%dma_start3A_93 : memref<10240x128xf32, #tpu.memory_space<vmem_shared>>) offsets(%dma_start3A_90 : memref<128xi32, #tpu.memory_space<vmem>>) semaphore(%run_scoped3A_83 : memref<!tpu.dma_semaphore, #tpu.memory_space<semaphore_mem>>) {add = true}
        %dma_wait3A_94 = arith.constant 0 : i32
        %dma_wait3A_95 = arith.constant 0 : i32
        %dma_wait3A_96 = tpu.memref_slice %arg8[%run_scoped3A_82, %dma_wait3A_94, %dma_wait3A_95] : memref<2x128x128xf32, #tpu.memory_space<vmem>> -> memref<1x128x128xf32, #tpu.memory_space<vmem>>
        %dma_wait3A_97 = tpu.memref_squeeze %dma_wait3A_96 : memref<1x128x128xf32, #tpu.memory_space<vmem>> -> memref<128x128xf32, #tpu.memory_space<vmem>>
        %dma_wait3A_98 = arith.constant 0 : i32
        %dma_wait3A_99 = tpu.memref_slice %arg7[%add3A_81, %dma_wait3A_98] : memref<80x128xi32, #tpu.memory_space<vmem>> -> memref<1x128xi32, #tpu.memory_space<vmem>>
        %dma_wait3A_100 = tpu.memref_squeeze %dma_wait3A_99 : memref<1x128xi32, #tpu.memory_space<vmem>> -> memref<128xi32, #tpu.memory_space<vmem>>
        %dma_wait3A_101 = arith.constant 0 : i32
        %dma_wait3A_102 = arith.constant 0 : i32
        %dma_wait3A_103 = tpu.memref_slice %arg9[%dma_wait3A_101, %dma_wait3A_102] : memref<10240x128xf32, #tpu.memory_space<vmem_shared>> -> memref<10240x128xf32, #tpu.memory_space<vmem_shared>>
        tpu.wait_indirect_dma semaphore(%run_scoped3A_83 : memref<!tpu.dma_semaphore, #tpu.memory_space<semaphore_mem>>) src(%dma_wait3A_97 : memref<128x128xf32, #tpu.memory_space<vmem>>) dst(%dma_wait3A_103 : memref<10240x128xf32, #tpu.memory_space<vmem_shared>>)
        tpu.yield
      }) : () -> ()
    }
    %scan3A_26 = arith.constant 40 : i32
    %barrier3A_27 = arith.constant 0 : index
    tpu.barrier barrier_id(%barrier3A_27)
    %mul3A_28 = arith.constant 640 : i32
    %mul3A_29 = arith.muli %arg1, %mul3A_28 : i32
    %mul3A_30 = arith.constant 640 : i32
    %mul3A_31 = arith.muli %arg1, %mul3A_30 : i32
    "tpu.region"() ({
      %run_scoped3A_32 = tpu.sem_alloc : memref<!tpu.dma_semaphore, #tpu.memory_space<semaphore_mem>>
      %dma_start3A_33 = arith.constant 0 : i32
      %dma_start3A_34 = tpu.memref_slice %arg5[%arg0, %mul3A_31, %dma_start3A_33] : memref<2x10240x128xf32, #tpu.memory_space<hbm>> -> memref<1x640x128xf32, #tpu.memory_space<hbm>>
      %dma_start3A_35 = tpu.memref_squeeze %dma_start3A_34 : memref<1x640x128xf32, #tpu.memory_space<hbm>> -> memref<640x128xf32, #tpu.memory_space<hbm>>
      %dma_start3A_36 = arith.constant 0 : i32
      %dma_start3A_37 = tpu.memref_slice %arg9[%mul3A_29, %dma_start3A_36] : memref<10240x128xf32, #tpu.memory_space<vmem_shared>> -> memref<640x128xf32, #tpu.memory_space<vmem_shared>>
      tpu.enqueue_dma source(%dma_start3A_37 : memref<640x128xf32, #tpu.memory_space<vmem_shared>>) target(%dma_start3A_35 : memref<640x128xf32, #tpu.memory_space<hbm>>) target_semaphore(%run_scoped3A_32 : memref<!tpu.dma_semaphore, #tpu.memory_space<semaphore_mem>>)
      %dma_wait3A = arith.constant 0 : i32
      %dma_wait3A_38 = tpu.memref_slice %arg5[%arg0, %mul3A_31, %dma_wait3A] : memref<2x10240x128xf32, #tpu.memory_space<hbm>> -> memref<1x640x128xf32, #tpu.memory_space<hbm>>
      %dma_wait3A_39 = tpu.memref_squeeze %dma_wait3A_38 : memref<1x640x128xf32, #tpu.memory_space<hbm>> -> memref<640x128xf32, #tpu.memory_space<hbm>>
      %dma_wait3A_40 = arith.constant 0 : i32
      %dma_wait3A_41 = tpu.memref_slice %arg9[%mul3A_29, %dma_wait3A_40] : memref<10240x128xf32, #tpu.memory_space<vmem_shared>> -> memref<640x128xf32, #tpu.memory_space<vmem_shared>>
      tpu.wait_dma2 semaphore(%run_scoped3A_32 : memref<!tpu.dma_semaphore, #tpu.memory_space<semaphore_mem>>) src(%dma_wait3A_41 : memref<640x128xf32, #tpu.memory_space<vmem_shared>>) dst(%dma_wait3A_39 : memref<640x128xf32, #tpu.memory_space<hbm>>)
      tpu.yield
    }) : () -> ()
    return
  }
}

#map = affine_map<(d0, d1) -> (0, 0)>
#map1 = affine_map<(d0, d1) -> (0, 0, 0)>
module attributes {stable_mosaic.version = 14 : i64} {
  func.func @_sc_msgpass_body(%arg0: i32, %arg1: i32, %arg2: memref<10240x128xf32, #tpu.memory_space<hbm>>, %arg3: memref<2x2560x128xi32, #tpu.memory_space<hbm>>, %arg4: memref<10240x128xf32, #tpu.memory_space<hbm>>, %arg5: memref<2x10240x128xf32, #tpu.memory_space<hbm>>, %arg6: memref<2x128xi32, #tpu.memory_space<vmem>>, %arg7: memref<80x128xi32, #tpu.memory_space<vmem>>, %arg8: memref<2x128x128xf32, #tpu.memory_space<vmem>>, %arg9: memref<10240x128xf32, #tpu.memory_space<vmem_shared>>, %arg10: memref<!tpu.dma_semaphore, #tpu.memory_space<semaphore_mem>>, %arg11: memref<!tpu.dma_semaphore, #tpu.memory_space<semaphore_mem>>) attributes {dimension_semantics = [#tpu.dimension_semantics<core_parallel>, #tpu.dimension_semantics<subcore_parallel>], iteration_bounds = array<i64: 2, 16>, scalar_prefetch = 0 : i64, scratch_operands = 6 : i64, tpu.core_type = #tpu.core_type<sc_vector_subcore>, window_params = [{transform_indices = #map}, {transform_indices = #map1}, {transform_indices = #map}, {transform_indices = #map1}]} {
    %mul3A = arith.constant 2 : i32
    %mul3A_0 = arith.muli %arg1, %mul3A : i32
    %add3A = arith.addi %mul3A_0, %arg0 : i32
    %mul3A_1 = arith.constant 640 : i32
    %mul3A_2 = arith.muli %arg1, %mul3A_1 : i32
    %mul3A_3 = arith.constant 640 : i32
    %mul3A_4 = arith.muli %arg1, %mul3A_3 : i32
    "tpu.region"() ({
      %run_scoped3A_32 = tpu.sem_alloc : memref<!tpu.dma_semaphore, #tpu.memory_space<semaphore_mem>>
      %dma_start3A_33 = arith.constant 0 : i32
      %dma_start3A_34 = tpu.memref_slice %arg9[%mul3A_4, %dma_start3A_33] : memref<10240x128xf32, #tpu.memory_space<vmem_shared>> -> memref<640x128xf32, #tpu.memory_space<vmem_shared>>
      %dma_start3A_35 = arith.constant 0 : i32
      %dma_start3A_36 = tpu.memref_slice %arg4[%mul3A_2, %dma_start3A_35] : memref<10240x128xf32, #tpu.memory_space<hbm>> -> memref<640x128xf32, #tpu.memory_space<hbm>>
      tpu.enqueue_dma source(%dma_start3A_36 : memref<640x128xf32, #tpu.memory_space<hbm>>) target(%dma_start3A_34 : memref<640x128xf32, #tpu.memory_space<vmem_shared>>) target_semaphore(%run_scoped3A_32 : memref<!tpu.dma_semaphore, #tpu.memory_space<semaphore_mem>>)
      %dma_wait3A = arith.constant 0 : i32
      %dma_wait3A_37 = tpu.memref_slice %arg9[%mul3A_4, %dma_wait3A] : memref<10240x128xf32, #tpu.memory_space<vmem_shared>> -> memref<640x128xf32, #tpu.memory_space<vmem_shared>>
      %dma_wait3A_38 = arith.constant 0 : i32
      %dma_wait3A_39 = tpu.memref_slice %arg4[%mul3A_2, %dma_wait3A_38] : memref<10240x128xf32, #tpu.memory_space<hbm>> -> memref<640x128xf32, #tpu.memory_space<hbm>>
      tpu.wait_dma2 semaphore(%run_scoped3A_32 : memref<!tpu.dma_semaphore, #tpu.memory_space<semaphore_mem>>) src(%dma_wait3A_39 : memref<640x128xf32, #tpu.memory_space<hbm>>) dst(%dma_wait3A_37 : memref<640x128xf32, #tpu.memory_space<vmem_shared>>)
      tpu.yield
    }) : () -> ()
    %mul3A_5 = arith.constant 80 : i32
    %mul3A_6 = arith.muli %add3A, %mul3A_5 : i32
    %run_scoped3A = arith.constant 1 : i32
    "tpu.region"() ({
      %run_scoped3A_32 = tpu.sem_alloc : memref<!tpu.dma_semaphore, #tpu.memory_space<semaphore_mem>>
      %dma_start3A_33 = arith.constant 0 : i32
      %dma_start3A_34 = tpu.memref_slice %arg3[%run_scoped3A, %mul3A_6, %dma_start3A_33] : memref<2x2560x128xi32, #tpu.memory_space<hbm>> -> memref<1x80x128xi32, #tpu.memory_space<hbm>>
      %dma_start3A_35 = tpu.memref_squeeze %dma_start3A_34 : memref<1x80x128xi32, #tpu.memory_space<hbm>> -> memref<80x128xi32, #tpu.memory_space<hbm>>
      %dma_start3A_36 = arith.constant 0 : i32
      %dma_start3A_37 = tpu.memref_slice %arg3[%run_scoped3A, %mul3A_6, %dma_start3A_36] : memref<2x2560x128xi32, #tpu.memory_space<hbm>> -> memref<1x80x128xi32, #tpu.memory_space<hbm>>
      %dma_start3A_38 = tpu.memref_squeeze %dma_start3A_37 : memref<1x80x128xi32, #tpu.memory_space<hbm>> -> memref<80x128xi32, #tpu.memory_space<hbm>>
      tpu.enqueue_dma source(%dma_start3A_38 : memref<80x128xi32, #tpu.memory_space<hbm>>) target(%arg7 : memref<80x128xi32, #tpu.memory_space<vmem>>) target_semaphore(%run_scoped3A_32 : memref<!tpu.dma_semaphore, #tpu.memory_space<semaphore_mem>>)
      %dma_wait3A = arith.constant 0 : i32
      %dma_wait3A_39 = tpu.memref_slice %arg3[%run_scoped3A, %mul3A_6, %dma_wait3A] : memref<2x2560x128xi32, #tpu.memory_space<hbm>> -> memref<1x80x128xi32, #tpu.memory_space<hbm>>
      %dma_wait3A_40 = tpu.memref_squeeze %dma_wait3A_39 : memref<1x80x128xi32, #tpu.memory_space<hbm>> -> memref<80x128xi32, #tpu.memory_space<hbm>>
      %dma_wait3A_41 = arith.constant 0 : i32
      %dma_wait3A_42 = tpu.memref_slice %arg3[%run_scoped3A, %mul3A_6, %dma_wait3A_41] : memref<2x2560x128xi32, #tpu.memory_space<hbm>> -> memref<1x80x128xi32, #tpu.memory_space<hbm>>
      %dma_wait3A_43 = tpu.memref_squeeze %dma_wait3A_42 : memref<1x80x128xi32, #tpu.memory_space<hbm>> -> memref<80x128xi32, #tpu.memory_space<hbm>>
      tpu.wait_dma2 semaphore(%run_scoped3A_32 : memref<!tpu.dma_semaphore, #tpu.memory_space<semaphore_mem>>) src(%dma_wait3A_43 : memref<80x128xi32, #tpu.memory_space<hbm>>) dst(%arg7 : memref<80x128xi32, #tpu.memory_space<vmem>>)
      tpu.yield
    }) : () -> ()
    %barrier3A = arith.constant 0 : index
    tpu.barrier barrier_id(%barrier3A)
    %add3A_7 = arith.constant 0 : i32
    %add3A_8 = arith.addi %mul3A_6, %add3A_7 : i32
    %run_scoped3A_9 = arith.constant 0 : i32
    %run_scoped3A_10 = arith.constant 0 : i32
    "tpu.region"() ({
      %run_scoped3A_32 = tpu.sem_alloc : memref<!tpu.dma_semaphore, #tpu.memory_space<semaphore_mem>>
      %dma_start3A_33 = arith.constant 0 : i32
      %dma_start3A_34 = tpu.memref_slice %arg6[%run_scoped3A_10, %dma_start3A_33] : memref<2x128xi32, #tpu.memory_space<vmem>> -> memref<1x128xi32, #tpu.memory_space<vmem>>
      %dma_start3A_35 = tpu.memref_squeeze %dma_start3A_34 : memref<1x128xi32, #tpu.memory_space<vmem>> -> memref<128xi32, #tpu.memory_space<vmem>>
      %dma_start3A_36 = arith.constant 0 : i32
      %dma_start3A_37 = tpu.memref_slice %arg3[%run_scoped3A_9, %add3A_8, %dma_start3A_36] : memref<2x2560x128xi32, #tpu.memory_space<hbm>> -> memref<1x1x128xi32, #tpu.memory_space<hbm>>
      %dma_start3A_38 = tpu.memref_squeeze %dma_start3A_37 : memref<1x1x128xi32, #tpu.memory_space<hbm>> -> memref<128xi32, #tpu.memory_space<hbm>>
      %dma_start3A_39 = arith.constant 0 : i32
      %dma_start3A_40 = tpu.memref_slice %arg6[%run_scoped3A_10, %dma_start3A_39] : memref<2x128xi32, #tpu.memory_space<vmem>> -> memref<1x128xi32, #tpu.memory_space<vmem>>
      %dma_start3A_41 = tpu.memref_squeeze %dma_start3A_40 : memref<1x128xi32, #tpu.memory_space<vmem>> -> memref<128xi32, #tpu.memory_space<vmem>>
      %dma_start3A_42 = arith.constant 0 : i32
      %dma_start3A_43 = tpu.memref_slice %arg3[%run_scoped3A_9, %add3A_8, %dma_start3A_42] : memref<2x2560x128xi32, #tpu.memory_space<hbm>> -> memref<1x1x128xi32, #tpu.memory_space<hbm>>
      %dma_start3A_44 = tpu.memref_squeeze %dma_start3A_43 : memref<1x1x128xi32, #tpu.memory_space<hbm>> -> memref<128xi32, #tpu.memory_space<hbm>>
      tpu.enqueue_dma source(%dma_start3A_44 : memref<128xi32, #tpu.memory_space<hbm>>) target(%dma_start3A_41 : memref<128xi32, #tpu.memory_space<vmem>>) target_semaphore(%run_scoped3A_32 : memref<!tpu.dma_semaphore, #tpu.memory_space<semaphore_mem>>)
      %dma_wait3A = arith.constant 0 : i32
      %dma_wait3A_45 = tpu.memref_slice %arg6[%run_scoped3A_10, %dma_wait3A] : memref<2x128xi32, #tpu.memory_space<vmem>> -> memref<1x128xi32, #tpu.memory_space<vmem>>
      %dma_wait3A_46 = tpu.memref_squeeze %dma_wait3A_45 : memref<1x128xi32, #tpu.memory_space<vmem>> -> memref<128xi32, #tpu.memory_space<vmem>>
      %dma_wait3A_47 = arith.constant 0 : i32
      %dma_wait3A_48 = tpu.memref_slice %arg3[%run_scoped3A_9, %add3A_8, %dma_wait3A_47] : memref<2x2560x128xi32, #tpu.memory_space<hbm>> -> memref<1x1x128xi32, #tpu.memory_space<hbm>>
      %dma_wait3A_49 = tpu.memref_squeeze %dma_wait3A_48 : memref<1x1x128xi32, #tpu.memory_space<hbm>> -> memref<128xi32, #tpu.memory_space<hbm>>
      %dma_wait3A_50 = arith.constant 0 : i32
      %dma_wait3A_51 = tpu.memref_slice %arg6[%run_scoped3A_10, %dma_wait3A_50] : memref<2x128xi32, #tpu.memory_space<vmem>> -> memref<1x128xi32, #tpu.memory_space<vmem>>
      %dma_wait3A_52 = tpu.memref_squeeze %dma_wait3A_51 : memref<1x128xi32, #tpu.memory_space<vmem>> -> memref<128xi32, #tpu.memory_space<vmem>>
      %dma_wait3A_53 = arith.constant 0 : i32
      %dma_wait3A_54 = tpu.memref_slice %arg3[%run_scoped3A_9, %add3A_8, %dma_wait3A_53] : memref<2x2560x128xi32, #tpu.memory_space<hbm>> -> memref<1x1x128xi32, #tpu.memory_space<hbm>>
      %dma_wait3A_55 = tpu.memref_squeeze %dma_wait3A_54 : memref<1x1x128xi32, #tpu.memory_space<hbm>> -> memref<128xi32, #tpu.memory_space<hbm>>
      tpu.wait_dma2 semaphore(%run_scoped3A_32 : memref<!tpu.dma_semaphore, #tpu.memory_space<semaphore_mem>>) src(%dma_wait3A_55 : memref<128xi32, #tpu.memory_space<hbm>>) dst(%dma_wait3A_52 : memref<128xi32, #tpu.memory_space<vmem>>)
      tpu.yield
    }) : () -> ()
    %dma_start3A = arith.constant 0 : i32
    %dma_start3A_11 = arith.constant 0 : i32
    %dma_start3A_12 = arith.constant 0 : i32
    %dma_start3A_13 = arith.constant 0 : i32
    %dma_start3A_14 = tpu.memref_slice %arg8[%dma_start3A_11, %dma_start3A_12, %dma_start3A_13] : memref<2x128x128xf32, #tpu.memory_space<vmem>> -> memref<1x128x128xf32, #tpu.memory_space<vmem>>
    %dma_start3A_15 = tpu.memref_squeeze %dma_start3A_14 : memref<1x128x128xf32, #tpu.memory_space<vmem>> -> memref<128x128xf32, #tpu.memory_space<vmem>>
    %dma_start3A_16 = arith.constant 0 : i32
    %dma_start3A_17 = tpu.memref_slice %arg6[%dma_start3A, %dma_start3A_16] : memref<2x128xi32, #tpu.memory_space<vmem>> -> memref<1x128xi32, #tpu.memory_space<vmem>>
    %dma_start3A_18 = tpu.memref_squeeze %dma_start3A_17 : memref<1x128xi32, #tpu.memory_space<vmem>> -> memref<128xi32, #tpu.memory_space<vmem>>
    %dma_start3A_19 = arith.constant 0 : i32
    %dma_start3A_20 = arith.constant 0 : i32
    %dma_start3A_21 = tpu.memref_slice %arg2[%dma_start3A_19, %dma_start3A_20] : memref<10240x128xf32, #tpu.memory_space<hbm>> -> memref<10240x128xf32, #tpu.memory_space<hbm>>
    tpu.enqueue_indirect_dma source(%dma_start3A_21 : memref<10240x128xf32, #tpu.memory_space<hbm>>) target(%dma_start3A_15 : memref<128x128xf32, #tpu.memory_space<vmem>>) offsets(%dma_start3A_18 : memref<128xi32, #tpu.memory_space<vmem>>) semaphore(%arg10 : memref<!tpu.dma_semaphore, #tpu.memory_space<semaphore_mem>>)
    %scan3A = arith.constant 0 : i32
    %scan3A_22 = arith.constant 0 : i32
    %scan3A_23 = arith.constant 40 : i32
    %scan3A_24 = arith.addi %scan3A_22, %scan3A_23 : i32
    %scan3A_25 = arith.constant 1 : i32
    scf.for %scan3A_32 = %scan3A_22 to %scan3A_24 step %scan3A_25  : i32 {
      %mul3A_33 = arith.constant 2 : i32
      %mul3A_34 = arith.muli %mul3A_33, %scan3A_32 : i32
      %add3A_35 = arith.constant 1 : i32
      %add3A_36 = arith.addi %mul3A_34, %add3A_35 : i32
      %add3A_37 = arith.addi %mul3A_6, %add3A_36 : i32
      %run_scoped3A_38 = arith.constant 0 : i32
      %run_scoped3A_39 = arith.constant 1 : i32
      "tpu.region"() ({
        %run_scoped3A_83 = tpu.sem_alloc : memref<!tpu.dma_semaphore, #tpu.memory_space<semaphore_mem>>
        %dma_start3A_84 = arith.constant 0 : i32
        %dma_start3A_85 = tpu.memref_slice %arg6[%run_scoped3A_39, %dma_start3A_84] : memref<2x128xi32, #tpu.memory_space<vmem>> -> memref<1x128xi32, #tpu.memory_space<vmem>>
        %dma_start3A_86 = tpu.memref_squeeze %dma_start3A_85 : memref<1x128xi32, #tpu.memory_space<vmem>> -> memref<128xi32, #tpu.memory_space<vmem>>
        %dma_start3A_87 = arith.constant 0 : i32
        %dma_start3A_88 = tpu.memref_slice %arg3[%run_scoped3A_38, %add3A_37, %dma_start3A_87] : memref<2x2560x128xi32, #tpu.memory_space<hbm>> -> memref<1x1x128xi32, #tpu.memory_space<hbm>>
        %dma_start3A_89 = tpu.memref_squeeze %dma_start3A_88 : memref<1x1x128xi32, #tpu.memory_space<hbm>> -> memref<128xi32, #tpu.memory_space<hbm>>
        %dma_start3A_90 = arith.constant 0 : i32
        %dma_start3A_91 = tpu.memref_slice %arg6[%run_scoped3A_39, %dma_start3A_90] : memref<2x128xi32, #tpu.memory_space<vmem>> -> memref<1x128xi32, #tpu.memory_space<vmem>>
        %dma_start3A_92 = tpu.memref_squeeze %dma_start3A_91 : memref<1x128xi32, #tpu.memory_space<vmem>> -> memref<128xi32, #tpu.memory_space<vmem>>
        %dma_start3A_93 = arith.constant 0 : i32
        %dma_start3A_94 = tpu.memref_slice %arg3[%run_scoped3A_38, %add3A_37, %dma_start3A_93] : memref<2x2560x128xi32, #tpu.memory_space<hbm>> -> memref<1x1x128xi32, #tpu.memory_space<hbm>>
        %dma_start3A_95 = tpu.memref_squeeze %dma_start3A_94 : memref<1x1x128xi32, #tpu.memory_space<hbm>> -> memref<128xi32, #tpu.memory_space<hbm>>
        tpu.enqueue_dma source(%dma_start3A_95 : memref<128xi32, #tpu.memory_space<hbm>>) target(%dma_start3A_92 : memref<128xi32, #tpu.memory_space<vmem>>) target_semaphore(%run_scoped3A_83 : memref<!tpu.dma_semaphore, #tpu.memory_space<semaphore_mem>>)
        %dma_wait3A_96 = arith.constant 0 : i32
        %dma_wait3A_97 = tpu.memref_slice %arg6[%run_scoped3A_39, %dma_wait3A_96] : memref<2x128xi32, #tpu.memory_space<vmem>> -> memref<1x128xi32, #tpu.memory_space<vmem>>
        %dma_wait3A_98 = tpu.memref_squeeze %dma_wait3A_97 : memref<1x128xi32, #tpu.memory_space<vmem>> -> memref<128xi32, #tpu.memory_space<vmem>>
        %dma_wait3A_99 = arith.constant 0 : i32
        %dma_wait3A_100 = tpu.memref_slice %arg3[%run_scoped3A_38, %add3A_37, %dma_wait3A_99] : memref<2x2560x128xi32, #tpu.memory_space<hbm>> -> memref<1x1x128xi32, #tpu.memory_space<hbm>>
        %dma_wait3A_101 = tpu.memref_squeeze %dma_wait3A_100 : memref<1x1x128xi32, #tpu.memory_space<hbm>> -> memref<128xi32, #tpu.memory_space<hbm>>
        %dma_wait3A_102 = arith.constant 0 : i32
        %dma_wait3A_103 = tpu.memref_slice %arg6[%run_scoped3A_39, %dma_wait3A_102] : memref<2x128xi32, #tpu.memory_space<vmem>> -> memref<1x128xi32, #tpu.memory_space<vmem>>
        %dma_wait3A_104 = tpu.memref_squeeze %dma_wait3A_103 : memref<1x128xi32, #tpu.memory_space<vmem>> -> memref<128xi32, #tpu.memory_space<vmem>>
        %dma_wait3A_105 = arith.constant 0 : i32
        %dma_wait3A_106 = tpu.memref_slice %arg3[%run_scoped3A_38, %add3A_37, %dma_wait3A_105] : memref<2x2560x128xi32, #tpu.memory_space<hbm>> -> memref<1x1x128xi32, #tpu.memory_space<hbm>>
        %dma_wait3A_107 = tpu.memref_squeeze %dma_wait3A_106 : memref<1x1x128xi32, #tpu.memory_space<hbm>> -> memref<128xi32, #tpu.memory_space<hbm>>
        tpu.wait_dma2 semaphore(%run_scoped3A_83 : memref<!tpu.dma_semaphore, #tpu.memory_space<semaphore_mem>>) src(%dma_wait3A_107 : memref<128xi32, #tpu.memory_space<hbm>>) dst(%dma_wait3A_104 : memref<128xi32, #tpu.memory_space<vmem>>)
        tpu.yield
      }) : () -> ()
      %dma_start3A_40 = arith.constant 1 : i32
      %dma_start3A_41 = arith.constant 1 : i32
      %dma_start3A_42 = arith.constant 0 : i32
      %dma_start3A_43 = arith.constant 0 : i32
      %dma_start3A_44 = tpu.memref_slice %arg8[%dma_start3A_41, %dma_start3A_42, %dma_start3A_43] : memref<2x128x128xf32, #tpu.memory_space<vmem>> -> memref<1x128x128xf32, #tpu.memory_space<vmem>>
      %dma_start3A_45 = tpu.memref_squeeze %dma_start3A_44 : memref<1x128x128xf32, #tpu.memory_space<vmem>> -> memref<128x128xf32, #tpu.memory_space<vmem>>
      %dma_start3A_46 = arith.constant 0 : i32
      %dma_start3A_47 = tpu.memref_slice %arg6[%dma_start3A_40, %dma_start3A_46] : memref<2x128xi32, #tpu.memory_space<vmem>> -> memref<1x128xi32, #tpu.memory_space<vmem>>
      %dma_start3A_48 = tpu.memref_squeeze %dma_start3A_47 : memref<1x128xi32, #tpu.memory_space<vmem>> -> memref<128xi32, #tpu.memory_space<vmem>>
      %dma_start3A_49 = arith.constant 0 : i32
      %dma_start3A_50 = arith.constant 0 : i32
      %dma_start3A_51 = tpu.memref_slice %arg2[%dma_start3A_49, %dma_start3A_50] : memref<10240x128xf32, #tpu.memory_space<hbm>> -> memref<10240x128xf32, #tpu.memory_space<hbm>>
      tpu.enqueue_indirect_dma source(%dma_start3A_51 : memref<10240x128xf32, #tpu.memory_space<hbm>>) target(%dma_start3A_45 : memref<128x128xf32, #tpu.memory_space<vmem>>) offsets(%dma_start3A_48 : memref<128xi32, #tpu.memory_space<vmem>>) semaphore(%arg11 : memref<!tpu.dma_semaphore, #tpu.memory_space<semaphore_mem>>)
      %dma_wait3A = arith.constant 0 : i32
      %dma_wait3A_52 = arith.constant 0 : i32
      %dma_wait3A_53 = arith.constant 0 : i32
      %dma_wait3A_54 = arith.constant 0 : i32
      %dma_wait3A_55 = tpu.memref_slice %arg8[%dma_wait3A_52, %dma_wait3A_53, %dma_wait3A_54] : memref<2x128x128xf32, #tpu.memory_space<vmem>> -> memref<1x128x128xf32, #tpu.memory_space<vmem>>
      %dma_wait3A_56 = tpu.memref_squeeze %dma_wait3A_55 : memref<1x128x128xf32, #tpu.memory_space<vmem>> -> memref<128x128xf32, #tpu.memory_space<vmem>>
      %dma_wait3A_57 = arith.constant 0 : i32
      %dma_wait3A_58 = tpu.memref_slice %arg6[%dma_wait3A, %dma_wait3A_57] : memref<2x128xi32, #tpu.memory_space<vmem>> -> memref<1x128xi32, #tpu.memory_space<vmem>>
      %dma_wait3A_59 = tpu.memref_squeeze %dma_wait3A_58 : memref<1x128xi32, #tpu.memory_space<vmem>> -> memref<128xi32, #tpu.memory_space<vmem>>
      %dma_wait3A_60 = arith.constant 0 : i32
      %dma_wait3A_61 = arith.constant 0 : i32
      %dma_wait3A_62 = tpu.memref_slice %arg2[%dma_wait3A_60, %dma_wait3A_61] : memref<10240x128xf32, #tpu.memory_space<hbm>> -> memref<10240x128xf32, #tpu.memory_space<hbm>>
      tpu.wait_indirect_dma semaphore(%arg10 : memref<!tpu.dma_semaphore, #tpu.memory_space<semaphore_mem>>) src(%dma_wait3A_62 : memref<10240x128xf32, #tpu.memory_space<hbm>>) dst(%dma_wait3A_56 : memref<128x128xf32, #tpu.memory_space<vmem>>)
      %run_scoped3A_63 = arith.constant 0 : i32
      "tpu.region"() ({
        %run_scoped3A_83 = tpu.sem_alloc : memref<!tpu.dma_semaphore, #tpu.memory_space<semaphore_mem>>
        %dma_start3A_84 = arith.constant 0 : i32
        %dma_start3A_85 = arith.constant 0 : i32
        %dma_start3A_86 = tpu.memref_slice %arg8[%run_scoped3A_63, %dma_start3A_84, %dma_start3A_85] : memref<2x128x128xf32, #tpu.memory_space<vmem>> -> memref<1x128x128xf32, #tpu.memory_space<vmem>>
        %dma_start3A_87 = tpu.memref_squeeze %dma_start3A_86 : memref<1x128x128xf32, #tpu.memory_space<vmem>> -> memref<128x128xf32, #tpu.memory_space<vmem>>
        %dma_start3A_88 = arith.constant 0 : i32
        %dma_start3A_89 = tpu.memref_slice %arg7[%mul3A_34, %dma_start3A_88] : memref<80x128xi32, #tpu.memory_space<vmem>> -> memref<1x128xi32, #tpu.memory_space<vmem>>
        %dma_start3A_90 = tpu.memref_squeeze %dma_start3A_89 : memref<1x128xi32, #tpu.memory_space<vmem>> -> memref<128xi32, #tpu.memory_space<vmem>>
        %dma_start3A_91 = arith.constant 0 : i32
        %dma_start3A_92 = arith.constant 0 : i32
        %dma_start3A_93 = tpu.memref_slice %arg9[%dma_start3A_91, %dma_start3A_92] : memref<10240x128xf32, #tpu.memory_space<vmem_shared>> -> memref<10240x128xf32, #tpu.memory_space<vmem_shared>>
        tpu.enqueue_indirect_dma source(%dma_start3A_87 : memref<128x128xf32, #tpu.memory_space<vmem>>) target(%dma_start3A_93 : memref<10240x128xf32, #tpu.memory_space<vmem_shared>>) offsets(%dma_start3A_90 : memref<128xi32, #tpu.memory_space<vmem>>) semaphore(%run_scoped3A_83 : memref<!tpu.dma_semaphore, #tpu.memory_space<semaphore_mem>>) {add = true}
        %dma_wait3A_94 = arith.constant 0 : i32
        %dma_wait3A_95 = arith.constant 0 : i32
        %dma_wait3A_96 = tpu.memref_slice %arg8[%run_scoped3A_63, %dma_wait3A_94, %dma_wait3A_95] : memref<2x128x128xf32, #tpu.memory_space<vmem>> -> memref<1x128x128xf32, #tpu.memory_space<vmem>>
        %dma_wait3A_97 = tpu.memref_squeeze %dma_wait3A_96 : memref<1x128x128xf32, #tpu.memory_space<vmem>> -> memref<128x128xf32, #tpu.memory_space<vmem>>
        %dma_wait3A_98 = arith.constant 0 : i32
        %dma_wait3A_99 = tpu.memref_slice %arg7[%mul3A_34, %dma_wait3A_98] : memref<80x128xi32, #tpu.memory_space<vmem>> -> memref<1x128xi32, #tpu.memory_space<vmem>>
        %dma_wait3A_100 = tpu.memref_squeeze %dma_wait3A_99 : memref<1x128xi32, #tpu.memory_space<vmem>> -> memref<128xi32, #tpu.memory_space<vmem>>
        %dma_wait3A_101 = arith.constant 0 : i32
        %dma_wait3A_102 = arith.constant 0 : i32
        %dma_wait3A_103 = tpu.memref_slice %arg9[%dma_wait3A_101, %dma_wait3A_102] : memref<10240x128xf32, #tpu.memory_space<vmem_shared>> -> memref<10240x128xf32, #tpu.memory_space<vmem_shared>>
        tpu.wait_indirect_dma semaphore(%run_scoped3A_83 : memref<!tpu.dma_semaphore, #tpu.memory_space<semaphore_mem>>) src(%dma_wait3A_97 : memref<128x128xf32, #tpu.memory_space<vmem>>) dst(%dma_wait3A_103 : memref<10240x128xf32, #tpu.memory_space<vmem_shared>>)
        tpu.yield
      }) : () -> ()
      %add3A_64 = arith.constant 1 : i32
      %add3A_65 = arith.addi %scan3A_32, %add3A_64 : i32
      %lt3A = arith.constant 40 : i32
      %lt3A_66 = arith.cmpi slt, %add3A_65, %lt3A : i32
      %convert_element_type3A = arith.extui %lt3A_66 : i1 to i32
      %cond3A = arith.constant 0 : i32
      %cond3A_67 = arith.cmpi ne, %convert_element_type3A, %cond3A : i32
      scf.if %cond3A_67 {
        %add3A_83 = arith.constant 2 : i32
        %add3A_84 = arith.addi %mul3A_34, %add3A_83 : i32
        %add3A_85 = arith.addi %mul3A_6, %add3A_84 : i32
        %run_scoped3A_86 = arith.constant 0 : i32
        %run_scoped3A_87 = arith.constant 0 : i32
        "tpu.region"() ({
          %run_scoped3A_100 = tpu.sem_alloc : memref<!tpu.dma_semaphore, #tpu.memory_space<semaphore_mem>>
          %dma_start3A_101 = arith.constant 0 : i32
          %dma_start3A_102 = tpu.memref_slice %arg6[%run_scoped3A_87, %dma_start3A_101] : memref<2x128xi32, #tpu.memory_space<vmem>> -> memref<1x128xi32, #tpu.memory_space<vmem>>
          %dma_start3A_103 = tpu.memref_squeeze %dma_start3A_102 : memref<1x128xi32, #tpu.memory_space<vmem>> -> memref<128xi32, #tpu.memory_space<vmem>>
          %dma_start3A_104 = arith.constant 0 : i32
          %dma_start3A_105 = tpu.memref_slice %arg3[%run_scoped3A_86, %add3A_85, %dma_start3A_104] : memref<2x2560x128xi32, #tpu.memory_space<hbm>> -> memref<1x1x128xi32, #tpu.memory_space<hbm>>
          %dma_start3A_106 = tpu.memref_squeeze %dma_start3A_105 : memref<1x1x128xi32, #tpu.memory_space<hbm>> -> memref<128xi32, #tpu.memory_space<hbm>>
          %dma_start3A_107 = arith.constant 0 : i32
          %dma_start3A_108 = tpu.memref_slice %arg6[%run_scoped3A_87, %dma_start3A_107] : memref<2x128xi32, #tpu.memory_space<vmem>> -> memref<1x128xi32, #tpu.memory_space<vmem>>
          %dma_start3A_109 = tpu.memref_squeeze %dma_start3A_108 : memref<1x128xi32, #tpu.memory_space<vmem>> -> memref<128xi32, #tpu.memory_space<vmem>>
          %dma_start3A_110 = arith.constant 0 : i32
          %dma_start3A_111 = tpu.memref_slice %arg3[%run_scoped3A_86, %add3A_85, %dma_start3A_110] : memref<2x2560x128xi32, #tpu.memory_space<hbm>> -> memref<1x1x128xi32, #tpu.memory_space<hbm>>
          %dma_start3A_112 = tpu.memref_squeeze %dma_start3A_111 : memref<1x1x128xi32, #tpu.memory_space<hbm>> -> memref<128xi32, #tpu.memory_space<hbm>>
          tpu.enqueue_dma source(%dma_start3A_112 : memref<128xi32, #tpu.memory_space<hbm>>) target(%dma_start3A_109 : memref<128xi32, #tpu.memory_space<vmem>>) target_semaphore(%run_scoped3A_100 : memref<!tpu.dma_semaphore, #tpu.memory_space<semaphore_mem>>)
          %dma_wait3A_113 = arith.constant 0 : i32
          %dma_wait3A_114 = tpu.memref_slice %arg6[%run_scoped3A_87, %dma_wait3A_113] : memref<2x128xi32, #tpu.memory_space<vmem>> -> memref<1x128xi32, #tpu.memory_space<vmem>>
          %dma_wait3A_115 = tpu.memref_squeeze %dma_wait3A_114 : memref<1x128xi32, #tpu.memory_space<vmem>> -> memref<128xi32, #tpu.memory_space<vmem>>
          %dma_wait3A_116 = arith.constant 0 : i32
          %dma_wait3A_117 = tpu.memref_slice %arg3[%run_scoped3A_86, %add3A_85, %dma_wait3A_116] : memref<2x2560x128xi32, #tpu.memory_space<hbm>> -> memref<1x1x128xi32, #tpu.memory_space<hbm>>
          %dma_wait3A_118 = tpu.memref_squeeze %dma_wait3A_117 : memref<1x1x128xi32, #tpu.memory_space<hbm>> -> memref<128xi32, #tpu.memory_space<hbm>>
          %dma_wait3A_119 = arith.constant 0 : i32
          %dma_wait3A_120 = tpu.memref_slice %arg6[%run_scoped3A_87, %dma_wait3A_119] : memref<2x128xi32, #tpu.memory_space<vmem>> -> memref<1x128xi32, #tpu.memory_space<vmem>>
          %dma_wait3A_121 = tpu.memref_squeeze %dma_wait3A_120 : memref<1x128xi32, #tpu.memory_space<vmem>> -> memref<128xi32, #tpu.memory_space<vmem>>
          %dma_wait3A_122 = arith.constant 0 : i32
          %dma_wait3A_123 = tpu.memref_slice %arg3[%run_scoped3A_86, %add3A_85, %dma_wait3A_122] : memref<2x2560x128xi32, #tpu.memory_space<hbm>> -> memref<1x1x128xi32, #tpu.memory_space<hbm>>
          %dma_wait3A_124 = tpu.memref_squeeze %dma_wait3A_123 : memref<1x1x128xi32, #tpu.memory_space<hbm>> -> memref<128xi32, #tpu.memory_space<hbm>>
          tpu.wait_dma2 semaphore(%run_scoped3A_100 : memref<!tpu.dma_semaphore, #tpu.memory_space<semaphore_mem>>) src(%dma_wait3A_124 : memref<128xi32, #tpu.memory_space<hbm>>) dst(%dma_wait3A_121 : memref<128xi32, #tpu.memory_space<vmem>>)
          tpu.yield
        }) : () -> ()
        %dma_start3A_88 = arith.constant 0 : i32
        %dma_start3A_89 = arith.constant 0 : i32
        %dma_start3A_90 = arith.constant 0 : i32
        %dma_start3A_91 = arith.constant 0 : i32
        %dma_start3A_92 = tpu.memref_slice %arg8[%dma_start3A_89, %dma_start3A_90, %dma_start3A_91] : memref<2x128x128xf32, #tpu.memory_space<vmem>> -> memref<1x128x128xf32, #tpu.memory_space<vmem>>
        %dma_start3A_93 = tpu.memref_squeeze %dma_start3A_92 : memref<1x128x128xf32, #tpu.memory_space<vmem>> -> memref<128x128xf32, #tpu.memory_space<vmem>>
        %dma_start3A_94 = arith.constant 0 : i32
        %dma_start3A_95 = tpu.memref_slice %arg6[%dma_start3A_88, %dma_start3A_94] : memref<2x128xi32, #tpu.memory_space<vmem>> -> memref<1x128xi32, #tpu.memory_space<vmem>>
        %dma_start3A_96 = tpu.memref_squeeze %dma_start3A_95 : memref<1x128xi32, #tpu.memory_space<vmem>> -> memref<128xi32, #tpu.memory_space<vmem>>
        %dma_start3A_97 = arith.constant 0 : i32
        %dma_start3A_98 = arith.constant 0 : i32
        %dma_start3A_99 = tpu.memref_slice %arg2[%dma_start3A_97, %dma_start3A_98] : memref<10240x128xf32, #tpu.memory_space<hbm>> -> memref<10240x128xf32, #tpu.memory_space<hbm>>
        tpu.enqueue_indirect_dma source(%dma_start3A_99 : memref<10240x128xf32, #tpu.memory_space<hbm>>) target(%dma_start3A_93 : memref<128x128xf32, #tpu.memory_space<vmem>>) offsets(%dma_start3A_96 : memref<128xi32, #tpu.memory_space<vmem>>) semaphore(%arg10 : memref<!tpu.dma_semaphore, #tpu.memory_space<semaphore_mem>>)
      } else {
      }
      %dma_wait3A_68 = arith.constant 1 : i32
      %dma_wait3A_69 = arith.constant 1 : i32
      %dma_wait3A_70 = arith.constant 0 : i32
      %dma_wait3A_71 = arith.constant 0 : i32
      %dma_wait3A_72 = tpu.memref_slice %arg8[%dma_wait3A_69, %dma_wait3A_70, %dma_wait3A_71] : memref<2x128x128xf32, #tpu.memory_space<vmem>> -> memref<1x128x128xf32, #tpu.memory_space<vmem>>
      %dma_wait3A_73 = tpu.memref_squeeze %dma_wait3A_72 : memref<1x128x128xf32, #tpu.memory_space<vmem>> -> memref<128x128xf32, #tpu.memory_space<vmem>>
      %dma_wait3A_74 = arith.constant 0 : i32
      %dma_wait3A_75 = tpu.memref_slice %arg6[%dma_wait3A_68, %dma_wait3A_74] : memref<2x128xi32, #tpu.memory_space<vmem>> -> memref<1x128xi32, #tpu.memory_space<vmem>>
      %dma_wait3A_76 = tpu.memref_squeeze %dma_wait3A_75 : memref<1x128xi32, #tpu.memory_space<vmem>> -> memref<128xi32, #tpu.memory_space<vmem>>
      %dma_wait3A_77 = arith.constant 0 : i32
      %dma_wait3A_78 = arith.constant 0 : i32
      %dma_wait3A_79 = tpu.memref_slice %arg2[%dma_wait3A_77, %dma_wait3A_78] : memref<10240x128xf32, #tpu.memory_space<hbm>> -> memref<10240x128xf32, #tpu.memory_space<hbm>>
      tpu.wait_indirect_dma semaphore(%arg11 : memref<!tpu.dma_semaphore, #tpu.memory_space<semaphore_mem>>) src(%dma_wait3A_79 : memref<10240x128xf32, #tpu.memory_space<hbm>>) dst(%dma_wait3A_73 : memref<128x128xf32, #tpu.memory_space<vmem>>)
      %add3A_80 = arith.constant 1 : i32
      %add3A_81 = arith.addi %mul3A_34, %add3A_80 : i32
      %run_scoped3A_82 = arith.constant 1 : i32
      "tpu.region"() ({
        %run_scoped3A_83 = tpu.sem_alloc : memref<!tpu.dma_semaphore, #tpu.memory_space<semaphore_mem>>
        %dma_start3A_84 = arith.constant 0 : i32
        %dma_start3A_85 = arith.constant 0 : i32
        %dma_start3A_86 = tpu.memref_slice %arg8[%run_scoped3A_82, %dma_start3A_84, %dma_start3A_85] : memref<2x128x128xf32, #tpu.memory_space<vmem>> -> memref<1x128x128xf32, #tpu.memory_space<vmem>>
        %dma_start3A_87 = tpu.memref_squeeze %dma_start3A_86 : memref<1x128x128xf32, #tpu.memory_space<vmem>> -> memref<128x128xf32, #tpu.memory_space<vmem>>
        %dma_start3A_88 = arith.constant 0 : i32
        %dma_start3A_89 = tpu.memref_slice %arg7[%add3A_81, %dma_start3A_88] : memref<80x128xi32, #tpu.memory_space<vmem>> -> memref<1x128xi32, #tpu.memory_space<vmem>>
        %dma_start3A_90 = tpu.memref_squeeze %dma_start3A_89 : memref<1x128xi32, #tpu.memory_space<vmem>> -> memref<128xi32, #tpu.memory_space<vmem>>
        %dma_start3A_91 = arith.constant 0 : i32
        %dma_start3A_92 = arith.constant 0 : i32
        %dma_start3A_93 = tpu.memref_slice %arg9[%dma_start3A_91, %dma_start3A_92] : memref<10240x128xf32, #tpu.memory_space<vmem_shared>> -> memref<10240x128xf32, #tpu.memory_space<vmem_shared>>
        tpu.enqueue_indirect_dma source(%dma_start3A_87 : memref<128x128xf32, #tpu.memory_space<vmem>>) target(%dma_start3A_93 : memref<10240x128xf32, #tpu.memory_space<vmem_shared>>) offsets(%dma_start3A_90 : memref<128xi32, #tpu.memory_space<vmem>>) semaphore(%run_scoped3A_83 : memref<!tpu.dma_semaphore, #tpu.memory_space<semaphore_mem>>) {add = true}
        %dma_wait3A_94 = arith.constant 0 : i32
        %dma_wait3A_95 = arith.constant 0 : i32
        %dma_wait3A_96 = tpu.memref_slice %arg8[%run_scoped3A_82, %dma_wait3A_94, %dma_wait3A_95] : memref<2x128x128xf32, #tpu.memory_space<vmem>> -> memref<1x128x128xf32, #tpu.memory_space<vmem>>
        %dma_wait3A_97 = tpu.memref_squeeze %dma_wait3A_96 : memref<1x128x128xf32, #tpu.memory_space<vmem>> -> memref<128x128xf32, #tpu.memory_space<vmem>>
        %dma_wait3A_98 = arith.constant 0 : i32
        %dma_wait3A_99 = tpu.memref_slice %arg7[%add3A_81, %dma_wait3A_98] : memref<80x128xi32, #tpu.memory_space<vmem>> -> memref<1x128xi32, #tpu.memory_space<vmem>>
        %dma_wait3A_100 = tpu.memref_squeeze %dma_wait3A_99 : memref<1x128xi32, #tpu.memory_space<vmem>> -> memref<128xi32, #tpu.memory_space<vmem>>
        %dma_wait3A_101 = arith.constant 0 : i32
        %dma_wait3A_102 = arith.constant 0 : i32
        %dma_wait3A_103 = tpu.memref_slice %arg9[%dma_wait3A_101, %dma_wait3A_102] : memref<10240x128xf32, #tpu.memory_space<vmem_shared>> -> memref<10240x128xf32, #tpu.memory_space<vmem_shared>>
        tpu.wait_indirect_dma semaphore(%run_scoped3A_83 : memref<!tpu.dma_semaphore, #tpu.memory_space<semaphore_mem>>) src(%dma_wait3A_97 : memref<128x128xf32, #tpu.memory_space<vmem>>) dst(%dma_wait3A_103 : memref<10240x128xf32, #tpu.memory_space<vmem_shared>>)
        tpu.yield
      }) : () -> ()
    }
    %scan3A_26 = arith.constant 40 : i32
    %barrier3A_27 = arith.constant 0 : index
    tpu.barrier barrier_id(%barrier3A_27)
    %mul3A_28 = arith.constant 640 : i32
    %mul3A_29 = arith.muli %arg1, %mul3A_28 : i32
    %mul3A_30 = arith.constant 640 : i32
    %mul3A_31 = arith.muli %arg1, %mul3A_30 : i32
    "tpu.region"() ({
      %run_scoped3A_32 = tpu.sem_alloc : memref<!tpu.dma_semaphore, #tpu.memory_space<semaphore_mem>>
      %dma_start3A_33 = arith.constant 0 : i32
      %dma_start3A_34 = tpu.memref_slice %arg5[%arg0, %mul3A_31, %dma_start3A_33] : memref<2x10240x128xf32, #tpu.memory_space<hbm>> -> memref<1x640x128xf32, #tpu.memory_space<hbm>>
      %dma_start3A_35 = tpu.memref_squeeze %dma_start3A_34 : memref<1x640x128xf32, #tpu.memory_space<hbm>> -> memref<640x128xf32, #tpu.memory_space<hbm>>
      %dma_start3A_36 = arith.constant 0 : i32
      %dma_start3A_37 = tpu.memref_slice %arg9[%mul3A_29, %dma_start3A_36] : memref<10240x128xf32, #tpu.memory_space<vmem_shared>> -> memref<640x128xf32, #tpu.memory_space<vmem_shared>>
      tpu.enqueue_dma source(%dma_start3A_37 : memref<640x128xf32, #tpu.memory_space<vmem_shared>>) target(%dma_start3A_35 : memref<640x128xf32, #tpu.memory_space<hbm>>) target_semaphore(%run_scoped3A_32 : memref<!tpu.dma_semaphore, #tpu.memory_space<semaphore_mem>>)
      %dma_wait3A = arith.constant 0 : i32
      %dma_wait3A_38 = tpu.memref_slice %arg5[%arg0, %mul3A_31, %dma_wait3A] : memref<2x10240x128xf32, #tpu.memory_space<hbm>> -> memref<1x640x128xf32, #tpu.memory_space<hbm>>
      %dma_wait3A_39 = tpu.memref_squeeze %dma_wait3A_38 : memref<1x640x128xf32, #tpu.memory_space<hbm>> -> memref<640x128xf32, #tpu.memory_space<hbm>>
      %dma_wait3A_40 = arith.constant 0 : i32
      %dma_wait3A_41 = tpu.memref_slice %arg9[%mul3A_29, %dma_wait3A_40] : memref<10240x128xf32, #tpu.memory_space<vmem_shared>> -> memref<640x128xf32, #tpu.memory_space<vmem_shared>>
      tpu.wait_dma2 semaphore(%run_scoped3A_32 : memref<!tpu.dma_semaphore, #tpu.memory_space<semaphore_mem>>) src(%dma_wait3A_41 : memref<640x128xf32, #tpu.memory_space<vmem_shared>>) dst(%dma_wait3A_39 : memref<640x128xf32, #tpu.memory_space<hbm>>)
      tpu.yield
    }) : () -> ()
    return
  }
}

module attributes {stable_mosaic.version = 14 : i64} {
  func.func @_tc_prescale_body(%arg0: i32, %arg1: memref<1024x128xf32, #tpu.memory_space<vmem>>, %arg2: memref<2x1024x128xf32, #tpu.memory_space<vmem>>, %arg3: memref<1024x128xf32, #tpu.memory_space<vmem>>) attributes {dimension_semantics = [#tpu.dimension_semantics<arbitrary>], iteration_bounds = array<i64: 10>, scalar_prefetch = 0 : i64, scratch_operands = 0 : i64, tpu.core_type = #tpu.core_type<tc>, window_params = [{transform_indices = @transform_0, window_bounds = array<i64: 1024, 128>}, {transform_indices = @transform_1, window_bounds = array<i64: 2, 1024, 128>}, {transform_indices = @transform_2, window_bounds = array<i64: 1024, 128>}]} {
    %get3A = arith.constant 0 : index
    %get3A_0 = arith.constant 0 : index
    %get3A_1 = vector.load %arg1[%get3A, %get3A_0] : memref<1024x128xf32, #tpu.memory_space<vmem>>, vector<1024x128xf32>
    %get3A_2 = arith.constant 0 : index
    %get3A_3 = arith.constant 0 : index
    %get3A_4 = arith.constant 0 : index
    %get3A_5 = vector.load %arg2[%get3A_2, %get3A_3, %get3A_4] : memref<2x1024x128xf32, #tpu.memory_space<vmem>>, vector<1x1024x128xf32>
    %get3A_6 = vector.shape_cast %get3A_5 : vector<1x1024x128xf32> to vector<1024x128xf32>
    %max3A = arith.constant 1.000000e+00 : f32
    %max3A_7 = vector.broadcast %max3A : f32 to vector<1024x128xf32>
    %max3A_8 = arith.maximumf %get3A_6, %max3A_7 : vector<1024x128xf32>
    %rsqrt3A = math.rsqrt %max3A_8 : vector<1024x128xf32>
    %mul3A = arith.mulf %get3A_1, %rsqrt3A : vector<1024x128xf32>
    %swap3A = arith.constant 0 : index
    %swap3A_9 = arith.constant 0 : index
    %swap3A_10 = vector.load %arg3[%swap3A, %swap3A_9] : memref<1024x128xf32, #tpu.memory_space<vmem>>, vector<1024x128xf32>
    tpu.vector_store %arg3[%swap3A, %swap3A_9], %mul3A {strides = array<i32>} : memref<1024x128xf32, #tpu.memory_space<vmem>>, vector<1024x128xf32>,
    return
  }
  func.func @transform_0(%arg0: i32) -> (i32, i32) {
    %c0_i32 = arith.constant 0 : i32
    %c0_i32_0 = arith.constant 0 : i32
    return %arg0, %c0_i32 : i32, i32
  }
  func.func @transform_1(%arg0: i32) -> (i32, i32, i32) {
    %c0_i32 = arith.constant 0 : i32
    %c0_i32_0 = arith.constant 0 : i32
    %c0_i32_1 = arith.constant 0 : i32
    return %c0_i32, %arg0, %c0_i32_0 : i32, i32, i32
  }
  func.func @transform_2(%arg0: i32) -> (i32, i32) {
    %c0_i32 = arith.constant 0 : i32
    %c0_i32_0 = arith.constant 0 : i32
    return %arg0, %c0_i32 : i32, i32
  }
}

module attributes {stable_mosaic.version = 14 : i64} {
  func.func @_tc_layer_body(%arg0: i32, %arg1: memref<2x1024x128xf32, #tpu.memory_space<vmem>>, %arg2: memref<2x1024x128xf32, #tpu.memory_space<vmem>>, %arg3: memref<128x128xf32, #tpu.memory_space<vmem>>, %arg4: memref<1x128xf32, #tpu.memory_space<vmem>>, %arg5: memref<1024x128xf32, #tpu.memory_space<vmem>>) attributes {dimension_semantics = [#tpu.dimension_semantics<arbitrary>], iteration_bounds = array<i64: 10>, scalar_prefetch = 0 : i64, scratch_operands = 0 : i64, tpu.core_type = #tpu.core_type<tc>, window_params = [{transform_indices = @transform_0, window_bounds = array<i64: 2, 1024, 128>}, {transform_indices = @transform_1, window_bounds = array<i64: 2, 1024, 128>}, {pipeline_mode = #tpu.pipeline_mode<synchronous>, transform_indices = @transform_2, window_bounds = array<i64: 128, 128>}, {pipeline_mode = #tpu.pipeline_mode<synchronous>, transform_indices = @transform_3, window_bounds = array<i64: 1, 128>}, {transform_indices = @transform_4, window_bounds = array<i64: 1024, 128>}]} {
    %get3A = arith.constant 0 : index
    %get3A_0 = arith.constant 0 : index
    %get3A_1 = arith.constant 0 : index
    %get3A_2 = vector.load %arg1[%get3A, %get3A_0, %get3A_1] : memref<2x1024x128xf32, #tpu.memory_space<vmem>>, vector<1x1024x128xf32>
    %get3A_3 = vector.shape_cast %get3A_2 : vector<1x1024x128xf32> to vector<1024x128xf32>
    %get3A_4 = arith.constant 1 : index
    %get3A_5 = arith.constant 0 : index
    %get3A_6 = arith.constant 0 : index
    %get3A_7 = vector.load %arg1[%get3A_4, %get3A_5, %get3A_6] : memref<2x1024x128xf32, #tpu.memory_space<vmem>>, vector<1x1024x128xf32>
    %get3A_8 = vector.shape_cast %get3A_7 : vector<1x1024x128xf32> to vector<1024x128xf32>
    %add3A = arith.addf %get3A_3, %get3A_8 : vector<1024x128xf32>
    %get3A_9 = arith.constant 1 : index
    %get3A_10 = arith.constant 0 : index
    %get3A_11 = arith.constant 0 : index
    %get3A_12 = vector.load %arg2[%get3A_9, %get3A_10, %get3A_11] : memref<2x1024x128xf32, #tpu.memory_space<vmem>>, vector<1x1024x128xf32>
    %get3A_13 = vector.shape_cast %get3A_12 : vector<1x1024x128xf32> to vector<1024x128xf32>
    %max3A = arith.constant 1.000000e+00 : f32
    %max3A_14 = vector.broadcast %max3A : f32 to vector<1024x128xf32>
    %max3A_15 = arith.maximumf %get3A_13, %max3A_14 : vector<1024x128xf32>
    %rsqrt3A = math.rsqrt %max3A_15 : vector<1024x128xf32>
    %mul3A = arith.mulf %add3A, %rsqrt3A : vector<1024x128xf32>
    %get3A_16 = arith.constant 0 : index
    %get3A_17 = arith.constant 0 : index
    %get3A_18 = vector.load %arg3[%get3A_16, %get3A_17] : memref<128x128xf32, #tpu.memory_space<vmem>>, vector<128x128xf32>
    %dot_general3A = arith.constant dense<0.000000e+00> : vector<1024x128xf32>
    %dot_general3A_19 = tpu.matmul %mul3A, %get3A_18, %dot_general3A {dimension_numbers = #tpu.dot_dimension_numbers<[1], [0], [0], [1], [0, 0, 1, 1], [], []>, transpose_lhs_hint = false} : vector<1024x128xf32>, vector<128x128xf32>, vector<1024x128xf32> -> vector<1024x128xf32>
    %get3A_20 = arith.constant 0 : index
    %get3A_21 = arith.constant 0 : index
    %get3A_22 = vector.load %arg4[%get3A_20, %get3A_21] : memref<1x128xf32, #tpu.memory_space<vmem>>, vector<1x128xf32>
    %add3A_23 = vector.broadcast %get3A_22 : vector<1x128xf32> to vector<1024x128xf32>
    %add3A_24 = arith.addf %dot_general3A_19, %add3A_23 : vector<1024x128xf32>
    %max3A_25 = arith.constant 0.000000e+00 : f32
    %max3A_26 = vector.broadcast %max3A_25 : f32 to vector<1024x128xf32>
    %max3A_27 = arith.maximumf %add3A_24, %max3A_26 : vector<1024x128xf32>
    %get3A_28 = arith.constant 0 : index
    %get3A_29 = arith.constant 0 : index
    %get3A_30 = arith.constant 0 : index
    %get3A_31 = vector.load %arg2[%get3A_28, %get3A_29, %get3A_30] : memref<2x1024x128xf32, #tpu.memory_space<vmem>>, vector<1x1024x128xf32>
    %get3A_32 = vector.shape_cast %get3A_31 : vector<1x1024x128xf32> to vector<1024x128xf32>
    %max3A_33 = arith.constant 1.000000e+00 : f32
    %max3A_34 = vector.broadcast %max3A_33 : f32 to vector<1024x128xf32>
    %max3A_35 = arith.maximumf %get3A_32, %max3A_34 : vector<1024x128xf32>
    %rsqrt3A_36 = math.rsqrt %max3A_35 : vector<1024x128xf32>
    %mul3A_37 = arith.mulf %max3A_27, %rsqrt3A_36 : vector<1024x128xf32>
    %swap3A = arith.constant 0 : index
    %swap3A_38 = arith.constant 0 : index
    %swap3A_39 = vector.load %arg5[%swap3A, %swap3A_38] : memref<1024x128xf32, #tpu.memory_space<vmem>>, vector<1024x128xf32>
    tpu.vector_store %arg5[%swap3A, %swap3A_38], %mul3A_37 {strides = array<i32>} : memref<1024x128xf32, #tpu.memory_space<vmem>>, vector<1024x128xf32>,
    return
  }
  func.func @transform_0(%arg0: i32) -> (i32, i32, i32) {
    %c0_i32 = arith.constant 0 : i32
    %c0_i32_0 = arith.constant 0 : i32
    %c0_i32_1 = arith.constant 0 : i32
    return %c0_i32, %arg0, %c0_i32_0 : i32, i32, i32
  }
  func.func @transform_1(%arg0: i32) -> (i32, i32, i32) {
    %c0_i32 = arith.constant 0 : i32
    %c0_i32_0 = arith.constant 0 : i32
    %c0_i32_1 = arith.constant 0 : i32
    return %c0_i32, %arg0, %c0_i32_0 : i32, i32, i32
  }
  func.func @transform_2(%arg0: i32) -> (i32, i32) {
    %c0_i32 = arith.constant 0 : i32
    %c0_i32_0 = arith.constant 0 : i32
    %c0_i32_1 = arith.constant 0 : i32
    return %c0_i32, %c0_i32_0 : i32, i32
  }
  func.func @transform_3(%arg0: i32) -> (i32, i32) {
    %c0_i32 = arith.constant 0 : i32
    %c0_i32_0 = arith.constant 0 : i32
    %c0_i32_1 = arith.constant 0 : i32
    return %c0_i32, %c0_i32_0 : i32, i32
  }
  func.func @transform_4(%arg0: i32) -> (i32, i32) {
    %c0_i32 = arith.constant 0 : i32
    %c0_i32_0 = arith.constant 0 : i32
    return %arg0, %c0_i32 : i32, i32
  }
}

module attributes {stable_mosaic.version = 14 : i64} {
  func.func @_tc_layer_body(%arg0: i32, %arg1: memref<2x1024x128xf32, #tpu.memory_space<vmem>>, %arg2: memref<2x1024x128xf32, #tpu.memory_space<vmem>>, %arg3: memref<128x128xf32, #tpu.memory_space<vmem>>, %arg4: memref<1x128xf32, #tpu.memory_space<vmem>>, %arg5: memref<1024x1xf32, #tpu.memory_space<vmem>>) attributes {dimension_semantics = [#tpu.dimension_semantics<arbitrary>], iteration_bounds = array<i64: 10>, scalar_prefetch = 0 : i64, scratch_operands = 0 : i64, tpu.core_type = #tpu.core_type<tc>, window_params = [{transform_indices = @transform_0, window_bounds = array<i64: 2, 1024, 128>}, {transform_indices = @transform_1, window_bounds = array<i64: 2, 1024, 128>}, {pipeline_mode = #tpu.pipeline_mode<synchronous>, transform_indices = @transform_2, window_bounds = array<i64: 128, 128>}, {pipeline_mode = #tpu.pipeline_mode<synchronous>, transform_indices = @transform_3, window_bounds = array<i64: 1, 128>}, {transform_indices = @transform_4, window_bounds = array<i64: 1024, 1>}]} {
    %get3A = arith.constant 0 : index
    %get3A_0 = arith.constant 0 : index
    %get3A_1 = arith.constant 0 : index
    %get3A_2 = vector.load %arg1[%get3A, %get3A_0, %get3A_1] : memref<2x1024x128xf32, #tpu.memory_space<vmem>>, vector<1x1024x128xf32>
    %get3A_3 = vector.shape_cast %get3A_2 : vector<1x1024x128xf32> to vector<1024x128xf32>
    %get3A_4 = arith.constant 1 : index
    %get3A_5 = arith.constant 0 : index
    %get3A_6 = arith.constant 0 : index
    %get3A_7 = vector.load %arg1[%get3A_4, %get3A_5, %get3A_6] : memref<2x1024x128xf32, #tpu.memory_space<vmem>>, vector<1x1024x128xf32>
    %get3A_8 = vector.shape_cast %get3A_7 : vector<1x1024x128xf32> to vector<1024x128xf32>
    %add3A = arith.addf %get3A_3, %get3A_8 : vector<1024x128xf32>
    %get3A_9 = arith.constant 1 : index
    %get3A_10 = arith.constant 0 : index
    %get3A_11 = arith.constant 0 : index
    %get3A_12 = vector.load %arg2[%get3A_9, %get3A_10, %get3A_11] : memref<2x1024x128xf32, #tpu.memory_space<vmem>>, vector<1x1024x128xf32>
    %get3A_13 = vector.shape_cast %get3A_12 : vector<1x1024x128xf32> to vector<1024x128xf32>
    %max3A = arith.constant 1.000000e+00 : f32
    %max3A_14 = vector.broadcast %max3A : f32 to vector<1024x128xf32>
    %max3A_15 = arith.maximumf %get3A_13, %max3A_14 : vector<1024x128xf32>
    %rsqrt3A = math.rsqrt %max3A_15 : vector<1024x128xf32>
    %mul3A = arith.mulf %add3A, %rsqrt3A : vector<1024x128xf32>
    %get3A_16 = arith.constant 0 : index
    %get3A_17 = arith.constant 0 : index
    %get3A_18 = vector.load %arg3[%get3A_16, %get3A_17] : memref<128x128xf32, #tpu.memory_space<vmem>>, vector<128x128xf32>
    %dot_general3A = arith.constant dense<0.000000e+00> : vector<1024x128xf32>
    %dot_general3A_19 = tpu.matmul %mul3A, %get3A_18, %dot_general3A {dimension_numbers = #tpu.dot_dimension_numbers<[1], [0], [0], [1], [0, 0, 1, 1], [], []>, transpose_lhs_hint = false} : vector<1024x128xf32>, vector<128x128xf32>, vector<1024x128xf32> -> vector<1024x128xf32>
    %get3A_20 = arith.constant 0 : index
    %get3A_21 = arith.constant 0 : index
    %get3A_22 = vector.load %arg4[%get3A_20, %get3A_21] : memref<1x128xf32, #tpu.memory_space<vmem>>, vector<1x128xf32>
    %add3A_23 = vector.broadcast %get3A_22 : vector<1x128xf32> to vector<1024x128xf32>
    %add3A_24 = arith.addf %dot_general3A_19, %add3A_23 : vector<1024x128xf32>
    %reduce_max3A = arith.constant dense<0xFF800000> : vector<1024xf32>
    %reduce_max3A_25 = vector.multi_reduction <maximumf>, %add3A_24, %reduce_max3A [1] : vector<1024x128xf32> to vector<1024xf32>
    %broadcast_in_dim3A = vector.shape_cast %reduce_max3A_25 : vector<1024xf32> to vector<1024x1xf32>
    %swap3A = arith.constant 0 : index
    %swap3A_26 = arith.constant 0 : index
    %swap3A_27 = vector.load %arg5[%swap3A, %swap3A_26] : memref<1024x1xf32, #tpu.memory_space<vmem>>, vector<1024x1xf32>
    tpu.vector_store %arg5[%swap3A, %swap3A_26], %broadcast_in_dim3A {strides = array<i32>} : memref<1024x1xf32, #tpu.memory_space<vmem>>, vector<1024x1xf32>,
    return
  }
  func.func @transform_0(%arg0: i32) -> (i32, i32, i32) {
    %c0_i32 = arith.constant 0 : i32
    %c0_i32_0 = arith.constant 0 : i32
    %c0_i32_1 = arith.constant 0 : i32
    return %c0_i32, %arg0, %c0_i32_0 : i32, i32, i32
  }
  func.func @transform_1(%arg0: i32) -> (i32, i32, i32) {
    %c0_i32 = arith.constant 0 : i32
    %c0_i32_0 = arith.constant 0 : i32
    %c0_i32_1 = arith.constant 0 : i32
    return %c0_i32, %arg0, %c0_i32_0 : i32, i32, i32
  }
  func.func @transform_2(%arg0: i32) -> (i32, i32) {
    %c0_i32 = arith.constant 0 : i32
    %c0_i32_0 = arith.constant 0 : i32
    %c0_i32_1 = arith.constant 0 : i32
    return %c0_i32, %c0_i32_0 : i32, i32
  }
  func.func @transform_3(%arg0: i32) -> (i32, i32) {
    %c0_i32 = arith.constant 0 : i32
    %c0_i32_0 = arith.constant 0 : i32
    %c0_i32_1 = arith.constant 0 : i32
    return %c0_i32, %c0_i32_0 : i32, i32
  }
  func.func @transform_4(%arg0: i32) -> (i32, i32) {
    %c0_i32 = arith.constant 0 : i32
    %c0_i32_0 = arith.constant 0 : i32
    return %arg0, %c0_i32 : i32, i32
  }
}

</mosaic_0001>

<sc_bundles>
// kernel: kernel.12.cloned.1.call-start
scs
__scs_entry_jumppad:
0x0: {  	(pc) =	sbr.rel $0x88, $3  }
0x1: {  	(tag) =	ssettag $0x0;
	lr =	simm.s32 $0x1  }
0x2: {  	[smem:$0x3F97] =	sst lr;
	_ =	strace $0xD0000000  }
0x3: {  	_ = 	snop  }
0x4: {  	_ = 	snop  }
0x5: {  	_ = 	snop  }
0x6: {  	_ = 	snop  }
0x7: {  	_ = 	snop  }
__scs_overlays_trampoline_lowered:
0x8: {  	[smem:$0x3FA6] =	sst s0  }
0x9: {  	[smem:$0x3FA7] =	sst s1  }
0xa: {  	[smem:$0x3FA8] =	sst s2  }
0xb: {  	[smem:$0x3FA9] =	sst s3  }
0xc: {  	[smem:$0x3FAA] =	sst s4  }
0xd: {  	[smem:$0x3FAB] =	sst s5  }
0xe: {  	[smem:$0x3FAC] =	sst s6  }
0xf: {  	[smem:$0x3FAD] =	sst s7  }
0x10: {  	[smem:$0x3FAE] =	sst s8  }
0x11: {  	[smem:$0x3FAF] =	sst s9;
	s0 =	simm.s32 @!p0 $0x0  }
0x12: {  	s1 =	sld [smem:$0x3F95];
	s0 =	simm.s32 @p0 $0x1  }
0x13: {  	[smem:$0x3FB0] =	sst s0;
	s0 =	simm.s32 @!p1 $0x0  }
0x14: {  	s2 =	sld [smem:$0x3F94];
	s0 =	simm.s32 @p1 $0x1  }
0x15: {  	[smem:$0x3FB1] =	sst s0;
	s0 =	simm.s32 @!p2 $0x0  }
0x16: {  	s3 =	sld [smem:$0x3FDB];
	s0 =	simm.s32 @p2 $0x1  }
0x17: {  	s4 =	simm.s32 $0x1BF5;
	[smem:$0x3FB3] =	sst s0  }
0x18: {  	s0 =	sld [smem:$0x3F96];
	_ =	swait.ge [sflag:s4], $0x0  }
0x19: {  	s7 =	sld [smem:$0x3F97]  }
0x1a: {  	s8 =	sadd.s32 $0xFFFFE003, lr  }
0x1b: {  	s9 =	sadd.s32 $0xFFFFFEF7, lr;
	s5 =	simm.s32 $0xFFFFFFFF;
	p2 =	slt.u32 s8, $0xFFFFF086  }
0x1c: {  	p1 =	slt.u32 s9, $0xF7A;
	s5 =	simm.s32 @!p2 $0x0  }
0x1d: {  	s5 =	simm.s32 @p1 $0x1;
	p0 =	seq.s32 s7, s2  }
0x1e: {  	s7 =	smul.u32 @!p0 $0xF7A, s2;
	p2 =	seq.s32 @!p0 s5, $0x0  }
0x1f: {  	s9 =	smul.u32 $0xF7A, s1;
	s8 =	simm.s32 @!p0 $0x1BF5;
	p2 =	por !p2, p0  }
0x20: {  	[sflag:s8] =	ssyncset.s32 @!p0 $0xFFFFF086;
	s6 =	sadd.s32 @!p0 s3, s7;
	s7 =	simm.s32 @!p0 $0x108  }
0x21: {  	s3 =	sadd.s32 s3, s9;
	s6 =	sadd.s32 @!p0 $0x88, s6;
	s7 =	simm.s32 @p2 $0x1082  }
0x22: {  	[simem:s7], [sflag:s8] =	dma.local @!p0 [hbm:s6], $0xF7A  }
0x23: {  	s9 =	sor.u32 $0xD0000000, s2;
	s6 =	simm.s32 $0x108;
	_ =	swait.ge @!p0 [sflag:s8], $0x0  }
0x24: {  	s3 =	sadd.s32 $0x88, s3;
	s6 =	simm.s32 @!p1 $0x1082;
	[sflag:s4] =	ssyncset.s32 $0xFFFFF086  }
0x25: {  	[simem:s6], [sflag:s4] =	dma.local [hbm:s3], $0xF7A  }
0x26: {  	[smem:$0x3F97] =	sst s1;
	(tag) =	ssettag s2;
	_ =	strace s9  }
0x27: {  	s1 =	sld [smem:$0x3FA7]  }
0x28: {  	s2 =	sld [smem:$0x3FA8]  }
0x29: {  	s4 =	sld [smem:$0x3FAA]  }
0x2a: {  	p0 =	seq.s32 s5, $0x0;
	s5 =	sld [smem:$0x3FAB]  }
0x2b: {  	s6 =	sld [smem:$0x3FAC]  }
0x2c: {  	s7 =	sld [smem:$0x3FAD]  }
0x2d: {  	s3 =	simm.s32 $0x108;
	s8 =	sld [smem:$0x3FAE]  }
0x2e: {  	s3 =	simm.s32 @!p0 $0x1082;
	s9 =	sld [smem:$0x3FAF]  }
0x2f: {  	lr =	sadd.s32 s0, s3;
	s0 =	sld [smem:$0x3FA6]  }
0x30: {  	s3 =	sld [smem:$0x3FA9]  }
0x31: {  	[smem:$0x3FB2] =	sst s10  }
0x32: {  	s10 =	sld [smem:$0x3FB0];
	_ =	sdelay $0x3  }
0x33: {  	p0 =	seq.s32 s10, $0x1;
	s10 =	sld [smem:$0x3FB2];
	_ =	sdelay $0x3  }
0x34: {  	[smem:$0x3FB2] =	sst s10  }
0x35: {  	s10 =	sld [smem:$0x3FB1];
	_ =	sdelay $0x3  }
0x36: {  	p1 =	seq.s32 s10, $0x1;
	s10 =	sld [smem:$0x3FB2];
	_ =	sdelay $0x3  }
0x37: {  	[smem:$0x3FB2] =	sst s10  }
0x38: {  	s10 =	sld [smem:$0x3FB3]  }
0x39: {  	_ = 	snop;
	(pc) =	sbr.ind lr, $3  }
0x3a: {  	_ = 	snop  }
0x3b: {  	_ = 	snop  }
0x3c: {  	p2 =	seq.s32 s10, $0x1;
	s10 =	sld [smem:$0x3FB2]  }
0x3d: {  	_ =	shalt  }
0x3e: {  	_ =	shalt  }
0x3f: {  	_ =	shalt  }
0x40: {  	_ =	shalt  }
0x41: {  	_ =	shalt  }
0x42: {  	_ =	shalt  }
0x43: {  	_ =	shalt  }
0x44: {  	_ =	shalt  }
0x45: {  	_ =	shalt  }
0x46: {  	_ =	shalt  }
0x47: {  	_ =	shalt  }
0x48: {  	_ =	shalt  }
0x49: {  	_ =	shalt  }
0x4a: {  	_ =	shalt  }
0x4b: {  	_ =	shalt  }
0x4c: {  	_ =	shalt  }
0x4d: {  	_ =	shalt  }
0x4e: {  	_ =	shalt  }
0x4f: {  	_ =	shalt  }
0x50: {  	_ =	shalt  }
0x51: {  	_ =	shalt  }
0x52: {  	_ =	shalt  }
0x53: {  	_ =	shalt  }
0x54: {  	_ =	shalt  }
0x55: {  	_ =	shalt  }
0x56: {  	_ =	shalt  }
0x57: {  	_ =	shalt  }
0x58: {  	_ =	shalt  }
0x59: {  	_ =	shalt  }
0x5a: {  	_ =	shalt  }
0x5b: {  	_ =	shalt  }
0x5c: {  	_ =	shalt  }
0x5d: {  	_ =	shalt  }
0x5e: {  	_ =	shalt  }
0x5f: {  	_ =	shalt  }
0x60: {  	_ =	shalt  }
0x61: {  	_ =	shalt  }
0x62: {  	_ =	shalt  }
0x63: {  	_ =	shalt  }
0x64: {  	_ =	shalt  }
0x65: {  	_ =	shalt  }
0x66: {  	_ =	shalt  }
0x67: {  	_ =	shalt  }
0x68: {  	_ =	shalt  }
0x69: {  	_ =	shalt  }
0x6a: {  	_ =	shalt  }
0x6b: {  	_ =	shalt  }
0x6c: {  	_ =	shalt  }
0x6d: {  	_ =	shalt  }
0x6e: {  	_ =	shalt  }
0x6f: {  	_ =	shalt  }
0x70: {  	_ =	shalt  }
0x71: {  	_ =	shalt  }
0x72: {  	_ =	shalt  }
0x73: {  	_ =	shalt  }
0x74: {  	_ =	shalt  }
0x75: {  	_ =	shalt  }
0x76: {  	_ =	shalt  }
0x77: {  	_ =	shalt  }
0x78: {  	_ =	shalt  }
0x79: {  	_ =	shalt  }
0x7a: {  	_ =	shalt  }
0x7b: {  	_ =	shalt  }
0x7c: {  	_ =	shalt  }
0x7d: {  	_ =	shalt  }
0x7e: {  	_ =	shalt  }
0x7f: {  	_ =	shalt  }
0x80: {  	_ =	shalt  }
0x81: {  	_ =	shalt  }
0x82: {  	_ =	shalt  }
0x83: {  	_ =	shalt  }
0x84: {  	_ =	shalt  }
0x85: {  	_ =	shalt  }
0x86: {  	_ =	shalt  }
0x87: {  	_ =	shalt  }
.Lfunc_end0:
.L_simem_size_0:
called_computation_lowered:
.L_overlay_start_0:
0x88: {  	s2 =	sld [smem:$0x3FD9]  }
0x89: {  	s3 =	sld [smem:$0x3FFE];
	_ =	sdelay $0x1  }
0x8a: {  	s1 =	srdreg.scid  }
0x8b: {  	s0 =	sand.u32 $0x1, s1  }
0x8c: {  	s16 =	sshll.u32 s0, $0xA;
	s2 =	sadd.s32 s3, s2  }
0x8d: {  	s2 =	sadd.s32 s2, s16  }
0x8e: {  	[smem:$0x3FBE] =	sst s2  }
0x8f: {  	_ = 	snop  }
0x90: {  	(tm) =	ssettm $0x1  }
0x91: {  	s17 =	sld [smem:$0x3FFB];
	_ =	sdelay $0x3  }
0x92: {  	_ =	strace s17  }
0x93: {  	s2 =	sld [smem:$0x3FFC];
	_ =	sdelay $0x3  }
0x94: {  	_ =	strace s2  }
0x95: {  	s2 =	sld [smem:$0x3FFD];
	_ =	sdelay $0x3  }
0x96: {  	_ =	strace s2  }
0x97: {  	_ =	strace $0x8FFFFFFF  }
0x98: {  	s18 =	sld [smem:$0x3FDB];
	_ =	sdelay $0x1  }
0x99: {  	s19 =	simm.s32 $_scs_section_size  }
0x9a: {  	s4 =	simm.s32 $_size__tile_overlayer_lowered;
	s5 =	simm.s32 $_tile_overlayer_lowered  }
0x9b: {  	s22 =	simm.s32 $0x1BFF;
	s21 =	sshll.u32 s5, $0x1;
	s2 =	sadd.s32 s19, s18  }
0x9c: {  	s6 =	simm.s32 $0x0;
	s20 =	sshll.u32 s4, $0x1;
	s4 =	sadd.s32 s21, s2  }
0x9d: {  	[timem:s6], [sflag:s22] =	dma.local [hbm:s4], s20  }
0x9e: {  	_ =	swait.ge [sflag:s22], s20  }
0x9f: {  	s3 =	ssub.s32 $0x0, s20;
	[sflag:s22] =	ssyncset.done $0x0  }
0xa0: {  	[sflag:s22] =	ssyncadd.s32 s3;
	_ =	sdelay $0x1  }
0xa1: {  	s23 =	simm.s32 $0x1B8B  }
0xa2: {  	_ =	swait.ge [sflag:s23], $0x1  }
0xa3: {  	[sflag:s23] =	ssyncset.done $0x0  }
0xa4: {  	s25 =	simm.s32 $0x1B8E;
	s24 =	sld [smem:$0x3FFE];
	[sflag:s23] =	ssyncadd.s32 $0xFFFFFFFF  }
0xa5: {  	s26 =	simm.s32 $execute0_lowered;
	[smem:$0x3FD2] =	sst s25  }
0xa6: {  	s4 =	sshll.u32 s26, $0x1;
	_ =	strace $0x80000046;
	[dreg:$0x1] =	wrdreg $0xFFFFFFFF  }
0xa7: {  	s28 =	simm.s32 $_size_execute0_lowered;
	s2 =	sadd.s32 s2, s4;
	[dreg:$0x0] =	wrdreg $0x0  }
0xa8: {  	s4 =	sshll.u32 s28, $0x1;
	[dreg:$0x2] =	wrdreg s2  }
0xa9: {  	[dreg:$0x3] =	wrdreg s4  }
0xaa: {  	[dreg:$0x4] =	wrdreg $0xC0  }
0xab: {  	_ =	task [dreg:s6], $0x5FFFF  }
0xac: {  	[dreg:$0x1] =	wrdreg $0xFFFFFFFF  }
0xad: {  	[dreg:$0x0] =	wrdreg $0x60  }
0xae: {  	[dreg:$0x2] =	wrdreg s24  }
0xaf: {  	[dreg:$0x3] =	wrdreg $0x60800  }
0xb0: {  	[dreg:$0x4] =	wrdreg $0x9  }
0xb1: {  	_ =	task.clear_ibuf [dreg:s6], $0x5FFFF;
	_ =	strace $0x90000046  }
0xb2: {  	s29 =	simm.s32 $0x9;
	_ =	strace $0x80000048  }
0xb3: {  	_ =	swait.ge [sflag:s29], $0x1  }
0xb4: {  	[sflag:s29] =	ssyncadd.s32 $0xFFFFFFFF  }
0xb5: {  	_ =	strace $0x90000048  }
0xb6: {  	_ =	sfence  }
0xb7: {  	s30 =	sld [smem:$0x0];
	_ =	sdelay $0x2  }
0xb8: {  	s31 =	sshll.u32 s1, $0xD;
	s1 =	sshrl.u32 s1, $0x2  }
0xb9: {  	s3 =	sand.u32 $0x4000, s31;
	s1 =	sadd.s32 s1, s30  }
0xba: {  	s0 =	sor.u32 s3, s0;
	s1 =	sshll.u32 s1, $0x11  }
0xbb: {  	s0 =	sor.u32 s1, s0  }
0xbc: {  	s0 =	sadd.s32 $0x8F2B, s0  }
0xbd: {  	[sflag:s0] =	ssyncadd.remote.s32 $0x1  }
0xbe: {  	_ =	sfence.sel $0xFFFF  }
0xbf: {  	[dreg:$0x0] =	wrdreg $0xFFFFFFFF;
	(pc) =	sbr.abs _section_cstart, $3  }
0xc0: {  	[dreg:$0x1] =	wrdreg $0xFFFFFFFF  }
0xc1: {  	_ =	task.clear_ibuf [dreg:s6], $0x2FFFF;
	_ =	strace $0x9FFFFFFF  }
0xc2: {  	(tm) =	ssettm $0x7FFFFFFF  }
0xc3: {  	_ =	shalt  }
tec
execute0_lowered:
.L_overlay_start_1:
0x0: {  	(tag) =	ssettag $0x1  }
0x1: {  	s6 =	rddreg [dreg:$0x0]  }
0x2: {  	s1 =	rddreg [dreg:$0x1]  }
0x3: {  	s2 =	srdreg.scid;
	s0 =	rddreg [dreg:$0x2]  }
0x4: {  	s3 =	simm.s32 $0x0;
	s19 =	simm.s32 $0x4080;
	s20 =	simm.s32 $0x1  }
0x5: {  	s21 =	simm.s32 $0x80;
	s7 =	sand.u32 $0x1, s2;
	s2 =	stileid.u32  }
0x6: {  	s22 =	simm.s32 $0x0;
	[smem:$0x7FF] =	sst s3;
	s5 =	smul.u32 $0x140000, s7  }
0x7: {  	s4 =	sadd.s32 $0x3A00, s6;
	s8 =	smul.u32 $0x14000, s2;
	_ =	strace $0x80000047  }
0x8: {  	s9 =	smul.u32 $0x50000, s2;
	s31 =	ssub.s32 $0x2, s7;
	p0 =	seq.s32 s7, $0x1  }
0x9: {  	s18 =	smul.u32 $0xA00, s2;
	s10 =	sshrl.u32 s31, $0x1;
	s5 =	sadd.s32 s8, s5  }
0xa: {  	s9 =	sshrl.u32 s9, $0x2;
	s8 =	ssub.s32 s31, s10;
	s5 =	sshrl.u32 s5, $0x3  }
.Ltmp0:
0xb: {  	s8 =	smax.u32 s8, $0x1;
	s11 =	sadd.s32 s5, s6;
	(pc) =	sbr.rel .LBB2_1-.Ltmp0, $4  }
0xc: {  	s5 =	sadd.s32 s9, s1;
	s6 =	sadd.s32 $0xDA00, s6;
	s7 =	sadd.s32 $0x17A00, s11  }
0xd: {  	s9 =	sadd.s32 $0x2000, s5;
	s10 =	sadd.s32 $0x4000, s5;
	s11 =	sadd.s32 $0x6000, s5  }
0xe: {  	s12 =	sadd.s32 $0x8000, s5;
	s13 =	sadd.s32 $0xA000, s5;
	s14 =	sadd.s32 $0xC000, s5  }
0xf: {  	v0 =	vimm.f32 $1.000000000e+00;
	v1 =	vimm.f32 $0.0e+00;
	s15 =	sadd.s32 $0xE000, s5;
	s16 =	sadd.s32 $0x10000, s5;
	s17 =	sadd.s32 $0x12000, s5  }
.LBB2_8:
0x10: {  	s23 =	sadd.s32 s24, s25;
	[sflag:s20] =	ssyncadd.s32 $0xFFFFC000  }
0x11: {  	[tilespmem:s3], [sflag:$0x1] =	stream.linear.gather [hbm4b:s23+s3], $0x80, $0x38;
	[tilespmem:$0x1A080] =	vst v63  }
0x12: {  	_ =	swait.ge [sflag:s20], $0x80  }
0x13: {  	[sflag:s20] =	ssyncset.done $0x0  }
0x14: {  	[sflag:s20] =	ssyncadd.s32 $0xFFFFFF80  }
0x15: {  	[spmem:s1] =	stream.indirect.scatter.add.f32 [tilespmem:s21], [sflag:$0x1], $0x80, s3, s21, $0xb8;
	[tilespmem:$0x1A080] =	vst v63  }
0x16: {  	_ =	swait.ge [sflag:s20], $0x4000  }
0x17: {  	[sflag:s20] =	ssyncset.done $0x0  }
0x18: {  	[sflag:s20] =	ssyncadd.s32 $0xFFFFC000  }
.LBB2_12:
0x19: {  	s22 =	sadd.s32 $0x1, s22  }
0x1a: {  	s23 =	sshll.u32 s2, $0x6;
	[bflag:$0x0] =	sbarrier.arrive $0xFFFF;
	p1 =	sne.s32 s22, s8  }
.Ltmp1:
0x1b: {  	s24 =	sshrl.u32 s5, $0x3;
	s23 =	sor.u32 $0x1C01, s23;
	(pc) =	sbr.rel @!p1 .LBB2_13-.Ltmp1, $4  }
0x1c: {  	[hbm:s7], [sflag:s23] =	dma.local [spmem:s24], $0x2800  }
0x1d: {  	_ =	swait.ge [sflag:s20], $0x2800  }
0x1e: {  	[sflag:s20] =	ssyncset.done $0x0  }
0x1f: {  	[sflag:s20] =	ssyncadd.s32 $0xFFFFD800  }
.LBB2_1:
0x20: {  	s23 =	simm.s32 $0x0;
	s24 =	simm.s32 $0x200  }
.LBB2_2:
0x21: {  	p1 =	sne.s32 s24, $0xFE00;
	[tilespmem:s23+$0xF0] =	vst v0  }
0x22: {  	[tilespmem:s23+$0x80] =	vst v0  }
0x23: {  	[tilespmem:s23+$0x90] =	vst v0  }
.Ltmp2:
0x24: {  	[tilespmem:s23+$0xA0] =	vst v0;
	(pc) =	sbr.rel @p1 .LBB2_2-.Ltmp2, $4  }
0x25: {  	[tilespmem:s23+$0xB0] =	vst v0  }
0x26: {  	[tilespmem:s23+$0xC0] =	vst v0  }
0x27: {  	[tilespmem:s23+$0xD0] =	vst v0  }
0x28: {  	[tilespmem:s23+$0xE0] =	vst v0;
	s23 =	sshra.s32 s24, $0x2;
	s24 =	sadd.s32 $0x200, s24  }
0x29: {  	[tilespmem:s23+$0xF0] =	vst v0  }
0x2a: {  	[tilespmem:s23+$0x80] =	vst v0  }
0x2b: {  	[tilespmem:s23+$0x90] =	vst v0  }
0x2c: {  	[tilespmem:s23+$0xA0] =	vst v0  }
0x2d: {  	[tilespmem:s23+$0xB0] =	vst v0  }
0x2e: {  	[tilespmem:s23+$0xC0] =	vst v0  }
0x2f: {  	[tilespmem:s23+$0xD0] =	vst v0  }
0x30: {  	[tilespmem:s23+$0xE0] =	vst v0;
	s23 =	simm.s32 $0x0;
	s24 =	simm.s32 $0x200  }
.LBB2_4:
0x31: {  	p1 =	sne.s32 s24, $0x7E00;
	[tilespmem:s23+$0x40F0] =	vst v1  }
0x32: {  	[tilespmem:s23+$0x4080] =	vst v1  }
0x33: {  	[tilespmem:s23+$0x4090] =	vst v1  }
.Ltmp3:
0x34: {  	[tilespmem:s23+$0x40A0] =	vst v1;
	(pc) =	sbr.rel @p1 .LBB2_4-.Ltmp3, $4  }
0x35: {  	[tilespmem:s23+$0x40B0] =	vst v1  }
0x36: {  	[tilespmem:s23+$0x40C0] =	vst v1  }
0x37: {  	[tilespmem:s23+$0x40D0] =	vst v1  }
0x38: {  	[tilespmem:s23+$0x40E0] =	vst v1;
	s23 =	sshra.s32 s24, $0x2;
	s24 =	sadd.s32 $0x200, s24  }
0x39: {  	[tilespmem:s23+$0x40F0] =	vst v1  }
0x3a: {  	[tilespmem:s23+$0x4080] =	vst v1  }
0x3b: {  	[tilespmem:s23+$0x4090] =	vst v1  }
0x3c: {  	[tilespmem:s23+$0x40A0] =	vst v1  }
0x3d: {  	[tilespmem:s23+$0x40B0] =	vst v1  }
0x3e: {  	[tilespmem:s23+$0x40C0] =	vst v1  }
0x3f: {  	[tilespmem:s23+$0x40D0] =	vst v1  }
0x40: {  	[tilespmem:s23+$0x40E0] =	vst v1  }
0x41: {  	[spmem:s5] =	stream.linear.scatter [tilespmem:s19], [sflag:$0x1], $0x2000, $0x38;
	[tilespmem:$0x1A080] =	vst v63  }
0x42: {  	_ =	swait.ge [sflag:s20], $0x2000  }
0x43: {  	[sflag:s20] =	ssyncset.done $0x0  }
0x44: {  	[sflag:s20] =	ssyncadd.s32 $0xFFFFE000  }
0x45: {  	[spmem:s9] =	stream.linear.scatter [tilespmem:s19], [sflag:$0x1], $0x2000, $0x38;
	[tilespmem:$0x1A080] =	vst v63  }
0x46: {  	_ =	swait.ge [sflag:s20], $0x2000  }
0x47: {  	[sflag:s20] =	ssyncset.done $0x0  }
0x48: {  	[sflag:s20] =	ssyncadd.s32 $0xFFFFE000  }
0x49: {  	[spmem:s10] =	stream.linear.scatter [tilespmem:s19], [sflag:$0x1], $0x2000, $0x38;
	[tilespmem:$0x1A080] =	vst v63  }
0x4a: {  	_ =	swait.ge [sflag:s20], $0x2000  }
0x4b: {  	[sflag:s20] =	ssyncset.done $0x0  }
0x4c: {  	[sflag:s20] =	ssyncadd.s32 $0xFFFFE000  }
0x4d: {  	[spmem:s11] =	stream.linear.scatter [tilespmem:s19], [sflag:$0x1], $0x2000, $0x38;
	[tilespmem:$0x1A080] =	vst v63  }
0x4e: {  	_ =	swait.ge [sflag:s20], $0x2000  }
0x4f: {  	[sflag:s20] =	ssyncset.done $0x0  }
0x50: {  	[sflag:s20] =	ssyncadd.s32 $0xFFFFE000  }
0x51: {  	[spmem:s12] =	stream.linear.scatter [tilespmem:s19], [sflag:$0x1], $0x2000, $0x38;
	[tilespmem:$0x1A080] =	vst v63  }
0x52: {  	_ =	swait.ge [sflag:s20], $0x2000  }
0x53: {  	[sflag:s20] =	ssyncset.done $0x0  }
0x54: {  	[sflag:s20] =	ssyncadd.s32 $0xFFFFE000  }
0x55: {  	[spmem:s13] =	stream.linear.scatter [tilespmem:s19], [sflag:$0x1], $0x2000, $0x38;
	[tilespmem:$0x1A080] =	vst v63  }
0x56: {  	_ =	swait.ge [sflag:s20], $0x2000  }
0x57: {  	[sflag:s20] =	ssyncset.done $0x0  }
0x58: {  	[sflag:s20] =	ssyncadd.s32 $0xFFFFE000  }
0x59: {  	[spmem:s14] =	stream.linear.scatter [tilespmem:s19], [sflag:$0x1], $0x2000, $0x38;
	[tilespmem:$0x1A080] =	vst v63  }
0x5a: {  	_ =	swait.ge [sflag:s20], $0x2000  }
0x5b: {  	[sflag:s20] =	ssyncset.done $0x0  }
0x5c: {  	[sflag:s20] =	ssyncadd.s32 $0xFFFFE000  }
0x5d: {  	[spmem:s15] =	stream.linear.scatter [tilespmem:s19], [sflag:$0x1], $0x2000, $0x38;
	[tilespmem:$0x1A080] =	vst v63  }
0x5e: {  	_ =	swait.ge [sflag:s20], $0x2000  }
0x5f: {  	[sflag:s20] =	ssyncset.done $0x0  }
0x60: {  	[sflag:s20] =	ssyncadd.s32 $0xFFFFE000  }
0x61: {  	[spmem:s16] =	stream.linear.scatter [tilespmem:s19], [sflag:$0x1], $0x2000, $0x38;
	[tilespmem:$0x1A080] =	vst v63  }
0x62: {  	_ =	swait.ge [sflag:s20], $0x2000  }
0x63: {  	[sflag:s20] =	ssyncset.done $0x0  }
0x64: {  	[sflag:s20] =	ssyncadd.s32 $0xFFFFE000  }
0x65: {  	[spmem:s17] =	stream.linear.scatter [tilespmem:s19], [sflag:$0x1], $0x2000, $0x38;
	[tilespmem:$0x1A080] =	vst v63  }
.Ltmp4:
0x66: {  	_ =	swait.ge [sflag:s20], $0x2000;
	(pc) =	sbr.rel @!p0 .LBB2_6-.Ltmp4, $4  }
0x67: {  	[sflag:s20] =	ssyncset.done $0x0  }
0x68: {  	[sflag:s20] =	ssyncadd.s32 $0xFFFFE000  }
0x69: {  	s31 =	simm.s32 $0x0;
	s24 =	sadd.s32 $0x0, s18;
	[bflag:$0x0] =	sbarrier.arrive $0xFFFF  }
0x6a: {  	s23 =	sand.u32 $0x70, s31;
	s24 =	sand.u32 $0x1FF80, s24  }
0x6b: {  	s23 =	sadd.s32 s23, s6  }
0x6c: {  	s23 =	sadd.s32 s24, s23  }
0x6d: {  	[tilespmem:s3], [sflag:$0x1] =	stream.linear.gather [hbm4b:s23+s3], $0x80, $0x38;
	[tilespmem:$0x1A080] =	vst v63  }
0x6e: {  	_ =	swait.ge [sflag:s20], $0x80  }
0x6f: {  	[sflag:s20] =	ssyncset.done $0x0  }
0x70: {  	s31 =	simm.s32 $0x10;
	s25 =	sadd.s32 $0x10, s18;
	[sflag:s20] =	ssyncadd.s32 $0xFFFFFF80  }
0x71: {  	[spmem:s1] =	stream.indirect.scatter.add.f32 [tilespmem:s21], [sflag:$0x1], $0x80, s3, s21, $0xb8;
	[tilespmem:$0x1A080] =	vst v63  }
0x72: {  	s26 =	sand.u32 $0x70, s31;
	s24 =	sand.u32 $0x1FF80, s25;
	_ =	swait.ge [sflag:s20], $0x4000  }
0x73: {  	s23 =	simm.s32 $0x20;
	s25 =	sadd.s32 s26, s6;
	[sflag:s20] =	ssyncset.done $0x0  }
.LBB2_10:
0x74: {  	s24 =	sadd.s32 s24, s25  }
0x75: {  	[sflag:s20] =	ssyncadd.s32 $0xFFFFC000;
	s25 =	smov.u32 s23;
	s26 =	sadd.s32 $0x10, s23  }
0x76: {  	[tilespmem:s3], [sflag:$0x1] =	stream.linear.gather [hbm4b:s24+s3], $0x80, $0x38;
	[tilespmem:$0x1A080] =	vst v63  }
0x77: {  	p1 =	sne.s32 s23, $0x9F0;
	_ =	swait.ge [sflag:s20], $0x80  }
.Ltmp5:
0x78: {  	[sflag:s20] =	ssyncset.done $0x0;
	(pc) =	sbr.rel @p1 .LBB2_10-.Ltmp5, $4  }
0x79: {  	s23 =	sadd.s32 s25, s18;
	[sflag:s20] =	ssyncadd.s32 $0xFFFFFF80  }
0x7a: {  	[spmem:s1] =	stream.indirect.scatter.add.f32 [tilespmem:s21], [sflag:$0x1], $0x80, s3, s21, $0xb8;
	[tilespmem:$0x1A080] =	vst v63  }
0x7b: {  	s25 =	sand.u32 $0x70, s25;
	s24 =	sand.u32 $0x1FF80, s23;
	_ =	swait.ge [sflag:s20], $0x4000  }
0x7c: {  	s25 =	sadd.s32 s25, s6;
	s23 =	smov.u32 s26;
	[sflag:s20] =	ssyncset.done $0x0  }
0x7d: {  	s23 =	sadd.s32 s24, s25;
	[sflag:s20] =	ssyncadd.s32 $0xFFFFC000  }
0x7e: {  	[tilespmem:s3], [sflag:$0x1] =	stream.linear.gather [hbm4b:s23+s3], $0x80, $0x38;
	[tilespmem:$0x1A080] =	vst v63  }
0x7f: {  	_ =	swait.ge [sflag:s20], $0x80  }
0x80: {  	[sflag:s20] =	ssyncset.done $0x0  }
.Ltmp6:
0x81: {  	[sflag:s20] =	ssyncadd.s32 $0xFFFFFF80;
	(pc) =	sbr.rel .LBB2_12-.Ltmp6, $4  }
0x82: {  	[spmem:s1] =	stream.indirect.scatter.add.f32 [tilespmem:s21], [sflag:$0x1], $0x80, s3, s21, $0xb8;
	[tilespmem:$0x1A080] =	vst v63  }
0x83: {  	_ =	swait.ge [sflag:s20], $0x4000  }
0x84: {  	[sflag:s20] =	ssyncset.done $0x0  }
0x85: {  	[sflag:s20] =	ssyncadd.s32 $0xFFFFC000  }
.LBB2_6:
0x86: {  	s23 =	sadd.s32 s4, s23  }
0x87: {  	s23 =	sadd.s32 s24, s23  }
0x88: {  	[tilespmem:s3], [sflag:$0x1] =	stream.linear.gather [hbm4b:s23+s3], $0x80, $0x38;
	[tilespmem:$0x1A080] =	vst v63  }
0x89: {  	_ =	swait.ge [sflag:s20], $0x80  }
0x8a: {  	[sflag:s20] =	ssyncset.done $0x0  }
0x8b: {  	s31 =	simm.s32 $0x10;
	s25 =	sadd.s32 $0x10, s18;
	[sflag:s20] =	ssyncadd.s32 $0xFFFFFF80  }
0x8c: {  	[spmem:s1] =	stream.indirect.scatter.add.f32 [tilespmem:s21], [sflag:$0x1], $0x80, s3, s21, $0xb8;
	[tilespmem:$0x1A080] =	vst v63  }
0x8d: {  	s26 =	sand.u32 $0x70, s31;
	s24 =	sand.u32 $0x1FF80, s25;
	_ =	swait.ge [sflag:s20], $0x4000  }
0x8e: {  	s23 =	simm.s32 $0x20;
	s25 =	sadd.s32 s4, s26;
	[sflag:s20] =	ssyncset.done $0x0  }
.LBB2_7:
0x8f: {  	s24 =	sadd.s32 s24, s25  }
0x90: {  	[sflag:s20] =	ssyncadd.s32 $0xFFFFC000;
	s25 =	smov.u32 s23;
	s26 =	sadd.s32 $0x10, s23  }
0x91: {  	[tilespmem:s3], [sflag:$0x1] =	stream.linear.gather [hbm4b:s24+s3], $0x80, $0x38;
	[tilespmem:$0x1A080] =	vst v63  }
0x92: {  	p1 =	seq.s32 s23, $0x9F0;
	_ =	swait.ge [sflag:s20], $0x80  }
.Ltmp7:
0x93: {  	[sflag:s20] =	ssyncset.done $0x0;
	(pc) =	sbr.rel @!p1 .LBB2_7-.Ltmp7, $4  }
0x94: {  	s23 =	sadd.s32 s25, s18;
	[sflag:s20] =	ssyncadd.s32 $0xFFFFFF80  }
0x95: {  	[spmem:s1] =	stream.indirect.scatter.add.f32 [tilespmem:s21], [sflag:$0x1], $0x80, s3, s21, $0xb8;
	[tilespmem:$0x1A080] =	vst v63  }
0x96: {  	s25 =	sand.u32 $0x70, s25;
	s24 =	sand.u32 $0x1FF80, s23;
	_ =	swait.ge [sflag:s20], $0x4000  }
0x97: {  	s25 =	sadd.s32 s4, s25;
	s23 =	smov.u32 s26;
	[sflag:s20] =	ssyncset.done $0x0  }
.Ltmp8:
0x98: {  	_ = 	snop;
	(pc) =	sbr.rel .LBB2_8-.Ltmp8, $1  }
0x99: {  	_ =	sdelay $0x3  }
.LBB2_13:
0x9a: {  	_ =	sfence.sel $0x180000  }
0x9b: {  	[bflag:$0x0] =	sbarrier.arrive $0xFFFF  }
0x9c: {  	p0 =	sne.s32 s2, $0x0;
	_ =	strace $0x90000047  }
0x9d: {  	s0 =	sadd.s32 @!p0 $0x100000, s0;
	[bflag:$0x2] =	sbarrier.arrive $0xFFFF  }
0x9e: {  	[sflag:s0] =	ssyncadd.tile.s32 @!p0 $0x1;
	_ =	shalt  }
.Lfunc_end2:
_tile_overlayer_lowered:
.L_overlay_start_2:
0x9f: {  	(tag) =	ssettag $0x2  }
0xa0: {  	s0 =	rddreg [dreg:$0x0];
	s2 =	stileid.u32  }
0xa1: {  	s1 =	rddreg [dreg:$0x1];
	p0 =	sne.s32 s2, $0x0  }
0xa2: {  	s3 =	rddreg [dreg:$0x2];
	[bflag:$0x3] =	sbarrier.arrive $0xFFFF;
	s2 =	simm.s32 @!p0 $0x1C01  }
0xa3: {  	[timem:s3], [sflag:s2] =	dma.local @!p0 [hbm:s0], s1  }
0xa4: {  	s0 =	simm.s32 @!p0 $0x1  }
0xa5: {  	_ =	swait.ge @!p0 [sflag:s0], s1  }
0xa6: {  	s1 =	ssub.s32 @!p0 $0x0, s1;
	[sflag:s0] =	ssyncset.done @!p0 $0x0  }
0xa7: {  	[sflag:s0] =	ssyncadd.s32 @!p0 s1  }
0xa8: {  	[bflag:$0x3] =	sbarrier.arrive $0xFFFF  }
0xa9: {  	_ =	shalt  }

// kernel: kernel.15.cloned.1.call-start
scs
__scs_entry_jumppad:
0x0: {  	(pc) =	sbr.rel $0x88, $3  }
0x1: {  	(tag) =	ssettag $0x0;
	lr =	simm.s32 $0x1  }
0x2: {  	[smem:$0x3F97] =	sst lr;
	_ =	strace $0xD0000000  }
0x3: {  	_ = 	snop  }
0x4: {  	_ = 	snop  }
0x5: {  	_ = 	snop  }
0x6: {  	_ = 	snop  }
0x7: {  	_ = 	snop  }
__scs_overlays_trampoline_lowered:
0x8: {  	[smem:$0x3FA6] =	sst s0  }
0x9: {  	[smem:$0x3FA7] =	sst s1  }
0xa: {  	[smem:$0x3FA8] =	sst s2  }
0xb: {  	[smem:$0x3FA9] =	sst s3  }
0xc: {  	[smem:$0x3FAA] =	sst s4  }
0xd: {  	[smem:$0x3FAB] =	sst s5  }
0xe: {  	[smem:$0x3FAC] =	sst s6  }
0xf: {  	[smem:$0x3FAD] =	sst s7  }
0x10: {  	[smem:$0x3FAE] =	sst s8  }
0x11: {  	[smem:$0x3FAF] =	sst s9;
	s0 =	simm.s32 @!p0 $0x0  }
0x12: {  	s1 =	sld [smem:$0x3F95];
	s0 =	simm.s32 @p0 $0x1  }
0x13: {  	[smem:$0x3FB0] =	sst s0;
	s0 =	simm.s32 @!p1 $0x0  }
0x14: {  	s2 =	sld [smem:$0x3F94];
	s0 =	simm.s32 @p1 $0x1  }
0x15: {  	[smem:$0x3FB1] =	sst s0;
	s0 =	simm.s32 @!p2 $0x0  }
0x16: {  	s3 =	sld [smem:$0x3FDB];
	s0 =	simm.s32 @p2 $0x1  }
0x17: {  	s4 =	simm.s32 $0x1BF5;
	[smem:$0x3FB3] =	sst s0  }
0x18: {  	s0 =	sld [smem:$0x3F96];
	_ =	swait.ge [sflag:s4], $0x0  }
0x19: {  	s7 =	sld [smem:$0x3F97]  }
0x1a: {  	s8 =	sadd.s32 $0xFFFFE003, lr  }
0x1b: {  	s9 =	sadd.s32 $0xFFFFFEF7, lr;
	s5 =	simm.s32 $0xFFFFFFFF;
	p2 =	slt.u32 s8, $0xFFFFF086  }
0x1c: {  	p1 =	slt.u32 s9, $0xF7A;
	s5 =	simm.s32 @!p2 $0x0  }
0x1d: {  	s5 =	simm.s32 @p1 $0x1;
	p0 =	seq.s32 s7, s2  }
0x1e: {  	s7 =	smul.u32 @!p0 $0xF7A, s2;
	p2 =	seq.s32 @!p0 s5, $0x0  }
0x1f: {  	s9 =	smul.u32 $0xF7A, s1;
	s8 =	simm.s32 @!p0 $0x1BF5;
	p2 =	por !p2, p0  }
0x20: {  	[sflag:s8] =	ssyncset.s32 @!p0 $0xFFFFF086;
	s6 =	sadd.s32 @!p0 s3, s7;
	s7 =	simm.s32 @!p0 $0x108  }
0x21: {  	s3 =	sadd.s32 s3, s9;
	s6 =	sadd.s32 @!p0 $0x88, s6;
	s7 =	simm.s32 @p2 $0x1082  }
0x22: {  	[simem:s7], [sflag:s8] =	dma.local @!p0 [hbm:s6], $0xF7A  }
0x23: {  	s9 =	sor.u32 $0xD0000000, s2;
	s6 =	simm.s32 $0x108;
	_ =	swait.ge @!p0 [sflag:s8], $0x0  }
0x24: {  	s3 =	sadd.s32 $0x88, s3;
	s6 =	simm.s32 @!p1 $0x1082;
	[sflag:s4] =	ssyncset.s32 $0xFFFFF086  }
0x25: {  	[simem:s6], [sflag:s4] =	dma.local [hbm:s3], $0xF7A  }
0x26: {  	[smem:$0x3F97] =	sst s1;
	(tag) =	ssettag s2;
	_ =	strace s9  }
0x27: {  	s1 =	sld [smem:$0x3FA7]  }
0x28: {  	s2 =	sld [smem:$0x3FA8]  }
0x29: {  	s4 =	sld [smem:$0x3FAA]  }
0x2a: {  	p0 =	seq.s32 s5, $0x0;
	s5 =	sld [smem:$0x3FAB]  }
0x2b: {  	s6 =	sld [smem:$0x3FAC]  }
0x2c: {  	s7 =	sld [smem:$0x3FAD]  }
0x2d: {  	s3 =	simm.s32 $0x108;
	s8 =	sld [smem:$0x3FAE]  }
0x2e: {  	s3 =	simm.s32 @!p0 $0x1082;
	s9 =	sld [smem:$0x3FAF]  }
0x2f: {  	lr =	sadd.s32 s0, s3;
	s0 =	sld [smem:$0x3FA6]  }
0x30: {  	s3 =	sld [smem:$0x3FA9]  }
0x31: {  	[smem:$0x3FB2] =	sst s10  }
0x32: {  	s10 =	sld [smem:$0x3FB0];
	_ =	sdelay $0x3  }
0x33: {  	p0 =	seq.s32 s10, $0x1;
	s10 =	sld [smem:$0x3FB2];
	_ =	sdelay $0x3  }
0x34: {  	[smem:$0x3FB2] =	sst s10  }
0x35: {  	s10 =	sld [smem:$0x3FB1];
	_ =	sdelay $0x3  }
0x36: {  	p1 =	seq.s32 s10, $0x1;
	s10 =	sld [smem:$0x3FB2];
	_ =	sdelay $0x3  }
0x37: {  	[smem:$0x3FB2] =	sst s10  }
0x38: {  	s10 =	sld [smem:$0x3FB3]  }
0x39: {  	_ = 	snop;
	(pc) =	sbr.ind lr, $3  }
0x3a: {  	_ = 	snop  }
0x3b: {  	_ = 	snop  }
0x3c: {  	p2 =	seq.s32 s10, $0x1;
	s10 =	sld [smem:$0x3FB2]  }
0x3d: {  	_ =	shalt  }
0x3e: {  	_ =	shalt  }
0x3f: {  	_ =	shalt  }
0x40: {  	_ =	shalt  }
0x41: {  	_ =	shalt  }
0x42: {  	_ =	shalt  }
0x43: {  	_ =	shalt  }
0x44: {  	_ =	shalt  }
0x45: {  	_ =	shalt  }
0x46: {  	_ =	shalt  }
0x47: {  	_ =	shalt  }
0x48: {  	_ =	shalt  }
0x49: {  	_ =	shalt  }
0x4a: {  	_ =	shalt  }
0x4b: {  	_ =	shalt  }
0x4c: {  	_ =	shalt  }
0x4d: {  	_ =	shalt  }
0x4e: {  	_ =	shalt  }
0x4f: {  	_ =	shalt  }
0x50: {  	_ =	shalt  }
0x51: {  	_ =	shalt  }
0x52: {  	_ =	shalt  }
0x53: {  	_ =	shalt  }
0x54: {  	_ =	shalt  }
0x55: {  	_ =	shalt  }
0x56: {  	_ =	shalt  }
0x57: {  	_ =	shalt  }
0x58: {  	_ =	shalt  }
0x59: {  	_ =	shalt  }
0x5a: {  	_ =	shalt  }
0x5b: {  	_ =	shalt  }
0x5c: {  	_ =	shalt  }
0x5d: {  	_ =	shalt  }
0x5e: {  	_ =	shalt  }
0x5f: {  	_ =	shalt  }
0x60: {  	_ =	shalt  }
0x61: {  	_ =	shalt  }
0x62: {  	_ =	shalt  }
0x63: {  	_ =	shalt  }
0x64: {  	_ =	shalt  }
0x65: {  	_ =	shalt  }
0x66: {  	_ =	shalt  }
0x67: {  	_ =	shalt  }
0x68: {  	_ =	shalt  }
0x69: {  	_ =	shalt  }
0x6a: {  	_ =	shalt  }
0x6b: {  	_ =	shalt  }
0x6c: {  	_ =	shalt  }
0x6d: {  	_ =	shalt  }
0x6e: {  	_ =	shalt  }
0x6f: {  	_ =	shalt  }
0x70: {  	_ =	shalt  }
0x71: {  	_ =	shalt  }
0x72: {  	_ =	shalt  }
0x73: {  	_ =	shalt  }
0x74: {  	_ =	shalt  }
0x75: {  	_ =	shalt  }
0x76: {  	_ =	shalt  }
0x77: {  	_ =	shalt  }
0x78: {  	_ =	shalt  }
0x79: {  	_ =	shalt  }
0x7a: {  	_ =	shalt  }
0x7b: {  	_ =	shalt  }
0x7c: {  	_ =	shalt  }
0x7d: {  	_ =	shalt  }
0x7e: {  	_ =	shalt  }
0x7f: {  	_ =	shalt  }
0x80: {  	_ =	shalt  }
0x81: {  	_ =	shalt  }
0x82: {  	_ =	shalt  }
0x83: {  	_ =	shalt  }
0x84: {  	_ =	shalt  }
0x85: {  	_ =	shalt  }
0x86: {  	_ =	shalt  }
0x87: {  	_ =	shalt  }
.Lfunc_end0:
.L_simem_size_0:
called_computation.1_lowered:
.L_overlay_start_0:
0x88: {  	s2 =	sld [smem:$0x3FD9]  }
0x89: {  	s3 =	sld [smem:$0x3FFE];
	_ =	sdelay $0x1  }
0x8a: {  	s1 =	srdreg.scid  }
0x8b: {  	s0 =	sand.u32 $0x1, s1  }
0x8c: {  	s16 =	sshll.u32 s0, $0xA;
	s2 =	sadd.s32 s3, s2  }
0x8d: {  	s2 =	sadd.s32 s2, s16  }
0x8e: {  	[smem:$0x3FBE] =	sst s2  }
0x8f: {  	_ = 	snop  }
0x90: {  	(tm) =	ssettm $0x1  }
0x91: {  	s17 =	sld [smem:$0x3FFB];
	_ =	sdelay $0x3  }
0x92: {  	_ =	strace s17  }
0x93: {  	s2 =	sld [smem:$0x3FFC];
	_ =	sdelay $0x3  }
0x94: {  	_ =	strace s2  }
0x95: {  	s2 =	sld [smem:$0x3FFD];
	_ =	sdelay $0x3  }
0x96: {  	_ =	strace s2  }
0x97: {  	_ =	strace $0x8FFFFFFF  }
0x98: {  	s18 =	sld [smem:$0x3FDB];
	_ =	sdelay $0x1  }
0x99: {  	s19 =	simm.s32 $_scs_section_size  }
0x9a: {  	s4 =	simm.s32 $_size__tile_overlayer_lowered;
	s5 =	simm.s32 $_tile_overlayer_lowered  }
0x9b: {  	s22 =	simm.s32 $0x1BFF;
	s21 =	sshll.u32 s5, $0x1;
	s2 =	sadd.s32 s19, s18  }
0x9c: {  	s6 =	simm.s32 $0x0;
	s20 =	sshll.u32 s4, $0x1;
	s4 =	sadd.s32 s21, s2  }
0x9d: {  	[timem:s6], [sflag:s22] =	dma.local [hbm:s4], s20  }
0x9e: {  	_ =	swait.ge [sflag:s22], s20  }
0x9f: {  	s3 =	ssub.s32 $0x0, s20;
	[sflag:s22] =	ssyncset.done $0x0  }
0xa0: {  	[sflag:s22] =	ssyncadd.s32 s3;
	_ =	sdelay $0x1  }
0xa1: {  	s23 =	simm.s32 $0x1B8B  }
0xa2: {  	_ =	swait.ge [sflag:s23], $0x1  }
0xa3: {  	[sflag:s23] =	ssyncset.done $0x0  }
0xa4: {  	s25 =	simm.s32 $0x1B8E;
	s24 =	sld [smem:$0x3FFE];
	[sflag:s23] =	ssyncadd.s32 $0xFFFFFFFF  }
0xa5: {  	s26 =	simm.s32 $execute0_lowered;
	[smem:$0x3FD2] =	sst s25  }
0xa6: {  	s4 =	sshll.u32 s26, $0x1;
	_ =	strace $0x80000049;
	[dreg:$0x1] =	wrdreg $0xFFFFFFFF  }
0xa7: {  	s28 =	simm.s32 $_size_execute0_lowered;
	s2 =	sadd.s32 s2, s4;
	[dreg:$0x0] =	wrdreg $0x0  }
0xa8: {  	s4 =	sshll.u32 s28, $0x1;
	[dreg:$0x2] =	wrdreg s2  }
0xa9: {  	[dreg:$0x3] =	wrdreg s4  }
0xaa: {  	[dreg:$0x4] =	wrdreg $0xC0  }
0xab: {  	_ =	task [dreg:s6], $0x5FFFF  }
0xac: {  	[dreg:$0x1] =	wrdreg $0xFFFFFFFF  }
0xad: {  	[dreg:$0x0] =	wrdreg $0x60  }
0xae: {  	[dreg:$0x2] =	wrdreg s24  }
0xaf: {  	[dreg:$0x3] =	wrdreg $0xA9000  }
0xb0: {  	[dreg:$0x4] =	wrdreg $0x9  }
0xb1: {  	_ =	task.clear_ibuf [dreg:s6], $0x5FFFF;
	_ =	strace $0x90000049  }
0xb2: {  	s29 =	simm.s32 $0x9;
	_ =	strace $0x8000004B  }
0xb3: {  	_ =	swait.ge [sflag:s29], $0x1  }
0xb4: {  	[sflag:s29] =	ssyncadd.s32 $0xFFFFFFFF  }
0xb5: {  	_ =	strace $0x9000004B  }
0xb6: {  	_ =	sfence  }
0xb7: {  	s30 =	sld [smem:$0x0];
	_ =	sdelay $0x2  }
0xb8: {  	s31 =	sshll.u32 s1, $0xD;
	s1 =	sshrl.u32 s1, $0x2  }
0xb9: {  	s3 =	sand.u32 $0x4000, s31;
	s1 =	sadd.s32 s1, s30  }
0xba: {  	s0 =	sor.u32 s3, s0;
	s1 =	sshll.u32 s1, $0x11  }
0xbb: {  	s0 =	sor.u32 s1, s0  }
0xbc: {  	s0 =	sadd.s32 $0x8F2B, s0  }
0xbd: {  	[sflag:s0] =	ssyncadd.remote.s32 $0x1  }
0xbe: {  	_ =	sfence.sel $0xFFFF  }
0xbf: {  	[dreg:$0x0] =	wrdreg $0xFFFFFFFF;
	(pc) =	sbr.abs _section_cstart, $3  }
0xc0: {  	[dreg:$0x1] =	wrdreg $0xFFFFFFFF  }
0xc1: {  	_ =	task.clear_ibuf [dreg:s6], $0x2FFFF;
	_ =	strace $0x9FFFFFFF  }
0xc2: {  	(tm) =	ssettm $0x7FFFFFFF  }
0xc3: {  	_ =	shalt  }
tec
execute0_lowered:
.L_overlay_start_1:
0x0: {  	(tag) =	ssettag $0x1  }
0x1: {  	s6 =	rddreg [dreg:$0x0]  }
0x2: {  	s2 =	rddreg [dreg:$0x1]  }
0x3: {  	s0 =	rddreg [dreg:$0x2]  }
0x4: {  	s1 =	stileid.u32;
	s3 =	simm.s32 $0x0;
	s4 =	srdreg.scid  }
0x5: {  	s18 =	simm.s32 $0x6900;
	s19 =	simm.s32 $0x1;
	s20 =	simm.s32 $0x2  }
0x6: {  	s21 =	simm.s32 $0x2800;
	s22 =	simm.s32 $0x2880;
	s7 =	smul.u32 $0x14000, s1  }
0x7: {  	s23 =	simm.s32 $0x0;
	[smem:$0x7FF] =	sst s3;
	s25 =	smul.u32 $0x50000, s1  }
0x8: {  	s10 =	sand.u32 $0x1, s4;
	s4 =	sadd.s32 $0x67A00, s6;
	s30 =	smul.u32 $0xA00, s1  }
0x9: {  	s5 =	sadd.s32 $0x3A00, s6;
	s11 =	sshll.u32 s1, $0x1;
	s9 =	smul.u32 $0x140000, s10  }
0xa: {  	s29 =	sshll.u32 s1, $0x6;
	s11 =	sor.u32 s10, s11;
	s17 =	smul.u32 $0x500, s10  }
0xb: {  	_ =	strace $0x8000004A;
	s12 =	ssub.s32 $0x2, s10;
	s14 =	smul.u32 $0x2800, s11  }
0xc: {  	s8 =	sshrl.u32 s7, $0x3;
	s13 =	sshrl.u32 s12, $0x1;
	s28 =	smul.u32 $0x500, s11  }
0xd: {  	s8 =	sadd.s32 s8, s6;
	s7 =	sadd.s32 s7, s9;
	s9 =	sshrl.u32 s25, $0x2  }
0xe: {  	s12 =	ssub.s32 s12, s13;
	s13 =	sadd.s32 s17, s30;
	s17 =	simm.s32 $0x2900  }
0xf: {  	s7 =	sshrl.u32 s7, $0x3;
	s16 =	sadd.s32 s9, s2;
	s26 =	sshrl.u32 s14, $0x3  }
0x10: {  	s11 =	smax.u32 s12, $0x1;
	s31 =	sadd.s32 s28, s5;
	s15 =	sadd.s32 s7, s6  }
0x11: {  	s6 =	sadd.s32 $0x8FA00, s8;
	s7 =	sadd.s32 s5, s26;
	s8 =	sor.u32 $0x1C03, s29  }
0x12: {  	s12 =	sadd.s32 $0x4F0, s31;
	s14 =	sshrl.u32 s16, $0x3;
	s16 =	simm.s32 $0x80  }
0x13: {  	s9 =	sadd.s32 $0xA000, s7;
	s10 =	sadd.s32 $0xB7A00, s15;
	s15 =	simm.s32 $0x3  }
.LBB2_1:
0x14: {  	[spmem:s14], [sflag:s8] =	dma.local [hbm:s6], $0x2800  }
0x15: {  	_ =	swait.ge [sflag:s15], $0x2800  }
0x16: {  	[sflag:s15] =	ssyncset.done $0x0  }
0x17: {  	s24 =	simm.s32 $0x100;
	[sflag:s15] =	ssyncadd.s32 $0xFFFFD800  }
0x18: {  	[tilespmem:s24], [sflag:$0x3] =	stream.linear.gather [hbm4b:s9+s3], $0x2800, $0x38;
	[tilespmem:$0x1E900] =	vst v63  }
0x19: {  	_ =	swait.ge [sflag:s15], $0x2800  }
0x1a: {  	[sflag:s15] =	ssyncset.done $0x0  }
0x1b: {  	[sflag:s15] =	ssyncadd.s32 $0xFFFFD800  }
0x1c: {  	[bflag:$0x0] =	sbarrier.arrive $0xFFFF  }
0x1d: {  	[tilespmem:s3], [sflag:$0x3] =	stream.linear.gather [hbm4b:s7+s3], $0x80, $0x38;
	[tilespmem:$0x1E900] =	vst v63  }
0x1e: {  	s25 =	sadd.s32 $0x20, s13;
	s26 =	simm.s32 $0x10;
	_ =	swait.ge [sflag:s15], $0x80  }
0x1f: {  	s28 =	sadd.s32 $0xFFFFFFE0, s25;
	s26 =	sand.u32 $0x70, s26;
	[sflag:s15] =	ssyncset.done $0x0  }
0x20: {  	s28 =	sand.u32 $0xFFFFF80, s28;
	s26 =	sadd.s32 s5, s26;
	[sflag:s15] =	ssyncadd.s32 $0xFFFFFF80  }
0x21: {  	[tilespmem:s17], [sflag:$0x1] =	stream.indirect.gather [hbm4b:s4+s16], $0x80, s3, s16, $0xb8;
	[tilespmem:$0x1E900] =	vst v63  }
0x22: {  	s26 =	sadd.s32 s28, s26  }
0x23: {  	[tilespmem:s16], [sflag:$0x3] =	stream.linear.gather [hbm4b:s26+s3], $0x80, $0x38;
	[tilespmem:$0x1E900] =	vst v63  }
0x24: {  	_ =	swait.ge [sflag:s15], $0x80  }
0x25: {  	[sflag:s15] =	ssyncset.done $0x0  }
0x26: {  	[sflag:s15] =	ssyncadd.s32 $0xFFFFFF80  }
0x27: {  	[tilespmem:s18], [sflag:$0x2] =	stream.indirect.gather [hbm4b:s4+s16], $0x80, s16, s16, $0xb8;
	[tilespmem:$0x1E900] =	vst v63  }
0x28: {  	_ =	swait.ge [sflag:s19], $0x4000  }
0x29: {  	[sflag:s19] =	ssyncset.done $0x0  }
0x2a: {  	s31 =	simm.s32 $0x20;
	[sflag:s19] =	ssyncadd.s32 $0xFFFFC000  }
0x2b: {  	[spmem:s2] =	stream.indirect.scatter.add.f32 [tilespmem:s17], [sflag:$0x3], $0x80, s24, s16, $0xb8;
	[tilespmem:$0x1E900] =	vst v63  }
0x2c: {  	s31 =	sand.u32 $0x60, s31;
	_ =	swait.ge [sflag:s15], $0x4000  }
0x2d: {  	s25 =	sand.u32 $0xFFFFF80, s25;
	s24 =	sadd.s32 s5, s31;
	[sflag:s15] =	ssyncset.done $0x0  }
0x2e: {  	s24 =	sadd.s32 s25, s24;
	[sflag:s15] =	ssyncadd.s32 $0xFFFFC000  }
0x2f: {  	[tilespmem:s3], [sflag:$0x3] =	stream.linear.gather [hbm4b:s24+s3], $0x80, $0x38;
	[tilespmem:$0x1E900] =	vst v63  }
0x30: {  	_ =	swait.ge [sflag:s15], $0x80  }
0x31: {  	[sflag:s15] =	ssyncset.done $0x0  }
0x32: {  	s30 =	simm.s32 $0x30;
	[sflag:s15] =	ssyncadd.s32 $0xFFFFFF80  }
0x33: {  	[tilespmem:s17], [sflag:$0x1] =	stream.indirect.gather [hbm4b:s4+s16], $0x80, s3, s16, $0xb8;
	[tilespmem:$0x1E900] =	vst v63  }
0x34: {  	s30 =	sand.u32 $0x70, s30;
	_ =	swait.ge [sflag:s20], $0x4000  }
0x35: {  	s29 =	simm.s32 $0x180;
	s30 =	sadd.s32 s5, s30;
	[sflag:s20] =	ssyncset.done $0x0  }
0x36: {  	s28 =	sadd.s32 $0x40, s13;
	s26 =	simm.s32 $0x60;
	[sflag:s20] =	ssyncadd.s32 $0xFFFFC000  }
0x37: {  	[spmem:s2] =	stream.indirect.scatter.add.f32 [tilespmem:s18], [sflag:$0x3], $0x80, s29, s16, $0xb8;
	[tilespmem:$0x1E900] =	vst v63  }
0x38: {  	s25 =	simm.s32 $0x40;
	s29 =	sadd.s32 $0xFFFFFFE0, s28;
	_ =	swait.ge [sflag:s15], $0x4000  }
0x39: {  	s24 =	simm.s32 $0x200;
	s29 =	sand.u32 $0xFFFFF80, s29;
	[sflag:s15] =	ssyncset.done $0x0  }
.LBB2_2:
0x3a: {  	s29 =	sadd.s32 s29, s30;
	s28 =	sand.u32 $0xFFFFF80, s28  }
0x3b: {  	[sflag:s15] =	ssyncadd.s32 $0xFFFFC000;
	s30 =	smov.u32 s26;
	s31 =	smov.u32 s24  }
0x3c: {  	[tilespmem:s16], [sflag:$0x3] =	stream.linear.gather [hbm4b:s29+s3], $0x80, $0x38;
	[tilespmem:$0x1E900] =	vst v63  }
0x3d: {  	p0 =	sne.s32 s26, $0x4E0;
	s26 =	sadd.s32 $0x20, s26;
	_ =	swait.ge [sflag:s15], $0x80  }
0x3e: {  	[sflag:s15] =	ssyncset.done $0x0  }
0x3f: {  	[sflag:s15] =	ssyncadd.s32 $0xFFFFFF80  }
0x40: {  	[tilespmem:s18], [sflag:$0x2] =	stream.indirect.gather [hbm4b:s4+s16], $0x80, s16, s16, $0xb8;
	[tilespmem:$0x1E900] =	vst v63  }
0x41: {  	_ =	swait.ge [sflag:s19], $0x4000  }
0x42: {  	[sflag:s19] =	ssyncset.done $0x0  }
0x43: {  	[sflag:s19] =	ssyncadd.s32 $0xFFFFC000  }
0x44: {  	[spmem:s2] =	stream.indirect.scatter.add.f32 [tilespmem:s17], [sflag:$0x3], $0x80, s24, s16, $0xb8;
	[tilespmem:$0x1E900] =	vst v63  }
0x45: {  	s29 =	sand.u32 $0x60, s25;
	s25 =	smov.u32 s30;
	_ =	swait.ge [sflag:s15], $0x4000  }
0x46: {  	s29 =	sadd.s32 s5, s29;
	[sflag:s15] =	ssyncset.done $0x0  }
0x47: {  	s28 =	sadd.s32 s28, s29;
	[sflag:s15] =	ssyncadd.s32 $0xFFFFC000  }
0x48: {  	[tilespmem:s3], [sflag:$0x3] =	stream.linear.gather [hbm4b:s28+s3], $0x80, $0x38;
	[tilespmem:$0x1E900] =	vst v63  }
0x49: {  	_ =	swait.ge [sflag:s15], $0x80  }
0x4a: {  	[sflag:s15] =	ssyncset.done $0x0  }
0x4b: {  	[sflag:s15] =	ssyncadd.s32 $0xFFFFFF80  }
0x4c: {  	[tilespmem:s17], [sflag:$0x1] =	stream.indirect.gather [hbm4b:s4+s16], $0x80, s3, s16, $0xb8;
	[tilespmem:$0x1E900] =	vst v63  }
0x4d: {  	s24 =	sadd.s32 $0x100, s24;
	_ =	swait.ge [sflag:s20], $0x4000  }
.Ltmp0:
0x4e: {  	s29 =	sadd.s32 $0x80, s31;
	[sflag:s20] =	ssyncset.done $0x0;
	(pc) =	sbr.rel @p0 .LBB2_2-.Ltmp0, $4  }
0x4f: {  	s30 =	sadd.s32 $0xFFFFFFF0, s25;
	s28 =	sadd.s32 s25, s13;
	[sflag:s20] =	ssyncadd.s32 $0xFFFFC000  }
0x50: {  	[spmem:s2] =	stream.indirect.scatter.add.f32 [tilespmem:s18], [sflag:$0x3], $0x80, s29, s16, $0xb8;
	[tilespmem:$0x1E900] =	vst v63  }
0x51: {  	s30 =	sand.u32 $0x70, s30;
	s29 =	sadd.s32 $0xFFFFFFE0, s28;
	_ =	swait.ge [sflag:s15], $0x4000  }
0x52: {  	s30 =	sadd.s32 s5, s30;
	s29 =	sand.u32 $0xFFFFF80, s29;
	[sflag:s15] =	ssyncset.done $0x0  }
0x53: {  	s26 =	sadd.s32 s29, s30;
	[sflag:s15] =	ssyncadd.s32 $0xFFFFC000  }
0x54: {  	[tilespmem:s16], [sflag:$0x3] =	stream.linear.gather [hbm4b:s26+s3], $0x80, $0x38;
	[tilespmem:$0x1E900] =	vst v63  }
0x55: {  	_ =	swait.ge [sflag:s15], $0x80  }
0x56: {  	[sflag:s15] =	ssyncset.done $0x0  }
0x57: {  	[sflag:s15] =	ssyncadd.s32 $0xFFFFFF80  }
0x58: {  	[tilespmem:s18], [sflag:$0x2] =	stream.indirect.gather [hbm4b:s4+s16], $0x80, s16, s16, $0xb8;
	[tilespmem:$0x1E900] =	vst v63  }
0x59: {  	_ =	swait.ge [sflag:s19], $0x4000  }
0x5a: {  	[sflag:s19] =	ssyncset.done $0x0  }
0x5b: {  	[sflag:s19] =	ssyncadd.s32 $0xFFFFC000  }
0x5c: {  	[spmem:s2] =	stream.indirect.scatter.add.f32 [tilespmem:s17], [sflag:$0x3], $0x80, s24, s16, $0xb8;
	[tilespmem:$0x1E900] =	vst v63  }
0x5d: {  	s25 =	sand.u32 $0x60, s25;
	_ =	swait.ge [sflag:s15], $0x4000  }
0x5e: {  	s30 =	sand.u32 $0xFFFFF80, s28;
	s25 =	sadd.s32 s5, s25;
	[sflag:s15] =	ssyncset.done $0x0  }
0x5f: {  	s25 =	sadd.s32 s30, s25;
	[sflag:s15] =	ssyncadd.s32 $0xFFFFC000  }
0x60: {  	[tilespmem:s3], [sflag:$0x3] =	stream.linear.gather [hbm4b:s25+s3], $0x80, $0x38;
	[tilespmem:$0x1E900] =	vst v63  }
0x61: {  	_ =	swait.ge [sflag:s15], $0x80  }
0x62: {  	[sflag:s15] =	ssyncset.done $0x0  }
0x63: {  	[sflag:s15] =	ssyncadd.s32 $0xFFFFFF80  }
0x64: {  	[tilespmem:s17], [sflag:$0x1] =	stream.indirect.gather [hbm4b:s4+s16], $0x80, s3, s16, $0xb8;
	[tilespmem:$0x1E900] =	vst v63  }
0x65: {  	_ =	swait.ge [sflag:s20], $0x4000  }
0x66: {  	[sflag:s20] =	ssyncset.done $0x0  }
0x67: {  	s31 =	sadd.s32 $0x80, s24;
	[sflag:s20] =	ssyncadd.s32 $0xFFFFC000  }
0x68: {  	[spmem:s2] =	stream.indirect.scatter.add.f32 [tilespmem:s18], [sflag:$0x3], $0x80, s31, s16, $0xb8;
	[tilespmem:$0x1E900] =	vst v63  }
0x69: {  	_ =	swait.ge [sflag:s15], $0x4000  }
0x6a: {  	[sflag:s15] =	ssyncset.done $0x0  }
0x6b: {  	[sflag:s15] =	ssyncadd.s32 $0xFFFFC000  }
0x6c: {  	[tilespmem:s16], [sflag:$0x3] =	stream.linear.gather [hbm4b:s12+s3], $0x80, $0x38;
	[tilespmem:$0x1E900] =	vst v63  }
0x6d: {  	_ =	swait.ge [sflag:s15], $0x80  }
0x6e: {  	[sflag:s15] =	ssyncset.done $0x0  }
0x6f: {  	[sflag:s15] =	ssyncadd.s32 $0xFFFFFF80  }
0x70: {  	[tilespmem:s18], [sflag:$0x2] =	stream.indirect.gather [hbm4b:s4+s16], $0x80, s16, s16, $0xb8;
	[tilespmem:$0x1E900] =	vst v63  }
0x71: {  	_ =	swait.ge [sflag:s19], $0x4000  }
0x72: {  	[sflag:s19] =	ssyncset.done $0x0  }
0x73: {  	[sflag:s19] =	ssyncadd.s32 $0xFFFFC000  }
0x74: {  	[spmem:s2] =	stream.indirect.scatter.add.f32 [tilespmem:s17], [sflag:$0x3], $0x80, s21, s16, $0xb8;
	[tilespmem:$0x1E900] =	vst v63  }
0x75: {  	_ =	swait.ge [sflag:s15], $0x4000  }
0x76: {  	[sflag:s15] =	ssyncset.done $0x0  }
0x77: {  	[sflag:s15] =	ssyncadd.s32 $0xFFFFC000  }
0x78: {  	_ =	swait.ge [sflag:s20], $0x4000  }
0x79: {  	[sflag:s20] =	ssyncset.done $0x0  }
0x7a: {  	[sflag:s20] =	ssyncadd.s32 $0xFFFFC000  }
0x7b: {  	[spmem:s2] =	stream.indirect.scatter.add.f32 [tilespmem:s18], [sflag:$0x3], $0x80, s22, s16, $0xb8;
	[tilespmem:$0x1E900] =	vst v63  }
0x7c: {  	_ =	swait.ge [sflag:s15], $0x4000  }
0x7d: {  	s23 =	sadd.s32 $0x1, s23;
	[sflag:s15] =	ssyncset.done $0x0  }
0x7e: {  	p0 =	sne.s32 s23, s11;
	[sflag:s15] =	ssyncadd.s32 $0xFFFFC000  }
.Ltmp1:
0x7f: {  	[bflag:$0x0] =	sbarrier.arrive $0xFFFF;
	(pc) =	sbr.rel @p0 .LBB2_1-.Ltmp1, $4  }
0x80: {  	[hbm:s10], [sflag:s8] =	dma.local [spmem:s14], $0x2800  }
0x81: {  	_ =	swait.ge [sflag:s15], $0x2800  }
0x82: {  	[sflag:s15] =	ssyncset.done $0x0  }
0x83: {  	[sflag:s15] =	ssyncadd.s32 $0xFFFFD800  }
0x84: {  	_ =	sfence.sel $0x180000  }
0x85: {  	[bflag:$0x0] =	sbarrier.arrive $0xFFFF  }
0x86: {  	p0 =	sne.s32 s1, $0x0;
	_ =	strace $0x9000004A  }
0x87: {  	s0 =	sadd.s32 @!p0 $0x100000, s0;
	[bflag:$0x2] =	sbarrier.arrive $0xFFFF  }
0x88: {  	[sflag:s0] =	ssyncadd.tile.s32 @!p0 $0x1;
	_ =	shalt  }
.Lfunc_end2:
_tile_overlayer_lowered:
.L_overlay_start_2:
0x89: {  	(tag) =	ssettag $0x2  }
0x8a: {  	s0 =	rddreg [dreg:$0x0];
	s2 =	stileid.u32  }
0x8b: {  	s1 =	rddreg [dreg:$0x1];
	p0 =	sne.s32 s2, $0x0  }
0x8c: {  	s3 =	rddreg [dreg:$0x2];
	[bflag:$0x3] =	sbarrier.arrive $0xFFFF;
	s2 =	simm.s32 @!p0 $0x1C03  }
0x8d: {  	[timem:s3], [sflag:s2] =	dma.local @!p0 [hbm:s0], s1  }
0x8e: {  	s0 =	simm.s32 @!p0 $0x3  }
0x8f: {  	_ =	swait.ge @!p0 [sflag:s0], s1  }
0x90: {  	s1 =	ssub.s32 @!p0 $0x0, s1;
	[sflag:s0] =	ssyncset.done @!p0 $0x0  }
0x91: {  	[sflag:s0] =	ssyncadd.s32 @!p0 s1  }
0x92: {  	[bflag:$0x3] =	sbarrier.arrive $0xFFFF  }
0x93: {  	_ =	shalt  }

// kernel: kernel.18.cloned.1.call-start
scs
__scs_entry_jumppad:
0x0: {  	(pc) =	sbr.rel $0x88, $3  }
0x1: {  	(tag) =	ssettag $0x0;
	lr =	simm.s32 $0x1  }
0x2: {  	[smem:$0x3F97] =	sst lr;
	_ =	strace $0xD0000000  }
0x3: {  	_ = 	snop  }
0x4: {  	_ = 	snop  }
0x5: {  	_ = 	snop  }
0x6: {  	_ = 	snop  }
0x7: {  	_ = 	snop  }
__scs_overlays_trampoline_lowered:
0x8: {  	[smem:$0x3FA6] =	sst s0  }
0x9: {  	[smem:$0x3FA7] =	sst s1  }
0xa: {  	[smem:$0x3FA8] =	sst s2  }
0xb: {  	[smem:$0x3FA9] =	sst s3  }
0xc: {  	[smem:$0x3FAA] =	sst s4  }
0xd: {  	[smem:$0x3FAB] =	sst s5  }
0xe: {  	[smem:$0x3FAC] =	sst s6  }
0xf: {  	[smem:$0x3FAD] =	sst s7  }
0x10: {  	[smem:$0x3FAE] =	sst s8  }
0x11: {  	[smem:$0x3FAF] =	sst s9;
	s0 =	simm.s32 @!p0 $0x0  }
0x12: {  	s1 =	sld [smem:$0x3F95];
	s0 =	simm.s32 @p0 $0x1  }
0x13: {  	[smem:$0x3FB0] =	sst s0;
	s0 =	simm.s32 @!p1 $0x0  }
0x14: {  	s2 =	sld [smem:$0x3F94];
	s0 =	simm.s32 @p1 $0x1  }
0x15: {  	[smem:$0x3FB1] =	sst s0;
	s0 =	simm.s32 @!p2 $0x0  }
0x16: {  	s3 =	sld [smem:$0x3FDB];
	s0 =	simm.s32 @p2 $0x1  }
0x17: {  	s4 =	simm.s32 $0x1BF5;
	[smem:$0x3FB3] =	sst s0  }
0x18: {  	s0 =	sld [smem:$0x3F96];
	_ =	swait.ge [sflag:s4], $0x0  }
0x19: {  	s7 =	sld [smem:$0x3F97]  }
0x1a: {  	s8 =	sadd.s32 $0xFFFFE003, lr  }
0x1b: {  	s9 =	sadd.s32 $0xFFFFFEF7, lr;
	s5 =	simm.s32 $0xFFFFFFFF;
	p2 =	slt.u32 s8, $0xFFFFF086  }
0x1c: {  	p1 =	slt.u32 s9, $0xF7A;
	s5 =	simm.s32 @!p2 $0x0  }
0x1d: {  	s5 =	simm.s32 @p1 $0x1;
	p0 =	seq.s32 s7, s2  }
0x1e: {  	s7 =	smul.u32 @!p0 $0xF7A, s2;
	p2 =	seq.s32 @!p0 s5, $0x0  }
0x1f: {  	s9 =	smul.u32 $0xF7A, s1;
	s8 =	simm.s32 @!p0 $0x1BF5;
	p2 =	por !p2, p0  }
0x20: {  	[sflag:s8] =	ssyncset.s32 @!p0 $0xFFFFF086;
	s6 =	sadd.s32 @!p0 s3, s7;
	s7 =	simm.s32 @!p0 $0x108  }
0x21: {  	s3 =	sadd.s32 s3, s9;
	s6 =	sadd.s32 @!p0 $0x88, s6;
	s7 =	simm.s32 @p2 $0x1082  }
0x22: {  	[simem:s7], [sflag:s8] =	dma.local @!p0 [hbm:s6], $0xF7A  }
0x23: {  	s9 =	sor.u32 $0xD0000000, s2;
	s6 =	simm.s32 $0x108;
	_ =	swait.ge @!p0 [sflag:s8], $0x0  }
0x24: {  	s3 =	sadd.s32 $0x88, s3;
	s6 =	simm.s32 @!p1 $0x1082;
	[sflag:s4] =	ssyncset.s32 $0xFFFFF086  }
0x25: {  	[simem:s6], [sflag:s4] =	dma.local [hbm:s3], $0xF7A  }
0x26: {  	[smem:$0x3F97] =	sst s1;
	(tag) =	ssettag s2;
	_ =	strace s9  }
0x27: {  	s1 =	sld [smem:$0x3FA7]  }
0x28: {  	s2 =	sld [smem:$0x3FA8]  }
0x29: {  	s4 =	sld [smem:$0x3FAA]  }
0x2a: {  	p0 =	seq.s32 s5, $0x0;
	s5 =	sld [smem:$0x3FAB]  }
0x2b: {  	s6 =	sld [smem:$0x3FAC]  }
0x2c: {  	s7 =	sld [smem:$0x3FAD]  }
0x2d: {  	s3 =	simm.s32 $0x108;
	s8 =	sld [smem:$0x3FAE]  }
0x2e: {  	s3 =	simm.s32 @!p0 $0x1082;
	s9 =	sld [smem:$0x3FAF]  }
0x2f: {  	lr =	sadd.s32 s0, s3;
	s0 =	sld [smem:$0x3FA6]  }
0x30: {  	s3 =	sld [smem:$0x3FA9]  }
0x31: {  	[smem:$0x3FB2] =	sst s10  }
0x32: {  	s10 =	sld [smem:$0x3FB0];
	_ =	sdelay $0x3  }
0x33: {  	p0 =	seq.s32 s10, $0x1;
	s10 =	sld [smem:$0x3FB2];
	_ =	sdelay $0x3  }
0x34: {  	[smem:$0x3FB2] =	sst s10  }
0x35: {  	s10 =	sld [smem:$0x3FB1];
	_ =	sdelay $0x3  }
0x36: {  	p1 =	seq.s32 s10, $0x1;
	s10 =	sld [smem:$0x3FB2];
	_ =	sdelay $0x3  }
0x37: {  	[smem:$0x3FB2] =	sst s10  }
0x38: {  	s10 =	sld [smem:$0x3FB3]  }
0x39: {  	_ = 	snop;
	(pc) =	sbr.ind lr, $3  }
0x3a: {  	_ = 	snop  }
0x3b: {  	_ = 	snop  }
0x3c: {  	p2 =	seq.s32 s10, $0x1;
	s10 =	sld [smem:$0x3FB2]  }
0x3d: {  	_ =	shalt  }
0x3e: {  	_ =	shalt  }
0x3f: {  	_ =	shalt  }
0x40: {  	_ =	shalt  }
0x41: {  	_ =	shalt  }
0x42: {  	_ =	shalt  }
0x43: {  	_ =	shalt  }
0x44: {  	_ =	shalt  }
0x45: {  	_ =	shalt  }
0x46: {  	_ =	shalt  }
0x47: {  	_ =	shalt  }
0x48: {  	_ =	shalt  }
0x49: {  	_ =	shalt  }
0x4a: {  	_ =	shalt  }
0x4b: {  	_ =	shalt  }
0x4c: {  	_ =	shalt  }
0x4d: {  	_ =	shalt  }
0x4e: {  	_ =	shalt  }
0x4f: {  	_ =	shalt  }
0x50: {  	_ =	shalt  }
0x51: {  	_ =	shalt  }
0x52: {  	_ =	shalt  }
0x53: {  	_ =	shalt  }
0x54: {  	_ =	shalt  }
0x55: {  	_ =	shalt  }
0x56: {  	_ =	shalt  }
0x57: {  	_ =	shalt  }
0x58: {  	_ =	shalt  }
0x59: {  	_ =	shalt  }
0x5a: {  	_ =	shalt  }
0x5b: {  	_ =	shalt  }
0x5c: {  	_ =	shalt  }
0x5d: {  	_ =	shalt  }
0x5e: {  	_ =	shalt  }
0x5f: {  	_ =	shalt  }
0x60: {  	_ =	shalt  }
0x61: {  	_ =	shalt  }
0x62: {  	_ =	shalt  }
0x63: {  	_ =	shalt  }
0x64: {  	_ =	shalt  }
0x65: {  	_ =	shalt  }
0x66: {  	_ =	shalt  }
0x67: {  	_ =	shalt  }
0x68: {  	_ =	shalt  }
0x69: {  	_ =	shalt  }
0x6a: {  	_ =	shalt  }
0x6b: {  	_ =	shalt  }
0x6c: {  	_ =	shalt  }
0x6d: {  	_ =	shalt  }
0x6e: {  	_ =	shalt  }
0x6f: {  	_ =	shalt  }
0x70: {  	_ =	shalt  }
0x71: {  	_ =	shalt  }
0x72: {  	_ =	shalt  }
0x73: {  	_ =	shalt  }
0x74: {  	_ =	shalt  }
0x75: {  	_ =	shalt  }
0x76: {  	_ =	shalt  }
0x77: {  	_ =	shalt  }
0x78: {  	_ =	shalt  }
0x79: {  	_ =	shalt  }
0x7a: {  	_ =	shalt  }
0x7b: {  	_ =	shalt  }
0x7c: {  	_ =	shalt  }
0x7d: {  	_ =	shalt  }
0x7e: {  	_ =	shalt  }
0x7f: {  	_ =	shalt  }
0x80: {  	_ =	shalt  }
0x81: {  	_ =	shalt  }
0x82: {  	_ =	shalt  }
0x83: {  	_ =	shalt  }
0x84: {  	_ =	shalt  }
0x85: {  	_ =	shalt  }
0x86: {  	_ =	shalt  }
0x87: {  	_ =	shalt  }
.Lfunc_end0:
.L_simem_size_0:
called_computation.2_lowered:
.L_overlay_start_0:
0x88: {  	s2 =	sld [smem:$0x3FD9]  }
0x89: {  	s3 =	sld [smem:$0x3FFE];
	_ =	sdelay $0x1  }
0x8a: {  	s1 =	srdreg.scid  }
0x8b: {  	s0 =	sand.u32 $0x1, s1  }
0x8c: {  	s16 =	sshll.u32 s0, $0xA;
	s2 =	sadd.s32 s3, s2  }
0x8d: {  	s2 =	sadd.s32 s2, s16  }
0x8e: {  	[smem:$0x3FBE] =	sst s2  }
0x8f: {  	_ = 	snop  }
0x90: {  	(tm) =	ssettm $0x1  }
0x91: {  	s17 =	sld [smem:$0x3FFB];
	_ =	sdelay $0x3  }
0x92: {  	_ =	strace s17  }
0x93: {  	s2 =	sld [smem:$0x3FFC];
	_ =	sdelay $0x3  }
0x94: {  	_ =	strace s2  }
0x95: {  	s2 =	sld [smem:$0x3FFD];
	_ =	sdelay $0x3  }
0x96: {  	_ =	strace s2  }
0x97: {  	_ =	strace $0x8FFFFFFF  }
0x98: {  	s18 =	sld [smem:$0x3FDB];
	_ =	sdelay $0x1  }
0x99: {  	s19 =	simm.s32 $_scs_section_size  }
0x9a: {  	s4 =	simm.s32 $_size__tile_overlayer_lowered;
	s5 =	simm.s32 $_tile_overlayer_lowered  }
0x9b: {  	s22 =	simm.s32 $0x1BFF;
	s21 =	sshll.u32 s5, $0x1;
	s2 =	sadd.s32 s19, s18  }
0x9c: {  	s6 =	simm.s32 $0x0;
	s20 =	sshll.u32 s4, $0x1;
	s4 =	sadd.s32 s21, s2  }
0x9d: {  	[timem:s6], [sflag:s22] =	dma.local [hbm:s4], s20  }
0x9e: {  	_ =	swait.ge [sflag:s22], s20  }
0x9f: {  	s3 =	ssub.s32 $0x0, s20;
	[sflag:s22] =	ssyncset.done $0x0  }
0xa0: {  	[sflag:s22] =	ssyncadd.s32 s3;
	_ =	sdelay $0x1  }
0xa1: {  	s23 =	simm.s32 $0x1B8B  }
0xa2: {  	_ =	swait.ge [sflag:s23], $0x1  }
0xa3: {  	[sflag:s23] =	ssyncset.done $0x0  }
0xa4: {  	s25 =	simm.s32 $0x1B8E;
	s24 =	sld [smem:$0x3FFE];
	[sflag:s23] =	ssyncadd.s32 $0xFFFFFFFF  }
0xa5: {  	s26 =	simm.s32 $execute0_lowered;
	[smem:$0x3FD2] =	sst s25  }
0xa6: {  	s4 =	sshll.u32 s26, $0x1;
	_ =	strace $0x8000004C;
	[dreg:$0x1] =	wrdreg $0xFFFFFFFF  }
0xa7: {  	s28 =	simm.s32 $_size_execute0_lowered;
	s2 =	sadd.s32 s2, s4;
	[dreg:$0x0] =	wrdreg $0x0  }
0xa8: {  	s4 =	sshll.u32 s28, $0x1;
	[dreg:$0x2] =	wrdreg s2  }
0xa9: {  	[dreg:$0x3] =	wrdreg s4  }
0xaa: {  	[dreg:$0x4] =	wrdreg $0xC0  }
0xab: {  	_ =	task [dreg:s6], $0x5FFFF  }
0xac: {  	[dreg:$0x1] =	wrdreg $0xFFFFFFFF  }
0xad: {  	[dreg:$0x0] =	wrdreg $0x60  }
0xae: {  	[dreg:$0x2] =	wrdreg s24  }
0xaf: {  	[dreg:$0x3] =	wrdreg $0xA9000  }
0xb0: {  	[dreg:$0x4] =	wrdreg $0x9  }
0xb1: {  	_ =	task.clear_ibuf [dreg:s6], $0x5FFFF;
	_ =	strace $0x9000004C  }
0xb2: {  	s29 =	simm.s32 $0x9;
	_ =	strace $0x8000004E  }
0xb3: {  	_ =	swait.ge [sflag:s29], $0x1  }
0xb4: {  	[sflag:s29] =	ssyncadd.s32 $0xFFFFFFFF  }
0xb5: {  	_ =	strace $0x9000004E  }
0xb6: {  	_ =	sfence  }
0xb7: {  	s30 =	sld [smem:$0x0];
	_ =	sdelay $0x2  }
0xb8: {  	s31 =	sshll.u32 s1, $0xD;
	s1 =	sshrl.u32 s1, $0x2  }
0xb9: {  	s3 =	sand.u32 $0x4000, s31;
	s1 =	sadd.s32 s1, s30  }
0xba: {  	s0 =	sor.u32 s3, s0;
	s1 =	sshll.u32 s1, $0x11  }
0xbb: {  	s0 =	sor.u32 s1, s0  }
0xbc: {  	s0 =	sadd.s32 $0x8F2B, s0  }
0xbd: {  	[sflag:s0] =	ssyncadd.remote.s32 $0x1  }
0xbe: {  	_ =	sfence.sel $0xFFFF  }
0xbf: {  	[dreg:$0x0] =	wrdreg $0xFFFFFFFF;
	(pc) =	sbr.abs _section_cstart, $3  }
0xc0: {  	[dreg:$0x1] =	wrdreg $0xFFFFFFFF  }
0xc1: {  	_ =	task.clear_ibuf [dreg:s6], $0x2FFFF;
	_ =	strace $0x9FFFFFFF  }
0xc2: {  	(tm) =	ssettm $0x7FFFFFFF  }
0xc3: {  	_ =	shalt  }
tec
execute0_lowered:
.L_overlay_start_1:
0x0: {  	(tag) =	ssettag $0x1  }
0x1: {  	s6 =	rddreg [dreg:$0x0]  }
0x2: {  	s2 =	rddreg [dreg:$0x1]  }
0x3: {  	s0 =	rddreg [dreg:$0x2]  }
0x4: {  	s1 =	stileid.u32;
	s3 =	simm.s32 $0x0;
	s4 =	srdreg.scid  }
0x5: {  	s18 =	simm.s32 $0x6900;
	s19 =	simm.s32 $0x1;
	s20 =	simm.s32 $0x2  }
0x6: {  	s21 =	simm.s32 $0x2800;
	s22 =	simm.s32 $0x2880;
	s7 =	smul.u32 $0x14000, s1  }
0x7: {  	s23 =	simm.s32 $0x0;
	[smem:$0x7FF] =	sst s3;
	s25 =	smul.u32 $0x50000, s1  }
0x8: {  	s10 =	sand.u32 $0x1, s4;
	s4 =	sadd.s32 $0x67A00, s6;
	s30 =	smul.u32 $0xA00, s1  }
0x9: {  	s5 =	sadd.s32 $0x3A00, s6;
	s11 =	sshll.u32 s1, $0x1;
	s9 =	smul.u32 $0x140000, s10  }
0xa: {  	s29 =	sshll.u32 s1, $0x6;
	s11 =	sor.u32 s10, s11;
	s17 =	smul.u32 $0x500, s10  }
0xb: {  	_ =	strace $0x8000004D;
	s12 =	ssub.s32 $0x2, s10;
	s14 =	smul.u32 $0x2800, s11  }
0xc: {  	s8 =	sshrl.u32 s7, $0x3;
	s13 =	sshrl.u32 s12, $0x1;
	s28 =	smul.u32 $0x500, s11  }
0xd: {  	s8 =	sadd.s32 s8, s6;
	s7 =	sadd.s32 s7, s9;
	s9 =	sshrl.u32 s25, $0x2  }
0xe: {  	s12 =	ssub.s32 s12, s13;
	s13 =	sadd.s32 s17, s30;
	s17 =	simm.s32 $0x2900  }
0xf: {  	s7 =	sshrl.u32 s7, $0x3;
	s16 =	sadd.s32 s9, s2;
	s26 =	sshrl.u32 s14, $0x3  }
0x10: {  	s11 =	smax.u32 s12, $0x1;
	s31 =	sadd.s32 s28, s5;
	s15 =	sadd.s32 s7, s6  }
0x11: {  	s6 =	sadd.s32 $0x8FA00, s8;
	s7 =	sadd.s32 s5, s26;
	s8 =	sor.u32 $0x1C03, s29  }
0x12: {  	s12 =	sadd.s32 $0x4F0, s31;
	s14 =	sshrl.u32 s16, $0x3;
	s16 =	simm.s32 $0x80  }
0x13: {  	s9 =	sadd.s32 $0xA000, s7;
	s10 =	sadd.s32 $0xB7A00, s15;
	s15 =	simm.s32 $0x3  }
.LBB2_1:
0x14: {  	[spmem:s14], [sflag:s8] =	dma.local [hbm:s6], $0x2800  }
0x15: {  	_ =	swait.ge [sflag:s15], $0x2800  }
0x16: {  	[sflag:s15] =	ssyncset.done $0x0  }
0x17: {  	s24 =	simm.s32 $0x100;
	[sflag:s15] =	ssyncadd.s32 $0xFFFFD800  }
0x18: {  	[tilespmem:s24], [sflag:$0x3] =	stream.linear.gather [hbm4b:s9+s3], $0x2800, $0x38;
	[tilespmem:$0x1E900] =	vst v63  }
0x19: {  	_ =	swait.ge [sflag:s15], $0x2800  }
0x1a: {  	[sflag:s15] =	ssyncset.done $0x0  }
0x1b: {  	[sflag:s15] =	ssyncadd.s32 $0xFFFFD800  }
0x1c: {  	[bflag:$0x0] =	sbarrier.arrive $0xFFFF  }
0x1d: {  	[tilespmem:s3], [sflag:$0x3] =	stream.linear.gather [hbm4b:s7+s3], $0x80, $0x38;
	[tilespmem:$0x1E900] =	vst v63  }
0x1e: {  	s25 =	sadd.s32 $0x20, s13;
	s26 =	simm.s32 $0x10;
	_ =	swait.ge [sflag:s15], $0x80  }
0x1f: {  	s28 =	sadd.s32 $0xFFFFFFE0, s25;
	s26 =	sand.u32 $0x70, s26;
	[sflag:s15] =	ssyncset.done $0x0  }
0x20: {  	s28 =	sand.u32 $0xFFFFF80, s28;
	s26 =	sadd.s32 s5, s26;
	[sflag:s15] =	ssyncadd.s32 $0xFFFFFF80  }
0x21: {  	[tilespmem:s17], [sflag:$0x1] =	stream.indirect.gather [hbm4b:s4+s16], $0x80, s3, s16, $0xb8;
	[tilespmem:$0x1E900] =	vst v63  }
0x22: {  	s26 =	sadd.s32 s28, s26  }
0x23: {  	[tilespmem:s16], [sflag:$0x3] =	stream.linear.gather [hbm4b:s26+s3], $0x80, $0x38;
	[tilespmem:$0x1E900] =	vst v63  }
0x24: {  	_ =	swait.ge [sflag:s15], $0x80  }
0x25: {  	[sflag:s15] =	ssyncset.done $0x0  }
0x26: {  	[sflag:s15] =	ssyncadd.s32 $0xFFFFFF80  }
0x27: {  	[tilespmem:s18], [sflag:$0x2] =	stream.indirect.gather [hbm4b:s4+s16], $0x80, s16, s16, $0xb8;
	[tilespmem:$0x1E900] =	vst v63  }
0x28: {  	_ =	swait.ge [sflag:s19], $0x4000  }
0x29: {  	[sflag:s19] =	ssyncset.done $0x0  }
0x2a: {  	s31 =	simm.s32 $0x20;
	[sflag:s19] =	ssyncadd.s32 $0xFFFFC000  }
0x2b: {  	[spmem:s2] =	stream.indirect.scatter.add.f32 [tilespmem:s17], [sflag:$0x3], $0x80, s24, s16, $0xb8;
	[tilespmem:$0x1E900] =	vst v63  }
0x2c: {  	s31 =	sand.u32 $0x60, s31;
	_ =	swait.ge [sflag:s15], $0x4000  }
0x2d: {  	s25 =	sand.u32 $0xFFFFF80, s25;
	s24 =	sadd.s32 s5, s31;
	[sflag:s15] =	ssyncset.done $0x0  }
0x2e: {  	s24 =	sadd.s32 s25, s24;
	[sflag:s15] =	ssyncadd.s32 $0xFFFFC000  }
0x2f: {  	[tilespmem:s3], [sflag:$0x3] =	stream.linear.gather [hbm4b:s24+s3], $0x80, $0x38;
	[tilespmem:$0x1E900] =	vst v63  }
0x30: {  	_ =	swait.ge [sflag:s15], $0x80  }
0x31: {  	[sflag:s15] =	ssyncset.done $0x0  }
0x32: {  	s30 =	simm.s32 $0x30;
	[sflag:s15] =	ssyncadd.s32 $0xFFFFFF80  }
0x33: {  	[tilespmem:s17], [sflag:$0x1] =	stream.indirect.gather [hbm4b:s4+s16], $0x80, s3, s16, $0xb8;
	[tilespmem:$0x1E900] =	vst v63  }
0x34: {  	s30 =	sand.u32 $0x70, s30;
	_ =	swait.ge [sflag:s20], $0x4000  }
0x35: {  	s29 =	simm.s32 $0x180;
	s30 =	sadd.s32 s5, s30;
	[sflag:s20] =	ssyncset.done $0x0  }
0x36: {  	s28 =	sadd.s32 $0x40, s13;
	s26 =	simm.s32 $0x60;
	[sflag:s20] =	ssyncadd.s32 $0xFFFFC000  }
0x37: {  	[spmem:s2] =	stream.indirect.scatter.add.f32 [tilespmem:s18], [sflag:$0x3], $0x80, s29, s16, $0xb8;
	[tilespmem:$0x1E900] =	vst v63  }
0x38: {  	s25 =	simm.s32 $0x40;
	s29 =	sadd.s32 $0xFFFFFFE0, s28;
	_ =	swait.ge [sflag:s15], $0x4000  }
0x39: {  	s24 =	simm.s32 $0x200;
	s29 =	sand.u32 $0xFFFFF80, s29;
	[sflag:s15] =	ssyncset.done $0x0  }
.LBB2_2:
0x3a: {  	s29 =	sadd.s32 s29, s30;
	s28 =	sand.u32 $0xFFFFF80, s28  }
0x3b: {  	[sflag:s15] =	ssyncadd.s32 $0xFFFFC000;
	s30 =	smov.u32 s26;
	s31 =	smov.u32 s24  }
0x3c: {  	[tilespmem:s16], [sflag:$0x3] =	stream.linear.gather [hbm4b:s29+s3], $0x80, $0x38;
	[tilespmem:$0x1E900] =	vst v63  }
0x3d: {  	p0 =	sne.s32 s26, $0x4E0;
	s26 =	sadd.s32 $0x20, s26;
	_ =	swait.ge [sflag:s15], $0x80  }
0x3e: {  	[sflag:s15] =	ssyncset.done $0x0  }
0x3f: {  	[sflag:s15] =	ssyncadd.s32 $0xFFFFFF80  }
0x40: {  	[tilespmem:s18], [sflag:$0x2] =	stream.indirect.gather [hbm4b:s4+s16], $0x80, s16, s16, $0xb8;
	[tilespmem:$0x1E900] =	vst v63  }
0x41: {  	_ =	swait.ge [sflag:s19], $0x4000  }
0x42: {  	[sflag:s19] =	ssyncset.done $0x0  }
0x43: {  	[sflag:s19] =	ssyncadd.s32 $0xFFFFC000  }
0x44: {  	[spmem:s2] =	stream.indirect.scatter.add.f32 [tilespmem:s17], [sflag:$0x3], $0x80, s24, s16, $0xb8;
	[tilespmem:$0x1E900] =	vst v63  }
0x45: {  	s29 =	sand.u32 $0x60, s25;
	s25 =	smov.u32 s30;
	_ =	swait.ge [sflag:s15], $0x4000  }
0x46: {  	s29 =	sadd.s32 s5, s29;
	[sflag:s15] =	ssyncset.done $0x0  }
0x47: {  	s28 =	sadd.s32 s28, s29;
	[sflag:s15] =	ssyncadd.s32 $0xFFFFC000  }
0x48: {  	[tilespmem:s3], [sflag:$0x3] =	stream.linear.gather [hbm4b:s28+s3], $0x80, $0x38;
	[tilespmem:$0x1E900] =	vst v63  }
0x49: {  	_ =	swait.ge [sflag:s15], $0x80  }
0x4a: {  	[sflag:s15] =	ssyncset.done $0x0  }
0x4b: {  	[sflag:s15] =	ssyncadd.s32 $0xFFFFFF80  }
0x4c: {  	[tilespmem:s17], [sflag:$0x1] =	stream.indirect.gather [hbm4b:s4+s16], $0x80, s3, s16, $0xb8;
	[tilespmem:$0x1E900] =	vst v63  }
0x4d: {  	s24 =	sadd.s32 $0x100, s24;
	_ =	swait.ge [sflag:s20], $0x4000  }
.Ltmp0:
0x4e: {  	s29 =	sadd.s32 $0x80, s31;
	[sflag:s20] =	ssyncset.done $0x0;
	(pc) =	sbr.rel @p0 .LBB2_2-.Ltmp0, $4  }
0x4f: {  	s30 =	sadd.s32 $0xFFFFFFF0, s25;
	s28 =	sadd.s32 s25, s13;
	[sflag:s20] =	ssyncadd.s32 $0xFFFFC000  }
0x50: {  	[spmem:s2] =	stream.indirect.scatter.add.f32 [tilespmem:s18], [sflag:$0x3], $0x80, s29, s16, $0xb8;
	[tilespmem:$0x1E900] =	vst v63  }
0x51: {  	s30 =	sand.u32 $0x70, s30;
	s29 =	sadd.s32 $0xFFFFFFE0, s28;
	_ =	swait.ge [sflag:s15], $0x4000  }
0x52: {  	s30 =	sadd.s32 s5, s30;
	s29 =	sand.u32 $0xFFFFF80, s29;
	[sflag:s15] =	ssyncset.done $0x0  }
0x53: {  	s26 =	sadd.s32 s29, s30;
	[sflag:s15] =	ssyncadd.s32 $0xFFFFC000  }
0x54: {  	[tilespmem:s16], [sflag:$0x3] =	stream.linear.gather [hbm4b:s26+s3], $0x80, $0x38;
	[tilespmem:$0x1E900] =	vst v63  }
0x55: {  	_ =	swait.ge [sflag:s15], $0x80  }
0x56: {  	[sflag:s15] =	ssyncset.done $0x0  }
0x57: {  	[sflag:s15] =	ssyncadd.s32 $0xFFFFFF80  }
0x58: {  	[tilespmem:s18], [sflag:$0x2] =	stream.indirect.gather [hbm4b:s4+s16], $0x80, s16, s16, $0xb8;
	[tilespmem:$0x1E900] =	vst v63  }
0x59: {  	_ =	swait.ge [sflag:s19], $0x4000  }
0x5a: {  	[sflag:s19] =	ssyncset.done $0x0  }
0x5b: {  	[sflag:s19] =	ssyncadd.s32 $0xFFFFC000  }
0x5c: {  	[spmem:s2] =	stream.indirect.scatter.add.f32 [tilespmem:s17], [sflag:$0x3], $0x80, s24, s16, $0xb8;
	[tilespmem:$0x1E900] =	vst v63  }
0x5d: {  	s25 =	sand.u32 $0x60, s25;
	_ =	swait.ge [sflag:s15], $0x4000  }
0x5e: {  	s30 =	sand.u32 $0xFFFFF80, s28;
	s25 =	sadd.s32 s5, s25;
	[sflag:s15] =	ssyncset.done $0x0  }
0x5f: {  	s25 =	sadd.s32 s30, s25;
	[sflag:s15] =	ssyncadd.s32 $0xFFFFC000  }
0x60: {  	[tilespmem:s3], [sflag:$0x3] =	stream.linear.gather [hbm4b:s25+s3], $0x80, $0x38;
	[tilespmem:$0x1E900] =	vst v63  }
0x61: {  	_ =	swait.ge [sflag:s15], $0x80  }
0x62: {  	[sflag:s15] =	ssyncset.done $0x0  }
0x63: {  	[sflag:s15] =	ssyncadd.s32 $0xFFFFFF80  }
0x64: {  	[tilespmem:s17], [sflag:$0x1] =	stream.indirect.gather [hbm4b:s4+s16], $0x80, s3, s16, $0xb8;
	[tilespmem:$0x1E900] =	vst v63  }
0x65: {  	_ =	swait.ge [sflag:s20], $0x4000  }
0x66: {  	[sflag:s20] =	ssyncset.done $0x0  }
0x67: {  	s31 =	sadd.s32 $0x80, s24;
	[sflag:s20] =	ssyncadd.s32 $0xFFFFC000  }
0x68: {  	[spmem:s2] =	stream.indirect.scatter.add.f32 [tilespmem:s18], [sflag:$0x3], $0x80, s31, s16, $0xb8;
	[tilespmem:$0x1E900] =	vst v63  }
0x69: {  	_ =	swait.ge [sflag:s15], $0x4000  }
0x6a: {  	[sflag:s15] =	ssyncset.done $0x0  }
0x6b: {  	[sflag:s15] =	ssyncadd.s32 $0xFFFFC000  }
0x6c: {  	[tilespmem:s16], [sflag:$0x3] =	stream.linear.gather [hbm4b:s12+s3], $0x80, $0x38;
	[tilespmem:$0x1E900] =	vst v63  }
0x6d: {  	_ =	swait.ge [sflag:s15], $0x80  }
0x6e: {  	[sflag:s15] =	ssyncset.done $0x0  }
0x6f: {  	[sflag:s15] =	ssyncadd.s32 $0xFFFFFF80  }
0x70: {  	[tilespmem:s18], [sflag:$0x2] =	stream.indirect.gather [hbm4b:s4+s16], $0x80, s16, s16, $0xb8;
	[tilespmem:$0x1E900] =	vst v63  }
0x71: {  	_ =	swait.ge [sflag:s19], $0x4000  }
0x72: {  	[sflag:s19] =	ssyncset.done $0x0  }
0x73: {  	[sflag:s19] =	ssyncadd.s32 $0xFFFFC000  }
0x74: {  	[spmem:s2] =	stream.indirect.scatter.add.f32 [tilespmem:s17], [sflag:$0x3], $0x80, s21, s16, $0xb8;
	[tilespmem:$0x1E900] =	vst v63  }
0x75: {  	_ =	swait.ge [sflag:s15], $0x4000  }
0x76: {  	[sflag:s15] =	ssyncset.done $0x0  }
0x77: {  	[sflag:s15] =	ssyncadd.s32 $0xFFFFC000  }
0x78: {  	_ =	swait.ge [sflag:s20], $0x4000  }
0x79: {  	[sflag:s20] =	ssyncset.done $0x0  }
0x7a: {  	[sflag:s20] =	ssyncadd.s32 $0xFFFFC000  }
0x7b: {  	[spmem:s2] =	stream.indirect.scatter.add.f32 [tilespmem:s18], [sflag:$0x3], $0x80, s22, s16, $0xb8;
	[tilespmem:$0x1E900] =	vst v63  }
0x7c: {  	_ =	swait.ge [sflag:s15], $0x4000  }
0x7d: {  	s23 =	sadd.s32 $0x1, s23;
	[sflag:s15] =	ssyncset.done $0x0  }
0x7e: {  	p0 =	sne.s32 s23, s11;
	[sflag:s15] =	ssyncadd.s32 $0xFFFFC000  }
.Ltmp1:
0x7f: {  	[bflag:$0x0] =	sbarrier.arrive $0xFFFF;
	(pc) =	sbr.rel @p0 .LBB2_1-.Ltmp1, $4  }
0x80: {  	[hbm:s10], [sflag:s8] =	dma.local [spmem:s14], $0x2800  }
0x81: {  	_ =	swait.ge [sflag:s15], $0x2800  }
0x82: {  	[sflag:s15] =	ssyncset.done $0x0  }
0x83: {  	[sflag:s15] =	ssyncadd.s32 $0xFFFFD800  }
0x84: {  	_ =	sfence.sel $0x180000  }
0x85: {  	[bflag:$0x0] =	sbarrier.arrive $0xFFFF  }
0x86: {  	p0 =	sne.s32 s1, $0x0;
	_ =	strace $0x9000004D  }
0x87: {  	s0 =	sadd.s32 @!p0 $0x100000, s0;
	[bflag:$0x2] =	sbarrier.arrive $0xFFFF  }
0x88: {  	[sflag:s0] =	ssyncadd.tile.s32 @!p0 $0x1;
	_ =	shalt  }
.Lfunc_end2:
_tile_overlayer_lowered:
.L_overlay_start_2:
0x89: {  	(tag) =	ssettag $0x2  }
0x8a: {  	s0 =	rddreg [dreg:$0x0];
	s2 =	stileid.u32  }
0x8b: {  	s1 =	rddreg [dreg:$0x1];
	p0 =	sne.s32 s2, $0x0  }
0x8c: {  	s3 =	rddreg [dreg:$0x2];
	[bflag:$0x3] =	sbarrier.arrive $0xFFFF;
	s2 =	simm.s32 @!p0 $0x1C03  }
0x8d: {  	[timem:s3], [sflag:s2] =	dma.local @!p0 [hbm:s0], s1  }
0x8e: {  	s0 =	simm.s32 @!p0 $0x3  }
0x8f: {  	_ =	swait.ge @!p0 [sflag:s0], s1  }
0x90: {  	s1 =	ssub.s32 @!p0 $0x0, s1;
	[sflag:s0] =	ssyncset.done @!p0 $0x0  }
0x91: {  	[sflag:s0] =	ssyncadd.s32 @!p0 s1  }
0x92: {  	[bflag:$0x3] =	sbarrier.arrive $0xFFFF  }
0x93: {  	_ =	shalt  }

// kernel: kernel.21.cloned.1.call-start
scs
__scs_entry_jumppad:
0x0: {  	(pc) =	sbr.rel $0x88, $3  }
0x1: {  	(tag) =	ssettag $0x0;
	lr =	simm.s32 $0x1  }
0x2: {  	[smem:$0x3F97] =	sst lr;
	_ =	strace $0xD0000000  }
0x3: {  	_ = 	snop  }
0x4: {  	_ = 	snop  }
0x5: {  	_ = 	snop  }
0x6: {  	_ = 	snop  }
0x7: {  	_ = 	snop  }
__scs_overlays_trampoline_lowered:
0x8: {  	[smem:$0x3FA6] =	sst s0  }
0x9: {  	[smem:$0x3FA7] =	sst s1  }
0xa: {  	[smem:$0x3FA8] =	sst s2  }
0xb: {  	[smem:$0x3FA9] =	sst s3  }
0xc: {  	[smem:$0x3FAA] =	sst s4  }
0xd: {  	[smem:$0x3FAB] =	sst s5  }
0xe: {  	[smem:$0x3FAC] =	sst s6  }
0xf: {  	[smem:$0x3FAD] =	sst s7  }
0x10: {  	[smem:$0x3FAE] =	sst s8  }
0x11: {  	[smem:$0x3FAF] =	sst s9;
	s0 =	simm.s32 @!p0 $0x0  }
0x12: {  	s1 =	sld [smem:$0x3F95];
	s0 =	simm.s32 @p0 $0x1  }
0x13: {  	[smem:$0x3FB0] =	sst s0;
	s0 =	simm.s32 @!p1 $0x0  }
0x14: {  	s2 =	sld [smem:$0x3F94];
	s0 =	simm.s32 @p1 $0x1  }
0x15: {  	[smem:$0x3FB1] =	sst s0;
	s0 =	simm.s32 @!p2 $0x0  }
0x16: {  	s3 =	sld [smem:$0x3FDB];
	s0 =	simm.s32 @p2 $0x1  }
0x17: {  	s4 =	simm.s32 $0x1BF5;
	[smem:$0x3FB3] =	sst s0  }
0x18: {  	s0 =	sld [smem:$0x3F96];
	_ =	swait.ge [sflag:s4], $0x0  }
0x19: {  	s7 =	sld [smem:$0x3F97]  }
0x1a: {  	s8 =	sadd.s32 $0xFFFFE003, lr  }
0x1b: {  	s9 =	sadd.s32 $0xFFFFFEF7, lr;
	s5 =	simm.s32 $0xFFFFFFFF;
	p2 =	slt.u32 s8, $0xFFFFF086  }
0x1c: {  	p1 =	slt.u32 s9, $0xF7A;
	s5 =	simm.s32 @!p2 $0x0  }
0x1d: {  	s5 =	simm.s32 @p1 $0x1;
	p0 =	seq.s32 s7, s2  }
0x1e: {  	s7 =	smul.u32 @!p0 $0xF7A, s2;
	p2 =	seq.s32 @!p0 s5, $0x0  }
0x1f: {  	s9 =	smul.u32 $0xF7A, s1;
	s8 =	simm.s32 @!p0 $0x1BF5;
	p2 =	por !p2, p0  }
0x20: {  	[sflag:s8] =	ssyncset.s32 @!p0 $0xFFFFF086;
	s6 =	sadd.s32 @!p0 s3, s7;
	s7 =	simm.s32 @!p0 $0x108  }
0x21: {  	s3 =	sadd.s32 s3, s9;
	s6 =	sadd.s32 @!p0 $0x88, s6;
	s7 =	simm.s32 @p2 $0x1082  }
0x22: {  	[simem:s7], [sflag:s8] =	dma.local @!p0 [hbm:s6], $0xF7A  }
0x23: {  	s9 =	sor.u32 $0xD0000000, s2;
	s6 =	simm.s32 $0x108;
	_ =	swait.ge @!p0 [sflag:s8], $0x0  }
0x24: {  	s3 =	sadd.s32 $0x88, s3;
	s6 =	simm.s32 @!p1 $0x1082;
	[sflag:s4] =	ssyncset.s32 $0xFFFFF086  }
0x25: {  	[simem:s6], [sflag:s4] =	dma.local [hbm:s3], $0xF7A  }
0x26: {  	[smem:$0x3F97] =	sst s1;
	(tag) =	ssettag s2;
	_ =	strace s9  }
0x27: {  	s1 =	sld [smem:$0x3FA7]  }
0x28: {  	s2 =	sld [smem:$0x3FA8]  }
0x29: {  	s4 =	sld [smem:$0x3FAA]  }
0x2a: {  	p0 =	seq.s32 s5, $0x0;
	s5 =	sld [smem:$0x3FAB]  }
0x2b: {  	s6 =	sld [smem:$0x3FAC]  }
0x2c: {  	s7 =	sld [smem:$0x3FAD]  }
0x2d: {  	s3 =	simm.s32 $0x108;
	s8 =	sld [smem:$0x3FAE]  }
0x2e: {  	s3 =	simm.s32 @!p0 $0x1082;
	s9 =	sld [smem:$0x3FAF]  }
0x2f: {  	lr =	sadd.s32 s0, s3;
	s0 =	sld [smem:$0x3FA6]  }
0x30: {  	s3 =	sld [smem:$0x3FA9]  }
0x31: {  	[smem:$0x3FB2] =	sst s10  }
0x32: {  	s10 =	sld [smem:$0x3FB0];
	_ =	sdelay $0x3  }
0x33: {  	p0 =	seq.s32 s10, $0x1;
	s10 =	sld [smem:$0x3FB2];
	_ =	sdelay $0x3  }
0x34: {  	[smem:$0x3FB2] =	sst s10  }
0x35: {  	s10 =	sld [smem:$0x3FB1];
	_ =	sdelay $0x3  }
0x36: {  	p1 =	seq.s32 s10, $0x1;
	s10 =	sld [smem:$0x3FB2];
	_ =	sdelay $0x3  }
0x37: {  	[smem:$0x3FB2] =	sst s10  }
0x38: {  	s10 =	sld [smem:$0x3FB3]  }
0x39: {  	_ = 	snop;
	(pc) =	sbr.ind lr, $3  }
0x3a: {  	_ = 	snop  }
0x3b: {  	_ = 	snop  }
0x3c: {  	p2 =	seq.s32 s10, $0x1;
	s10 =	sld [smem:$0x3FB2]  }
0x3d: {  	_ =	shalt  }
0x3e: {  	_ =	shalt  }
0x3f: {  	_ =	shalt  }
0x40: {  	_ =	shalt  }
0x41: {  	_ =	shalt  }
0x42: {  	_ =	shalt  }
0x43: {  	_ =	shalt  }
0x44: {  	_ =	shalt  }
0x45: {  	_ =	shalt  }
0x46: {  	_ =	shalt  }
0x47: {  	_ =	shalt  }
0x48: {  	_ =	shalt  }
0x49: {  	_ =	shalt  }
0x4a: {  	_ =	shalt  }
0x4b: {  	_ =	shalt  }
0x4c: {  	_ =	shalt  }
0x4d: {  	_ =	shalt  }
0x4e: {  	_ =	shalt  }
0x4f: {  	_ =	shalt  }
0x50: {  	_ =	shalt  }
0x51: {  	_ =	shalt  }
0x52: {  	_ =	shalt  }
0x53: {  	_ =	shalt  }
0x54: {  	_ =	shalt  }
0x55: {  	_ =	shalt  }
0x56: {  	_ =	shalt  }
0x57: {  	_ =	shalt  }
0x58: {  	_ =	shalt  }
0x59: {  	_ =	shalt  }
0x5a: {  	_ =	shalt  }
0x5b: {  	_ =	shalt  }
0x5c: {  	_ =	shalt  }
0x5d: {  	_ =	shalt  }
0x5e: {  	_ =	shalt  }
0x5f: {  	_ =	shalt  }
0x60: {  	_ =	shalt  }
0x61: {  	_ =	shalt  }
0x62: {  	_ =	shalt  }
0x63: {  	_ =	shalt  }
0x64: {  	_ =	shalt  }
0x65: {  	_ =	shalt  }
0x66: {  	_ =	shalt  }
0x67: {  	_ =	shalt  }
0x68: {  	_ =	shalt  }
0x69: {  	_ =	shalt  }
0x6a: {  	_ =	shalt  }
0x6b: {  	_ =	shalt  }
0x6c: {  	_ =	shalt  }
0x6d: {  	_ =	shalt  }
0x6e: {  	_ =	shalt  }
0x6f: {  	_ =	shalt  }
0x70: {  	_ =	shalt  }
0x71: {  	_ =	shalt  }
0x72: {  	_ =	shalt  }
0x73: {  	_ =	shalt  }
0x74: {  	_ =	shalt  }
0x75: {  	_ =	shalt  }
0x76: {  	_ =	shalt  }
0x77: {  	_ =	shalt  }
0x78: {  	_ =	shalt  }
0x79: {  	_ =	shalt  }
0x7a: {  	_ =	shalt  }
0x7b: {  	_ =	shalt  }
0x7c: {  	_ =	shalt  }
0x7d: {  	_ =	shalt  }
0x7e: {  	_ =	shalt  }
0x7f: {  	_ =	shalt  }
0x80: {  	_ =	shalt  }
0x81: {  	_ =	shalt  }
0x82: {  	_ =	shalt  }
0x83: {  	_ =	shalt  }
0x84: {  	_ =	shalt  }
0x85: {  	_ =	shalt  }
0x86: {  	_ =	shalt  }
0x87: {  	_ =	shalt  }
.Lfunc_end0:
.L_simem_size_0:
called_computation.3_lowered:
.L_overlay_start_0:
0x88: {  	s2 =	sld [smem:$0x3FD9]  }
0x89: {  	s3 =	sld [smem:$0x3FFE];
	_ =	sdelay $0x1  }
0x8a: {  	s1 =	srdreg.scid  }
0x8b: {  	s0 =	sand.u32 $0x1, s1  }
0x8c: {  	s16 =	sshll.u32 s0, $0xA;
	s2 =	sadd.s32 s3, s2  }
0x8d: {  	s2 =	sadd.s32 s2, s16  }
0x8e: {  	[smem:$0x3FBE] =	sst s2  }
0x8f: {  	_ = 	snop  }
0x90: {  	(tm) =	ssettm $0x1  }
0x91: {  	s17 =	sld [smem:$0x3FFB];
	_ =	sdelay $0x3  }
0x92: {  	_ =	strace s17  }
0x93: {  	s2 =	sld [smem:$0x3FFC];
	_ =	sdelay $0x3  }
0x94: {  	_ =	strace s2  }
0x95: {  	s2 =	sld [smem:$0x3FFD];
	_ =	sdelay $0x3  }
0x96: {  	_ =	strace s2  }
0x97: {  	_ =	strace $0x8FFFFFFF  }
0x98: {  	s18 =	sld [smem:$0x3FDB];
	_ =	sdelay $0x1  }
0x99: {  	s19 =	simm.s32 $_scs_section_size  }
0x9a: {  	s4 =	simm.s32 $_size__tile_overlayer_lowered;
	s5 =	simm.s32 $_tile_overlayer_lowered  }
0x9b: {  	s22 =	simm.s32 $0x1BFF;
	s21 =	sshll.u32 s5, $0x1;
	s2 =	sadd.s32 s19, s18  }
0x9c: {  	s6 =	simm.s32 $0x0;
	s20 =	sshll.u32 s4, $0x1;
	s4 =	sadd.s32 s21, s2  }
0x9d: {  	[timem:s6], [sflag:s22] =	dma.local [hbm:s4], s20  }
0x9e: {  	_ =	swait.ge [sflag:s22], s20  }
0x9f: {  	s3 =	ssub.s32 $0x0, s20;
	[sflag:s22] =	ssyncset.done $0x0  }
0xa0: {  	[sflag:s22] =	ssyncadd.s32 s3;
	_ =	sdelay $0x1  }
0xa1: {  	s23 =	simm.s32 $0x1B8B  }
0xa2: {  	_ =	swait.ge [sflag:s23], $0x1  }
0xa3: {  	[sflag:s23] =	ssyncset.done $0x0  }
0xa4: {  	s25 =	simm.s32 $0x1B8E;
	s24 =	sld [smem:$0x3FFE];
	[sflag:s23] =	ssyncadd.s32 $0xFFFFFFFF  }
0xa5: {  	s26 =	simm.s32 $execute0_lowered;
	[smem:$0x3FD2] =	sst s25  }
0xa6: {  	s4 =	sshll.u32 s26, $0x1;
	_ =	strace $0x8000004F;
	[dreg:$0x1] =	wrdreg $0xFFFFFFFF  }
0xa7: {  	s28 =	simm.s32 $_size_execute0_lowered;
	s2 =	sadd.s32 s2, s4;
	[dreg:$0x0] =	wrdreg $0x0  }
0xa8: {  	s4 =	sshll.u32 s28, $0x1;
	[dreg:$0x2] =	wrdreg s2  }
0xa9: {  	[dreg:$0x3] =	wrdreg s4  }
0xaa: {  	[dreg:$0x4] =	wrdreg $0xC0  }
0xab: {  	_ =	task [dreg:s6], $0x5FFFF  }
0xac: {  	[dreg:$0x1] =	wrdreg $0xFFFFFFFF  }
0xad: {  	[dreg:$0x0] =	wrdreg $0x60  }
0xae: {  	[dreg:$0x2] =	wrdreg s24  }
0xaf: {  	[dreg:$0x3] =	wrdreg $0xA9000  }
0xb0: {  	[dreg:$0x4] =	wrdreg $0x9  }
0xb1: {  	_ =	task.clear_ibuf [dreg:s6], $0x5FFFF;
	_ =	strace $0x9000004F  }
0xb2: {  	s29 =	simm.s32 $0x9;
	_ =	strace $0x80000051  }
0xb3: {  	_ =	swait.ge [sflag:s29], $0x1  }
0xb4: {  	[sflag:s29] =	ssyncadd.s32 $0xFFFFFFFF  }
0xb5: {  	_ =	strace $0x90000051  }
0xb6: {  	_ =	sfence  }
0xb7: {  	s30 =	sld [smem:$0x0];
	_ =	sdelay $0x2  }
0xb8: {  	s31 =	sshll.u32 s1, $0xD;
	s1 =	sshrl.u32 s1, $0x2  }
0xb9: {  	s3 =	sand.u32 $0x4000, s31;
	s1 =	sadd.s32 s1, s30  }
0xba: {  	s0 =	sor.u32 s3, s0;
	s1 =	sshll.u32 s1, $0x11  }
0xbb: {  	s0 =	sor.u32 s1, s0  }
0xbc: {  	s0 =	sadd.s32 $0x8F2B, s0  }
0xbd: {  	[sflag:s0] =	ssyncadd.remote.s32 $0x1  }
0xbe: {  	_ =	sfence.sel $0xFFFF  }
0xbf: {  	[dreg:$0x0] =	wrdreg $0xFFFFFFFF;
	(pc) =	sbr.abs _section_cstart, $3  }
0xc0: {  	[dreg:$0x1] =	wrdreg $0xFFFFFFFF  }
0xc1: {  	_ =	task.clear_ibuf [dreg:s6], $0x2FFFF;
	_ =	strace $0x9FFFFFFF  }
0xc2: {  	(tm) =	ssettm $0x7FFFFFFF  }
0xc3: {  	_ =	shalt  }
tec
execute0_lowered:
.L_overlay_start_1:
0x0: {  	(tag) =	ssettag $0x1  }
0x1: {  	s6 =	rddreg [dreg:$0x0]  }
0x2: {  	s2 =	rddreg [dreg:$0x1]  }
0x3: {  	s0 =	rddreg [dreg:$0x2]  }
0x4: {  	s1 =	stileid.u32;
	s3 =	simm.s32 $0x0;
	s4 =	srdreg.scid  }
0x5: {  	s18 =	simm.s32 $0x6900;
	s19 =	simm.s32 $0x1;
	s20 =	simm.s32 $0x2  }
0x6: {  	s21 =	simm.s32 $0x2800;
	s22 =	simm.s32 $0x2880;
	s7 =	smul.u32 $0x14000, s1  }
0x7: {  	s23 =	simm.s32 $0x0;
	[smem:$0x7FF] =	sst s3;
	s25 =	smul.u32 $0x50000, s1  }
0x8: {  	s10 =	sand.u32 $0x1, s4;
	s4 =	sadd.s32 $0x67A00, s6;
	s30 =	smul.u32 $0xA00, s1  }
0x9: {  	s5 =	sadd.s32 $0x3A00, s6;
	s11 =	sshll.u32 s1, $0x1;
	s9 =	smul.u32 $0x140000, s10  }
0xa: {  	s29 =	sshll.u32 s1, $0x6;
	s11 =	sor.u32 s10, s11;
	s17 =	smul.u32 $0x500, s10  }
0xb: {  	_ =	strace $0x80000050;
	s12 =	ssub.s32 $0x2, s10;
	s14 =	smul.u32 $0x2800, s11  }
0xc: {  	s8 =	sshrl.u32 s7, $0x3;
	s13 =	sshrl.u32 s12, $0x1;
	s28 =	smul.u32 $0x500, s11  }
0xd: {  	s8 =	sadd.s32 s8, s6;
	s7 =	sadd.s32 s7, s9;
	s9 =	sshrl.u32 s25, $0x2  }
0xe: {  	s12 =	ssub.s32 s12, s13;
	s13 =	sadd.s32 s17, s30;
	s17 =	simm.s32 $0x2900  }
0xf: {  	s7 =	sshrl.u32 s7, $0x3;
	s16 =	sadd.s32 s9, s2;
	s26 =	sshrl.u32 s14, $0x3  }
0x10: {  	s11 =	smax.u32 s12, $0x1;
	s31 =	sadd.s32 s28, s5;
	s15 =	sadd.s32 s7, s6  }
0x11: {  	s6 =	sadd.s32 $0x8FA00, s8;
	s7 =	sadd.s32 s5, s26;
	s8 =	sor.u32 $0x1C03, s29  }
0x12: {  	s12 =	sadd.s32 $0x4F0, s31;
	s14 =	sshrl.u32 s16, $0x3;
	s16 =	simm.s32 $0x80  }
0x13: {  	s9 =	sadd.s32 $0xA000, s7;
	s10 =	sadd.s32 $0xB7A00, s15;
	s15 =	simm.s32 $0x3  }
.LBB2_1:
0x14: {  	[spmem:s14], [sflag:s8] =	dma.local [hbm:s6], $0x2800  }
0x15: {  	_ =	swait.ge [sflag:s15], $0x2800  }
0x16: {  	[sflag:s15] =	ssyncset.done $0x0  }
0x17: {  	s24 =	simm.s32 $0x100;
	[sflag:s15] =	ssyncadd.s32 $0xFFFFD800  }
0x18: {  	[tilespmem:s24], [sflag:$0x3] =	stream.linear.gather [hbm4b:s9+s3], $0x2800, $0x38;
	[tilespmem:$0x1E900] =	vst v63  }
0x19: {  	_ =	swait.ge [sflag:s15], $0x2800  }
0x1a: {  	[sflag:s15] =	ssyncset.done $0x0  }
0x1b: {  	[sflag:s15] =	ssyncadd.s32 $0xFFFFD800  }
0x1c: {  	[bflag:$0x0] =	sbarrier.arrive $0xFFFF  }
0x1d: {  	[tilespmem:s3], [sflag:$0x3] =	stream.linear.gather [hbm4b:s7+s3], $0x80, $0x38;
	[tilespmem:$0x1E900] =	vst v63  }
0x1e: {  	s25 =	sadd.s32 $0x20, s13;
	s26 =	simm.s32 $0x10;
	_ =	swait.ge [sflag:s15], $0x80  }
0x1f: {  	s28 =	sadd.s32 $0xFFFFFFE0, s25;
	s26 =	sand.u32 $0x70, s26;
	[sflag:s15] =	ssyncset.done $0x0  }
0x20: {  	s28 =	sand.u32 $0xFFFFF80, s28;
	s26 =	sadd.s32 s5, s26;
	[sflag:s15] =	ssyncadd.s32 $0xFFFFFF80  }
0x21: {  	[tilespmem:s17], [sflag:$0x1] =	stream.indirect.gather [hbm4b:s4+s16], $0x80, s3, s16, $0xb8;
	[tilespmem:$0x1E900] =	vst v63  }
0x22: {  	s26 =	sadd.s32 s28, s26  }
0x23: {  	[tilespmem:s16], [sflag:$0x3] =	stream.linear.gather [hbm4b:s26+s3], $0x80, $0x38;
	[tilespmem:$0x1E900] =	vst v63  }
0x24: {  	_ =	swait.ge [sflag:s15], $0x80  }
0x25: {  	[sflag:s15] =	ssyncset.done $0x0  }
0x26: {  	[sflag:s15] =	ssyncadd.s32 $0xFFFFFF80  }
0x27: {  	[tilespmem:s18], [sflag:$0x2] =	stream.indirect.gather [hbm4b:s4+s16], $0x80, s16, s16, $0xb8;
	[tilespmem:$0x1E900] =	vst v63  }
0x28: {  	_ =	swait.ge [sflag:s19], $0x4000  }
0x29: {  	[sflag:s19] =	ssyncset.done $0x0  }
0x2a: {  	s31 =	simm.s32 $0x20;
	[sflag:s19] =	ssyncadd.s32 $0xFFFFC000  }
0x2b: {  	[spmem:s2] =	stream.indirect.scatter.add.f32 [tilespmem:s17], [sflag:$0x3], $0x80, s24, s16, $0xb8;
	[tilespmem:$0x1E900] =	vst v63  }
0x2c: {  	s31 =	sand.u32 $0x60, s31;
	_ =	swait.ge [sflag:s15], $0x4000  }
0x2d: {  	s25 =	sand.u32 $0xFFFFF80, s25;
	s24 =	sadd.s32 s5, s31;
	[sflag:s15] =	ssyncset.done $0x0  }
0x2e: {  	s24 =	sadd.s32 s25, s24;
	[sflag:s15] =	ssyncadd.s32 $0xFFFFC000  }
0x2f: {  	[tilespmem:s3], [sflag:$0x3] =	stream.linear.gather [hbm4b:s24+s3], $0x80, $0x38;
	[tilespmem:$0x1E900] =	vst v63  }
0x30: {  	_ =	swait.ge [sflag:s15], $0x80  }
0x31: {  	[sflag:s15] =	ssyncset.done $0x0  }
0x32: {  	s30 =	simm.s32 $0x30;
	[sflag:s15] =	ssyncadd.s32 $0xFFFFFF80  }
0x33: {  	[tilespmem:s17], [sflag:$0x1] =	stream.indirect.gather [hbm4b:s4+s16], $0x80, s3, s16, $0xb8;
	[tilespmem:$0x1E900] =	vst v63  }
0x34: {  	s30 =	sand.u32 $0x70, s30;
	_ =	swait.ge [sflag:s20], $0x4000  }
0x35: {  	s29 =	simm.s32 $0x180;
	s30 =	sadd.s32 s5, s30;
	[sflag:s20] =	ssyncset.done $0x0  }
0x36: {  	s28 =	sadd.s32 $0x40, s13;
	s26 =	simm.s32 $0x60;
	[sflag:s20] =	ssyncadd.s32 $0xFFFFC000  }
0x37: {  	[spmem:s2] =	stream.indirect.scatter.add.f32 [tilespmem:s18], [sflag:$0x3], $0x80, s29, s16, $0xb8;
	[tilespmem:$0x1E900] =	vst v63  }
0x38: {  	s25 =	simm.s32 $0x40;
	s29 =	sadd.s32 $0xFFFFFFE0, s28;
	_ =	swait.ge [sflag:s15], $0x4000  }
0x39: {  	s24 =	simm.s32 $0x200;
	s29 =	sand.u32 $0xFFFFF80, s29;
	[sflag:s15] =	ssyncset.done $0x0  }
.LBB2_2:
0x3a: {  	s29 =	sadd.s32 s29, s30;
	s28 =	sand.u32 $0xFFFFF80, s28  }
0x3b: {  	[sflag:s15] =	ssyncadd.s32 $0xFFFFC000;
	s30 =	smov.u32 s26;
	s31 =	smov.u32 s24  }
0x3c: {  	[tilespmem:s16], [sflag:$0x3] =	stream.linear.gather [hbm4b:s29+s3], $0x80, $0x38;
	[tilespmem:$0x1E900] =	vst v63  }
0x3d: {  	p0 =	sne.s32 s26, $0x4E0;
	s26 =	sadd.s32 $0x20, s26;
	_ =	swait.ge [sflag:s15], $0x80  }
0x3e: {  	[sflag:s15] =	ssyncset.done $0x0  }
0x3f: {  	[sflag:s15] =	ssyncadd.s32 $0xFFFFFF80  }
0x40: {  	[tilespmem:s18], [sflag:$0x2] =	stream.indirect.gather [hbm4b:s4+s16], $0x80, s16, s16, $0xb8;
	[tilespmem:$0x1E900] =	vst v63  }
0x41: {  	_ =	swait.ge [sflag:s19], $0x4000  }
0x42: {  	[sflag:s19] =	ssyncset.done $0x0  }
0x43: {  	[sflag:s19] =	ssyncadd.s32 $0xFFFFC000  }
0x44: {  	[spmem:s2] =	stream.indirect.scatter.add.f32 [tilespmem:s17], [sflag:$0x3], $0x80, s24, s16, $0xb8;
	[tilespmem:$0x1E900] =	vst v63  }
0x45: {  	s29 =	sand.u32 $0x60, s25;
	s25 =	smov.u32 s30;
	_ =	swait.ge [sflag:s15], $0x4000  }
0x46: {  	s29 =	sadd.s32 s5, s29;
	[sflag:s15] =	ssyncset.done $0x0  }
0x47: {  	s28 =	sadd.s32 s28, s29;
	[sflag:s15] =	ssyncadd.s32 $0xFFFFC000  }
0x48: {  	[tilespmem:s3], [sflag:$0x3] =	stream.linear.gather [hbm4b:s28+s3], $0x80, $0x38;
	[tilespmem:$0x1E900] =	vst v63  }
0x49: {  	_ =	swait.ge [sflag:s15], $0x80  }
0x4a: {  	[sflag:s15] =	ssyncset.done $0x0  }
0x4b: {  	[sflag:s15] =	ssyncadd.s32 $0xFFFFFF80  }
0x4c: {  	[tilespmem:s17], [sflag:$0x1] =	stream.indirect.gather [hbm4b:s4+s16], $0x80, s3, s16, $0xb8;
	[tilespmem:$0x1E900] =	vst v63  }
0x4d: {  	s24 =	sadd.s32 $0x100, s24;
	_ =	swait.ge [sflag:s20], $0x4000  }
.Ltmp0:
0x4e: {  	s29 =	sadd.s32 $0x80, s31;
	[sflag:s20] =	ssyncset.done $0x0;
	(pc) =	sbr.rel @p0 .LBB2_2-.Ltmp0, $4  }
0x4f: {  	s30 =	sadd.s32 $0xFFFFFFF0, s25;
	s28 =	sadd.s32 s25, s13;
	[sflag:s20] =	ssyncadd.s32 $0xFFFFC000  }
0x50: {  	[spmem:s2] =	stream.indirect.scatter.add.f32 [tilespmem:s18], [sflag:$0x3], $0x80, s29, s16, $0xb8;
	[tilespmem:$0x1E900] =	vst v63  }
0x51: {  	s30 =	sand.u32 $0x70, s30;
	s29 =	sadd.s32 $0xFFFFFFE0, s28;
	_ =	swait.ge [sflag:s15], $0x4000  }
0x52: {  	s30 =	sadd.s32 s5, s30;
	s29 =	sand.u32 $0xFFFFF80, s29;
	[sflag:s15] =	ssyncset.done $0x0  }
0x53: {  	s26 =	sadd.s32 s29, s30;
	[sflag:s15] =	ssyncadd.s32 $0xFFFFC000  }
0x54: {  	[tilespmem:s16], [sflag:$0x3] =	stream.linear.gather [hbm4b:s26+s3], $0x80, $0x38;
	[tilespmem:$0x1E900] =	vst v63  }
0x55: {  	_ =	swait.ge [sflag:s15], $0x80  }
0x56: {  	[sflag:s15] =	ssyncset.done $0x0  }
0x57: {  	[sflag:s15] =	ssyncadd.s32 $0xFFFFFF80  }
0x58: {  	[tilespmem:s18], [sflag:$0x2] =	stream.indirect.gather [hbm4b:s4+s16], $0x80, s16, s16, $0xb8;
	[tilespmem:$0x1E900] =	vst v63  }
0x59: {  	_ =	swait.ge [sflag:s19], $0x4000  }
0x5a: {  	[sflag:s19] =	ssyncset.done $0x0  }
0x5b: {  	[sflag:s19] =	ssyncadd.s32 $0xFFFFC000  }
0x5c: {  	[spmem:s2] =	stream.indirect.scatter.add.f32 [tilespmem:s17], [sflag:$0x3], $0x80, s24, s16, $0xb8;
	[tilespmem:$0x1E900] =	vst v63  }
0x5d: {  	s25 =	sand.u32 $0x60, s25;
	_ =	swait.ge [sflag:s15], $0x4000  }
0x5e: {  	s30 =	sand.u32 $0xFFFFF80, s28;
	s25 =	sadd.s32 s5, s25;
	[sflag:s15] =	ssyncset.done $0x0  }
0x5f: {  	s25 =	sadd.s32 s30, s25;
	[sflag:s15] =	ssyncadd.s32 $0xFFFFC000  }
0x60: {  	[tilespmem:s3], [sflag:$0x3] =	stream.linear.gather [hbm4b:s25+s3], $0x80, $0x38;
	[tilespmem:$0x1E900] =	vst v63  }
0x61: {  	_ =	swait.ge [sflag:s15], $0x80  }
0x62: {  	[sflag:s15] =	ssyncset.done $0x0  }
0x63: {  	[sflag:s15] =	ssyncadd.s32 $0xFFFFFF80  }
0x64: {  	[tilespmem:s17], [sflag:$0x1] =	stream.indirect.gather [hbm4b:s4+s16], $0x80, s3, s16, $0xb8;
	[tilespmem:$0x1E900] =	vst v63  }
0x65: {  	_ =	swait.ge [sflag:s20], $0x4000  }
0x66: {  	[sflag:s20] =	ssyncset.done $0x0  }
0x67: {  	s31 =	sadd.s32 $0x80, s24;
	[sflag:s20] =	ssyncadd.s32 $0xFFFFC000  }
0x68: {  	[spmem:s2] =	stream.indirect.scatter.add.f32 [tilespmem:s18], [sflag:$0x3], $0x80, s31, s16, $0xb8;
	[tilespmem:$0x1E900] =	vst v63  }
0x69: {  	_ =	swait.ge [sflag:s15], $0x4000  }
0x6a: {  	[sflag:s15] =	ssyncset.done $0x0  }
0x6b: {  	[sflag:s15] =	ssyncadd.s32 $0xFFFFC000  }
0x6c: {  	[tilespmem:s16], [sflag:$0x3] =	stream.linear.gather [hbm4b:s12+s3], $0x80, $0x38;
	[tilespmem:$0x1E900] =	vst v63  }
0x6d: {  	_ =	swait.ge [sflag:s15], $0x80  }
0x6e: {  	[sflag:s15] =	ssyncset.done $0x0  }
0x6f: {  	[sflag:s15] =	ssyncadd.s32 $0xFFFFFF80  }
0x70: {  	[tilespmem:s18], [sflag:$0x2] =	stream.indirect.gather [hbm4b:s4+s16], $0x80, s16, s16, $0xb8;
	[tilespmem:$0x1E900] =	vst v63  }
0x71: {  	_ =	swait.ge [sflag:s19], $0x4000  }
0x72: {  	[sflag:s19] =	ssyncset.done $0x0  }
0x73: {  	[sflag:s19] =	ssyncadd.s32 $0xFFFFC000  }
0x74: {  	[spmem:s2] =	stream.indirect.scatter.add.f32 [tilespmem:s17], [sflag:$0x3], $0x80, s21, s16, $0xb8;
	[tilespmem:$0x1E900] =	vst v63  }
0x75: {  	_ =	swait.ge [sflag:s15], $0x4000  }
0x76: {  	[sflag:s15] =	ssyncset.done $0x0  }
0x77: {  	[sflag:s15] =	ssyncadd.s32 $0xFFFFC000  }
0x78: {  	_ =	swait.ge [sflag:s20], $0x4000  }
0x79: {  	[sflag:s20] =	ssyncset.done $0x0  }
0x7a: {  	[sflag:s20] =	ssyncadd.s32 $0xFFFFC000  }
0x7b: {  	[spmem:s2] =	stream.indirect.scatter.add.f32 [tilespmem:s18], [sflag:$0x3], $0x80, s22, s16, $0xb8;
	[tilespmem:$0x1E900] =	vst v63  }
0x7c: {  	_ =	swait.ge [sflag:s15], $0x4000  }
0x7d: {  	s23 =	sadd.s32 $0x1, s23;
	[sflag:s15] =	ssyncset.done $0x0  }
0x7e: {  	p0 =	sne.s32 s23, s11;
	[sflag:s15] =	ssyncadd.s32 $0xFFFFC000  }
.Ltmp1:
0x7f: {  	[bflag:$0x0] =	sbarrier.arrive $0xFFFF;
	(pc) =	sbr.rel @p0 .LBB2_1-.Ltmp1, $4  }
0x80: {  	[hbm:s10], [sflag:s8] =	dma.local [spmem:s14], $0x2800  }
0x81: {  	_ =	swait.ge [sflag:s15], $0x2800  }
0x82: {  	[sflag:s15] =	ssyncset.done $0x0  }
0x83: {  	[sflag:s15] =	ssyncadd.s32 $0xFFFFD800  }
0x84: {  	_ =	sfence.sel $0x180000  }
0x85: {  	[bflag:$0x0] =	sbarrier.arrive $0xFFFF  }
0x86: {  	p0 =	sne.s32 s1, $0x0;
	_ =	strace $0x90000050  }
0x87: {  	s0 =	sadd.s32 @!p0 $0x100000, s0;
	[bflag:$0x2] =	sbarrier.arrive $0xFFFF  }
0x88: {  	[sflag:s0] =	ssyncadd.tile.s32 @!p0 $0x1;
	_ =	shalt  }
.Lfunc_end2:
_tile_overlayer_lowered:
.L_overlay_start_2:
0x89: {  	(tag) =	ssettag $0x2  }
0x8a: {  	s0 =	rddreg [dreg:$0x0];
	s2 =	stileid.u32  }
0x8b: {  	s1 =	rddreg [dreg:$0x1];
	p0 =	sne.s32 s2, $0x0  }
0x8c: {  	s3 =	rddreg [dreg:$0x2];
	[bflag:$0x3] =	sbarrier.arrive $0xFFFF;
	s2 =	simm.s32 @!p0 $0x1C03  }
0x8d: {  	[timem:s3], [sflag:s2] =	dma.local @!p0 [hbm:s0], s1  }
0x8e: {  	s0 =	simm.s32 @!p0 $0x3  }
0x8f: {  	_ =	swait.ge @!p0 [sflag:s0], s1  }
0x90: {  	s1 =	ssub.s32 @!p0 $0x0, s1;
	[sflag:s0] =	ssyncset.done @!p0 $0x0  }
0x91: {  	[sflag:s0] =	ssyncadd.s32 @!p0 s1  }
0x92: {  	[bflag:$0x3] =	sbarrier.arrive $0xFFFF  }
0x93: {  	_ =	shalt  }

// kernel: kernel.24.cloned.1.call-start
scs
__scs_entry_jumppad:
0x0: {  	(pc) =	sbr.rel $0x88, $3  }
0x1: {  	(tag) =	ssettag $0x0;
	lr =	simm.s32 $0x1  }
0x2: {  	[smem:$0x3F97] =	sst lr;
	_ =	strace $0xD0000000  }
0x3: {  	_ = 	snop  }
0x4: {  	_ = 	snop  }
0x5: {  	_ = 	snop  }
0x6: {  	_ = 	snop  }
0x7: {  	_ = 	snop  }
__scs_overlays_trampoline_lowered:
0x8: {  	[smem:$0x3FA6] =	sst s0  }
0x9: {  	[smem:$0x3FA7] =	sst s1  }
0xa: {  	[smem:$0x3FA8] =	sst s2  }
0xb: {  	[smem:$0x3FA9] =	sst s3  }
0xc: {  	[smem:$0x3FAA] =	sst s4  }
0xd: {  	[smem:$0x3FAB] =	sst s5  }
0xe: {  	[smem:$0x3FAC] =	sst s6  }
0xf: {  	[smem:$0x3FAD] =	sst s7  }
0x10: {  	[smem:$0x3FAE] =	sst s8  }
0x11: {  	[smem:$0x3FAF] =	sst s9;
	s0 =	simm.s32 @!p0 $0x0  }
0x12: {  	s1 =	sld [smem:$0x3F95];
	s0 =	simm.s32 @p0 $0x1  }
0x13: {  	[smem:$0x3FB0] =	sst s0;
	s0 =	simm.s32 @!p1 $0x0  }
0x14: {  	s2 =	sld [smem:$0x3F94];
	s0 =	simm.s32 @p1 $0x1  }
0x15: {  	[smem:$0x3FB1] =	sst s0;
	s0 =	simm.s32 @!p2 $0x0  }
0x16: {  	s3 =	sld [smem:$0x3FDB];
	s0 =	simm.s32 @p2 $0x1  }
0x17: {  	s4 =	simm.s32 $0x1BF5;
	[smem:$0x3FB3] =	sst s0  }
0x18: {  	s0 =	sld [smem:$0x3F96];
	_ =	swait.ge [sflag:s4], $0x0  }
0x19: {  	s7 =	sld [smem:$0x3F97]  }
0x1a: {  	s8 =	sadd.s32 $0xFFFFE003, lr  }
0x1b: {  	s9 =	sadd.s32 $0xFFFFFEF7, lr;
	s5 =	simm.s32 $0xFFFFFFFF;
	p2 =	slt.u32 s8, $0xFFFFF086  }
0x1c: {  	p1 =	slt.u32 s9, $0xF7A;
	s5 =	simm.s32 @!p2 $0x0  }
0x1d: {  	s5 =	simm.s32 @p1 $0x1;
	p0 =	seq.s32 s7, s2  }
0x1e: {  	s7 =	smul.u32 @!p0 $0xF7A, s2;
	p2 =	seq.s32 @!p0 s5, $0x0  }
0x1f: {  	s9 =	smul.u32 $0xF7A, s1;
	s8 =	simm.s32 @!p0 $0x1BF5;
	p2 =	por !p2, p0  }
0x20: {  	[sflag:s8] =	ssyncset.s32 @!p0 $0xFFFFF086;
	s6 =	sadd.s32 @!p0 s3, s7;
	s7 =	simm.s32 @!p0 $0x108  }
0x21: {  	s3 =	sadd.s32 s3, s9;
	s6 =	sadd.s32 @!p0 $0x88, s6;
	s7 =	simm.s32 @p2 $0x1082  }
0x22: {  	[simem:s7], [sflag:s8] =	dma.local @!p0 [hbm:s6], $0xF7A  }
0x23: {  	s9 =	sor.u32 $0xD0000000, s2;
	s6 =	simm.s32 $0x108;
	_ =	swait.ge @!p0 [sflag:s8], $0x0  }
0x24: {  	s3 =	sadd.s32 $0x88, s3;
	s6 =	simm.s32 @!p1 $0x1082;
	[sflag:s4] =	ssyncset.s32 $0xFFFFF086  }
0x25: {  	[simem:s6], [sflag:s4] =	dma.local [hbm:s3], $0xF7A  }
0x26: {  	[smem:$0x3F97] =	sst s1;
	(tag) =	ssettag s2;
	_ =	strace s9  }
0x27: {  	s1 =	sld [smem:$0x3FA7]  }
0x28: {  	s2 =	sld [smem:$0x3FA8]  }
0x29: {  	s4 =	sld [smem:$0x3FAA]  }
0x2a: {  	p0 =	seq.s32 s5, $0x0;
	s5 =	sld [smem:$0x3FAB]  }
0x2b: {  	s6 =	sld [smem:$0x3FAC]  }
0x2c: {  	s7 =	sld [smem:$0x3FAD]  }
0x2d: {  	s3 =	simm.s32 $0x108;
	s8 =	sld [smem:$0x3FAE]  }
0x2e: {  	s3 =	simm.s32 @!p0 $0x1082;
	s9 =	sld [smem:$0x3FAF]  }
0x2f: {  	lr =	sadd.s32 s0, s3;
	s0 =	sld [smem:$0x3FA6]  }
0x30: {  	s3 =	sld [smem:$0x3FA9]  }
0x31: {  	[smem:$0x3FB2] =	sst s10  }
0x32: {  	s10 =	sld [smem:$0x3FB0];
	_ =	sdelay $0x3  }
0x33: {  	p0 =	seq.s32 s10, $0x1;
	s10 =	sld [smem:$0x3FB2];
	_ =	sdelay $0x3  }
0x34: {  	[smem:$0x3FB2] =	sst s10  }
0x35: {  	s10 =	sld [smem:$0x3FB1];
	_ =	sdelay $0x3  }
0x36: {  	p1 =	seq.s32 s10, $0x1;
	s10 =	sld [smem:$0x3FB2];
	_ =	sdelay $0x3  }
0x37: {  	[smem:$0x3FB2] =	sst s10  }
0x38: {  	s10 =	sld [smem:$0x3FB3]  }
0x39: {  	_ = 	snop;
	(pc) =	sbr.ind lr, $3  }
0x3a: {  	_ = 	snop  }
0x3b: {  	_ = 	snop  }
0x3c: {  	p2 =	seq.s32 s10, $0x1;
	s10 =	sld [smem:$0x3FB2]  }
0x3d: {  	_ =	shalt  }
0x3e: {  	_ =	shalt  }
0x3f: {  	_ =	shalt  }
0x40: {  	_ =	shalt  }
0x41: {  	_ =	shalt  }
0x42: {  	_ =	shalt  }
0x43: {  	_ =	shalt  }
0x44: {  	_ =	shalt  }
0x45: {  	_ =	shalt  }
0x46: {  	_ =	shalt  }
0x47: {  	_ =	shalt  }
0x48: {  	_ =	shalt  }
0x49: {  	_ =	shalt  }
0x4a: {  	_ =	shalt  }
0x4b: {  	_ =	shalt  }
0x4c: {  	_ =	shalt  }
0x4d: {  	_ =	shalt  }
0x4e: {  	_ =	shalt  }
0x4f: {  	_ =	shalt  }
0x50: {  	_ =	shalt  }
0x51: {  	_ =	shalt  }
0x52: {  	_ =	shalt  }
0x53: {  	_ =	shalt  }
0x54: {  	_ =	shalt  }
0x55: {  	_ =	shalt  }
0x56: {  	_ =	shalt  }
0x57: {  	_ =	shalt  }
0x58: {  	_ =	shalt  }
0x59: {  	_ =	shalt  }
0x5a: {  	_ =	shalt  }
0x5b: {  	_ =	shalt  }
0x5c: {  	_ =	shalt  }
0x5d: {  	_ =	shalt  }
0x5e: {  	_ =	shalt  }
0x5f: {  	_ =	shalt  }
0x60: {  	_ =	shalt  }
0x61: {  	_ =	shalt  }
0x62: {  	_ =	shalt  }
0x63: {  	_ =	shalt  }
0x64: {  	_ =	shalt  }
0x65: {  	_ =	shalt  }
0x66: {  	_ =	shalt  }
0x67: {  	_ =	shalt  }
0x68: {  	_ =	shalt  }
0x69: {  	_ =	shalt  }
0x6a: {  	_ =	shalt  }
0x6b: {  	_ =	shalt  }
0x6c: {  	_ =	shalt  }
0x6d: {  	_ =	shalt  }
0x6e: {  	_ =	shalt  }
0x6f: {  	_ =	shalt  }
0x70: {  	_ =	shalt  }
0x71: {  	_ =	shalt  }
0x72: {  	_ =	shalt  }
0x73: {  	_ =	shalt  }
0x74: {  	_ =	shalt  }
0x75: {  	_ =	shalt  }
0x76: {  	_ =	shalt  }
0x77: {  	_ =	shalt  }
0x78: {  	_ =	shalt  }
0x79: {  	_ =	shalt  }
0x7a: {  	_ =	shalt  }
0x7b: {  	_ =	shalt  }
0x7c: {  	_ =	shalt  }
0x7d: {  	_ =	shalt  }
0x7e: {  	_ =	shalt  }
0x7f: {  	_ =	shalt  }
0x80: {  	_ =	shalt  }
0x81: {  	_ =	shalt  }
0x82: {  	_ =	shalt  }
0x83: {  	_ =	shalt  }
0x84: {  	_ =	shalt  }
0x85: {  	_ =	shalt  }
0x86: {  	_ =	shalt  }
0x87: {  	_ =	shalt  }
.Lfunc_end0:
.L_simem_size_0:
called_computation.4_lowered:
.L_overlay_start_0:
0x88: {  	s2 =	sld [smem:$0x3FD9]  }
0x89: {  	s3 =	sld [smem:$0x3FFE];
	_ =	sdelay $0x1  }
0x8a: {  	s1 =	srdreg.scid  }
0x8b: {  	s0 =	sand.u32 $0x1, s1  }
0x8c: {  	s16 =	sshll.u32 s0, $0xA;
	s2 =	sadd.s32 s3, s2  }
0x8d: {  	s2 =	sadd.s32 s2, s16  }
0x8e: {  	[smem:$0x3FBE] =	sst s2  }
0x8f: {  	_ = 	snop  }
0x90: {  	(tm) =	ssettm $0x1  }
0x91: {  	s17 =	sld [smem:$0x3FFB];
	_ =	sdelay $0x3  }
0x92: {  	_ =	strace s17  }
0x93: {  	s2 =	sld [smem:$0x3FFC];
	_ =	sdelay $0x3  }
0x94: {  	_ =	strace s2  }
0x95: {  	s2 =	sld [smem:$0x3FFD];
	_ =	sdelay $0x3  }
0x96: {  	_ =	strace s2  }
0x97: {  	_ =	strace $0x8FFFFFFF  }
0x98: {  	s18 =	sld [smem:$0x3FDB];
	_ =	sdelay $0x1  }
0x99: {  	s19 =	simm.s32 $_scs_section_size  }
0x9a: {  	s4 =	simm.s32 $_size__tile_overlayer_lowered;
	s5 =	simm.s32 $_tile_overlayer_lowered  }
0x9b: {  	s22 =	simm.s32 $0x1BFF;
	s21 =	sshll.u32 s5, $0x1;
	s2 =	sadd.s32 s19, s18  }
0x9c: {  	s6 =	simm.s32 $0x0;
	s20 =	sshll.u32 s4, $0x1;
	s4 =	sadd.s32 s21, s2  }
0x9d: {  	[timem:s6], [sflag:s22] =	dma.local [hbm:s4], s20  }
0x9e: {  	_ =	swait.ge [sflag:s22], s20  }
0x9f: {  	s3 =	ssub.s32 $0x0, s20;
	[sflag:s22] =	ssyncset.done $0x0  }
0xa0: {  	[sflag:s22] =	ssyncadd.s32 s3;
	_ =	sdelay $0x1  }
0xa1: {  	s23 =	simm.s32 $0x1B8B  }
0xa2: {  	_ =	swait.ge [sflag:s23], $0x1  }
0xa3: {  	[sflag:s23] =	ssyncset.done $0x0  }
0xa4: {  	s25 =	simm.s32 $0x1B8E;
	s24 =	sld [smem:$0x3FFE];
	[sflag:s23] =	ssyncadd.s32 $0xFFFFFFFF  }
0xa5: {  	s26 =	simm.s32 $execute0_lowered;
	[smem:$0x3FD2] =	sst s25  }
0xa6: {  	s4 =	sshll.u32 s26, $0x1;
	_ =	strace $0x80000052;
	[dreg:$0x1] =	wrdreg $0xFFFFFFFF  }
0xa7: {  	s28 =	simm.s32 $_size_execute0_lowered;
	s2 =	sadd.s32 s2, s4;
	[dreg:$0x0] =	wrdreg $0x0  }
0xa8: {  	s4 =	sshll.u32 s28, $0x1;
	[dreg:$0x2] =	wrdreg s2  }
0xa9: {  	[dreg:$0x3] =	wrdreg s4  }
0xaa: {  	[dreg:$0x4] =	wrdreg $0xC0  }
0xab: {  	_ =	task [dreg:s6], $0x5FFFF  }
0xac: {  	[dreg:$0x1] =	wrdreg $0xFFFFFFFF  }
0xad: {  	[dreg:$0x0] =	wrdreg $0x60  }
0xae: {  	[dreg:$0x2] =	wrdreg s24  }
0xaf: {  	[dreg:$0x3] =	wrdreg $0xA9000  }
0xb0: {  	[dreg:$0x4] =	wrdreg $0x9  }
0xb1: {  	_ =	task.clear_ibuf [dreg:s6], $0x5FFFF;
	_ =	strace $0x90000052  }
0xb2: {  	s29 =	simm.s32 $0x9;
	_ =	strace $0x80000054  }
0xb3: {  	_ =	swait.ge [sflag:s29], $0x1  }
0xb4: {  	[sflag:s29] =	ssyncadd.s32 $0xFFFFFFFF  }
0xb5: {  	_ =	strace $0x90000054  }
0xb6: {  	_ =	sfence  }
0xb7: {  	s30 =	sld [smem:$0x0];
	_ =	sdelay $0x2  }
0xb8: {  	s31 =	sshll.u32 s1, $0xD;
	s1 =	sshrl.u32 s1, $0x2  }
0xb9: {  	s3 =	sand.u32 $0x4000, s31;
	s1 =	sadd.s32 s1, s30  }
0xba: {  	s0 =	sor.u32 s3, s0;
	s1 =	sshll.u32 s1, $0x11  }
0xbb: {  	s0 =	sor.u32 s1, s0  }
0xbc: {  	s0 =	sadd.s32 $0x8F2B, s0  }
0xbd: {  	[sflag:s0] =	ssyncadd.remote.s32 $0x1  }
0xbe: {  	_ =	sfence.sel $0xFFFF  }
0xbf: {  	[dreg:$0x0] =	wrdreg $0xFFFFFFFF;
	(pc) =	sbr.abs _section_cstart, $3  }
0xc0: {  	[dreg:$0x1] =	wrdreg $0xFFFFFFFF  }
0xc1: {  	_ =	task.clear_ibuf [dreg:s6], $0x2FFFF;
	_ =	strace $0x9FFFFFFF  }
0xc2: {  	(tm) =	ssettm $0x7FFFFFFF  }
0xc3: {  	_ =	shalt  }
tec
execute0_lowered:
.L_overlay_start_1:
0x0: {  	(tag) =	ssettag $0x1  }
0x1: {  	s6 =	rddreg [dreg:$0x0]  }
0x2: {  	s2 =	rddreg [dreg:$0x1]  }
0x3: {  	s0 =	rddreg [dreg:$0x2]  }
0x4: {  	s1 =	stileid.u32;
	s3 =	simm.s32 $0x0;
	s4 =	srdreg.scid  }
0x5: {  	s18 =	simm.s32 $0x6900;
	s19 =	simm.s32 $0x1;
	s20 =	simm.s32 $0x2  }
0x6: {  	s21 =	simm.s32 $0x2800;
	s22 =	simm.s32 $0x2880;
	s7 =	smul.u32 $0x14000, s1  }
0x7: {  	s23 =	simm.s32 $0x0;
	[smem:$0x7FF] =	sst s3;
	s25 =	smul.u32 $0x50000, s1  }
0x8: {  	s10 =	sand.u32 $0x1, s4;
	s4 =	sadd.s32 $0x67A00, s6;
	s30 =	smul.u32 $0xA00, s1  }
0x9: {  	s5 =	sadd.s32 $0x3A00, s6;
	s11 =	sshll.u32 s1, $0x1;
	s9 =	smul.u32 $0x140000, s10  }
0xa: {  	s29 =	sshll.u32 s1, $0x6;
	s11 =	sor.u32 s10, s11;
	s17 =	smul.u32 $0x500, s10  }
0xb: {  	_ =	strace $0x80000053;
	s12 =	ssub.s32 $0x2, s10;
	s14 =	smul.u32 $0x2800, s11  }
0xc: {  	s8 =	sshrl.u32 s7, $0x3;
	s13 =	sshrl.u32 s12, $0x1;
	s28 =	smul.u32 $0x500, s11  }
0xd: {  	s8 =	sadd.s32 s8, s6;
	s7 =	sadd.s32 s7, s9;
	s9 =	sshrl.u32 s25, $0x2  }
0xe: {  	s12 =	ssub.s32 s12, s13;
	s13 =	sadd.s32 s17, s30;
	s17 =	simm.s32 $0x2900  }
0xf: {  	s7 =	sshrl.u32 s7, $0x3;
	s16 =	sadd.s32 s9, s2;
	s26 =	sshrl.u32 s14, $0x3  }
0x10: {  	s11 =	smax.u32 s12, $0x1;
	s31 =	sadd.s32 s28, s5;
	s15 =	sadd.s32 s7, s6  }
0x11: {  	s6 =	sadd.s32 $0x8FA00, s8;
	s7 =	sadd.s32 s5, s26;
	s8 =	sor.u32 $0x1C03, s29  }
0x12: {  	s12 =	sadd.s32 $0x4F0, s31;
	s14 =	sshrl.u32 s16, $0x3;
	s16 =	simm.s32 $0x80  }
0x13: {  	s9 =	sadd.s32 $0xA000, s7;
	s10 =	sadd.s32 $0xB7A00, s15;
	s15 =	simm.s32 $0x3  }
.LBB2_1:
0x14: {  	[spmem:s14], [sflag:s8] =	dma.local [hbm:s6], $0x2800  }
0x15: {  	_ =	swait.ge [sflag:s15], $0x2800  }
0x16: {  	[sflag:s15] =	ssyncset.done $0x0  }
0x17: {  	s24 =	simm.s32 $0x100;
	[sflag:s15] =	ssyncadd.s32 $0xFFFFD800  }
0x18: {  	[tilespmem:s24], [sflag:$0x3] =	stream.linear.gather [hbm4b:s9+s3], $0x2800, $0x38;
	[tilespmem:$0x1E900] =	vst v63  }
0x19: {  	_ =	swait.ge [sflag:s15], $0x2800  }
0x1a: {  	[sflag:s15] =	ssyncset.done $0x0  }
0x1b: {  	[sflag:s15] =	ssyncadd.s32 $0xFFFFD800  }
0x1c: {  	[bflag:$0x0] =	sbarrier.arrive $0xFFFF  }
0x1d: {  	[tilespmem:s3], [sflag:$0x3] =	stream.linear.gather [hbm4b:s7+s3], $0x80, $0x38;
	[tilespmem:$0x1E900] =	vst v63  }
0x1e: {  	s25 =	sadd.s32 $0x20, s13;
	s26 =	simm.s32 $0x10;
	_ =	swait.ge [sflag:s15], $0x80  }
0x1f: {  	s28 =	sadd.s32 $0xFFFFFFE0, s25;
	s26 =	sand.u32 $0x70, s26;
	[sflag:s15] =	ssyncset.done $0x0  }
0x20: {  	s28 =	sand.u32 $0xFFFFF80, s28;
	s26 =	sadd.s32 s5, s26;
	[sflag:s15] =	ssyncadd.s32 $0xFFFFFF80  }
0x21: {  	[tilespmem:s17], [sflag:$0x1] =	stream.indirect.gather [hbm4b:s4+s16], $0x80, s3, s16, $0xb8;
	[tilespmem:$0x1E900] =	vst v63  }
0x22: {  	s26 =	sadd.s32 s28, s26  }
0x23: {  	[tilespmem:s16], [sflag:$0x3] =	stream.linear.gather [hbm4b:s26+s3], $0x80, $0x38;
	[tilespmem:$0x1E900] =	vst v63  }
0x24: {  	_ =	swait.ge [sflag:s15], $0x80  }
0x25: {  	[sflag:s15] =	ssyncset.done $0x0  }
0x26: {  	[sflag:s15] =	ssyncadd.s32 $0xFFFFFF80  }
0x27: {  	[tilespmem:s18], [sflag:$0x2] =	stream.indirect.gather [hbm4b:s4+s16], $0x80, s16, s16, $0xb8;
	[tilespmem:$0x1E900] =	vst v63  }
0x28: {  	_ =	swait.ge [sflag:s19], $0x4000  }
0x29: {  	[sflag:s19] =	ssyncset.done $0x0  }
0x2a: {  	s31 =	simm.s32 $0x20;
	[sflag:s19] =	ssyncadd.s32 $0xFFFFC000  }
0x2b: {  	[spmem:s2] =	stream.indirect.scatter.add.f32 [tilespmem:s17], [sflag:$0x3], $0x80, s24, s16, $0xb8;
	[tilespmem:$0x1E900] =	vst v63  }
0x2c: {  	s31 =	sand.u32 $0x60, s31;
	_ =	swait.ge [sflag:s15], $0x4000  }
0x2d: {  	s25 =	sand.u32 $0xFFFFF80, s25;
	s24 =	sadd.s32 s5, s31;
	[sflag:s15] =	ssyncset.done $0x0  }
0x2e: {  	s24 =	sadd.s32 s25, s24;
	[sflag:s15] =	ssyncadd.s32 $0xFFFFC000  }
0x2f: {  	[tilespmem:s3], [sflag:$0x3] =	stream.linear.gather [hbm4b:s24+s3], $0x80, $0x38;
	[tilespmem:$0x1E900] =	vst v63  }
0x30: {  	_ =	swait.ge [sflag:s15], $0x80  }
0x31: {  	[sflag:s15] =	ssyncset.done $0x0  }
0x32: {  	s30 =	simm.s32 $0x30;
	[sflag:s15] =	ssyncadd.s32 $0xFFFFFF80  }
0x33: {  	[tilespmem:s17], [sflag:$0x1] =	stream.indirect.gather [hbm4b:s4+s16], $0x80, s3, s16, $0xb8;
	[tilespmem:$0x1E900] =	vst v63  }
0x34: {  	s30 =	sand.u32 $0x70, s30;
	_ =	swait.ge [sflag:s20], $0x4000  }
0x35: {  	s29 =	simm.s32 $0x180;
	s30 =	sadd.s32 s5, s30;
	[sflag:s20] =	ssyncset.done $0x0  }
0x36: {  	s28 =	sadd.s32 $0x40, s13;
	s26 =	simm.s32 $0x60;
	[sflag:s20] =	ssyncadd.s32 $0xFFFFC000  }
0x37: {  	[spmem:s2] =	stream.indirect.scatter.add.f32 [tilespmem:s18], [sflag:$0x3], $0x80, s29, s16, $0xb8;
	[tilespmem:$0x1E900] =	vst v63  }
0x38: {  	s25 =	simm.s32 $0x40;
	s29 =	sadd.s32 $0xFFFFFFE0, s28;
	_ =	swait.ge [sflag:s15], $0x4000  }
0x39: {  	s24 =	simm.s32 $0x200;
	s29 =	sand.u32 $0xFFFFF80, s29;
	[sflag:s15] =	ssyncset.done $0x0  }
.LBB2_2:
0x3a: {  	s29 =	sadd.s32 s29, s30;
	s28 =	sand.u32 $0xFFFFF80, s28  }
0x3b: {  	[sflag:s15] =	ssyncadd.s32 $0xFFFFC000;
	s30 =	smov.u32 s26;
	s31 =	smov.u32 s24  }
0x3c: {  	[tilespmem:s16], [sflag:$0x3] =	stream.linear.gather [hbm4b:s29+s3], $0x80, $0x38;
	[tilespmem:$0x1E900] =	vst v63  }
0x3d: {  	p0 =	sne.s32 s26, $0x4E0;
	s26 =	sadd.s32 $0x20, s26;
	_ =	swait.ge [sflag:s15], $0x80  }
0x3e: {  	[sflag:s15] =	ssyncset.done $0x0  }
0x3f: {  	[sflag:s15] =	ssyncadd.s32 $0xFFFFFF80  }
0x40: {  	[tilespmem:s18], [sflag:$0x2] =	stream.indirect.gather [hbm4b:s4+s16], $0x80, s16, s16, $0xb8;
	[tilespmem:$0x1E900] =	vst v63  }
0x41: {  	_ =	swait.ge [sflag:s19], $0x4000  }
0x42: {  	[sflag:s19] =	ssyncset.done $0x0  }
0x43: {  	[sflag:s19] =	ssyncadd.s32 $0xFFFFC000  }
0x44: {  	[spmem:s2] =	stream.indirect.scatter.add.f32 [tilespmem:s17], [sflag:$0x3], $0x80, s24, s16, $0xb8;
	[tilespmem:$0x1E900] =	vst v63  }
0x45: {  	s29 =	sand.u32 $0x60, s25;
	s25 =	smov.u32 s30;
	_ =	swait.ge [sflag:s15], $0x4000  }
0x46: {  	s29 =	sadd.s32 s5, s29;
	[sflag:s15] =	ssyncset.done $0x0  }
0x47: {  	s28 =	sadd.s32 s28, s29;
	[sflag:s15] =	ssyncadd.s32 $0xFFFFC000  }
0x48: {  	[tilespmem:s3], [sflag:$0x3] =	stream.linear.gather [hbm4b:s28+s3], $0x80, $0x38;
	[tilespmem:$0x1E900] =	vst v63  }
0x49: {  	_ =	swait.ge [sflag:s15], $0x80  }
0x4a: {  	[sflag:s15] =	ssyncset.done $0x0  }
0x4b: {  	[sflag:s15] =	ssyncadd.s32 $0xFFFFFF80  }
0x4c: {  	[tilespmem:s17], [sflag:$0x1] =	stream.indirect.gather [hbm4b:s4+s16], $0x80, s3, s16, $0xb8;
	[tilespmem:$0x1E900] =	vst v63  }
0x4d: {  	s24 =	sadd.s32 $0x100, s24;
	_ =	swait.ge [sflag:s20], $0x4000  }
.Ltmp0:
0x4e: {  	s29 =	sadd.s32 $0x80, s31;
	[sflag:s20] =	ssyncset.done $0x0;
	(pc) =	sbr.rel @p0 .LBB2_2-.Ltmp0, $4  }
0x4f: {  	s30 =	sadd.s32 $0xFFFFFFF0, s25;
	s28 =	sadd.s32 s25, s13;
	[sflag:s20] =	ssyncadd.s32 $0xFFFFC000  }
0x50: {  	[spmem:s2] =	stream.indirect.scatter.add.f32 [tilespmem:s18], [sflag:$0x3], $0x80, s29, s16, $0xb8;
	[tilespmem:$0x1E900] =	vst v63  }
0x51: {  	s30 =	sand.u32 $0x70, s30;
	s29 =	sadd.s32 $0xFFFFFFE0, s28;
	_ =	swait.ge [sflag:s15], $0x4000  }
0x52: {  	s30 =	sadd.s32 s5, s30;
	s29 =	sand.u32 $0xFFFFF80, s29;
	[sflag:s15] =	ssyncset.done $0x0  }
0x53: {  	s26 =	sadd.s32 s29, s30;
	[sflag:s15] =	ssyncadd.s32 $0xFFFFC000  }
0x54: {  	[tilespmem:s16], [sflag:$0x3] =	stream.linear.gather [hbm4b:s26+s3], $0x80, $0x38;
	[tilespmem:$0x1E900] =	vst v63  }
0x55: {  	_ =	swait.ge [sflag:s15], $0x80  }
0x56: {  	[sflag:s15] =	ssyncset.done $0x0  }
0x57: {  	[sflag:s15] =	ssyncadd.s32 $0xFFFFFF80  }
0x58: {  	[tilespmem:s18], [sflag:$0x2] =	stream.indirect.gather [hbm4b:s4+s16], $0x80, s16, s16, $0xb8;
	[tilespmem:$0x1E900] =	vst v63  }
0x59: {  	_ =	swait.ge [sflag:s19], $0x4000  }
0x5a: {  	[sflag:s19] =	ssyncset.done $0x0  }
0x5b: {  	[sflag:s19] =	ssyncadd.s32 $0xFFFFC000  }
0x5c: {  	[spmem:s2] =	stream.indirect.scatter.add.f32 [tilespmem:s17], [sflag:$0x3], $0x80, s24, s16, $0xb8;
	[tilespmem:$0x1E900] =	vst v63  }
0x5d: {  	s25 =	sand.u32 $0x60, s25;
	_ =	swait.ge [sflag:s15], $0x4000  }
0x5e: {  	s30 =	sand.u32 $0xFFFFF80, s28;
	s25 =	sadd.s32 s5, s25;
	[sflag:s15] =	ssyncset.done $0x0  }
0x5f: {  	s25 =	sadd.s32 s30, s25;
	[sflag:s15] =	ssyncadd.s32 $0xFFFFC000  }
0x60: {  	[tilespmem:s3], [sflag:$0x3] =	stream.linear.gather [hbm4b:s25+s3], $0x80, $0x38;
	[tilespmem:$0x1E900] =	vst v63  }
0x61: {  	_ =	swait.ge [sflag:s15], $0x80  }
0x62: {  	[sflag:s15] =	ssyncset.done $0x0  }
0x63: {  	[sflag:s15] =	ssyncadd.s32 $0xFFFFFF80  }
0x64: {  	[tilespmem:s17], [sflag:$0x1] =	stream.indirect.gather [hbm4b:s4+s16], $0x80, s3, s16, $0xb8;
	[tilespmem:$0x1E900] =	vst v63  }
0x65: {  	_ =	swait.ge [sflag:s20], $0x4000  }
0x66: {  	[sflag:s20] =	ssyncset.done $0x0  }
0x67: {  	s31 =	sadd.s32 $0x80, s24;
	[sflag:s20] =	ssyncadd.s32 $0xFFFFC000  }
0x68: {  	[spmem:s2] =	stream.indirect.scatter.add.f32 [tilespmem:s18], [sflag:$0x3], $0x80, s31, s16, $0xb8;
	[tilespmem:$0x1E900] =	vst v63  }
0x69: {  	_ =	swait.ge [sflag:s15], $0x4000  }
0x6a: {  	[sflag:s15] =	ssyncset.done $0x0  }
0x6b: {  	[sflag:s15] =	ssyncadd.s32 $0xFFFFC000  }
0x6c: {  	[tilespmem:s16], [sflag:$0x3] =	stream.linear.gather [hbm4b:s12+s3], $0x80, $0x38;
	[tilespmem:$0x1E900] =	vst v63  }
0x6d: {  	_ =	swait.ge [sflag:s15], $0x80  }
0x6e: {  	[sflag:s15] =	ssyncset.done $0x0  }
0x6f: {  	[sflag:s15] =	ssyncadd.s32 $0xFFFFFF80  }
0x70: {  	[tilespmem:s18], [sflag:$0x2] =	stream.indirect.gather [hbm4b:s4+s16], $0x80, s16, s16, $0xb8;
	[tilespmem:$0x1E900] =	vst v63  }
0x71: {  	_ =	swait.ge [sflag:s19], $0x4000  }
0x72: {  	[sflag:s19] =	ssyncset.done $0x0  }
0x73: {  	[sflag:s19] =	ssyncadd.s32 $0xFFFFC000  }
0x74: {  	[spmem:s2] =	stream.indirect.scatter.add.f32 [tilespmem:s17], [sflag:$0x3], $0x80, s21, s16, $0xb8;
	[tilespmem:$0x1E900] =	vst v63  }
0x75: {  	_ =	swait.ge [sflag:s15], $0x4000  }
0x76: {  	[sflag:s15] =	ssyncset.done $0x0  }
0x77: {  	[sflag:s15] =	ssyncadd.s32 $0xFFFFC000  }
0x78: {  	_ =	swait.ge [sflag:s20], $0x4000  }
0x79: {  	[sflag:s20] =	ssyncset.done $0x0  }
0x7a: {  	[sflag:s20] =	ssyncadd.s32 $0xFFFFC000  }
0x7b: {  	[spmem:s2] =	stream.indirect.scatter.add.f32 [tilespmem:s18], [sflag:$0x3], $0x80, s22, s16, $0xb8;
	[tilespmem:$0x1E900] =	vst v63  }
0x7c: {  	_ =	swait.ge [sflag:s15], $0x4000  }
0x7d: {  	s23 =	sadd.s32 $0x1, s23;
	[sflag:s15] =	ssyncset.done $0x0  }
0x7e: {  	p0 =	sne.s32 s23, s11;
	[sflag:s15] =	ssyncadd.s32 $0xFFFFC000  }
.Ltmp1:
0x7f: {  	[bflag:$0x0] =	sbarrier.arrive $0xFFFF;
	(pc) =	sbr.rel @p0 .LBB2_1-.Ltmp1, $4  }
0x80: {  	[hbm:s10], [sflag:s8] =	dma.local [spmem:s14], $0x2800  }
0x81: {  	_ =	swait.ge [sflag:s15], $0x2800  }
0x82: {  	[sflag:s15] =	ssyncset.done $0x0  }
0x83: {  	[sflag:s15] =	ssyncadd.s32 $0xFFFFD800  }
0x84: {  	_ =	sfence.sel $0x180000  }
0x85: {  	[bflag:$0x0] =	sbarrier.arrive $0xFFFF  }
0x86: {  	p0 =	sne.s32 s1, $0x0;
	_ =	strace $0x90000053  }
0x87: {  	s0 =	sadd.s32 @!p0 $0x100000, s0;
	[bflag:$0x2] =	sbarrier.arrive $0xFFFF  }
0x88: {  	[sflag:s0] =	ssyncadd.tile.s32 @!p0 $0x1;
	_ =	shalt  }
.Lfunc_end2:
_tile_overlayer_lowered:
.L_overlay_start_2:
0x89: {  	(tag) =	ssettag $0x2  }
0x8a: {  	s0 =	rddreg [dreg:$0x0];
	s2 =	stileid.u32  }
0x8b: {  	s1 =	rddreg [dreg:$0x1];
	p0 =	sne.s32 s2, $0x0  }
0x8c: {  	s3 =	rddreg [dreg:$0x2];
	[bflag:$0x3] =	sbarrier.arrive $0xFFFF;
	s2 =	simm.s32 @!p0 $0x1C03  }
0x8d: {  	[timem:s3], [sflag:s2] =	dma.local @!p0 [hbm:s0], s1  }
0x8e: {  	s0 =	simm.s32 @!p0 $0x3  }
0x8f: {  	_ =	swait.ge @!p0 [sflag:s0], s1  }
0x90: {  	s1 =	ssub.s32 @!p0 $0x0, s1;
	[sflag:s0] =	ssyncset.done @!p0 $0x0  }
0x91: {  	[sflag:s0] =	ssyncadd.s32 @!p0 s1  }
0x92: {  	[bflag:$0x3] =	sbarrier.arrive $0xFFFF  }
0x93: {  	_ =	shalt  }

</sc_bundles>
